<compile_context>
chip_gen: v7x
topology: tpu7x:2x2x1
jax: 0.10.2.dev20260603
libtpu: 0.0.44.dev20260713+nightly
codegen_flags: <defaults>
</compile_context>

<pallas_src>
import jax
import jax.numpy as jnp
from jax import lax
from jax.experimental import pallas as pl
from jax.experimental.pallas import tpu as pltpu
from jax.experimental.pallas import tpu_sc as plsc

N = 10000
D = 128
E = 320000
P = 16
OUT = 128

NW = 32
BE = 2560
PIECES = [13, 28, 28, 28, 28]
CHUNK = 80
NB_PREP = 10



def _prep_body(x_ref, wcat_ref, bcat_ref, wh1_ref, wh2_ref,
               t1_ref, t2_ref):
    xb = x_ref[...]
    z = jnp.maximum(
        jnp.dot(xb, wcat_ref[...], preferred_element_type=jnp.float32)
        + bcat_ref[...], 0.0)
    h1 = jnp.dot(z, wh1_ref[...], preferred_element_type=jnp.float32)
    h2 = jnp.dot(z, wh2_ref[...], preferred_element_type=jnp.float32)
    z4 = jnp.sqrt(z[:, 48:64])
    rb = z.shape[0]

    def pk(a):
        half = a.shape[1] // 2
        lo = lax.bitcast_convert_type(
            a[:, :half].astype(jnp.bfloat16), jnp.uint16).astype(jnp.uint32)
        hi = lax.bitcast_convert_type(
            a[:, half:].astype(jnp.bfloat16), jnp.uint16).astype(jnp.uint32)
        return lax.bitcast_convert_type(lo | (hi << 16), jnp.int32)

    n2 = jnp.sum(xb * xb, axis=1, keepdims=True)
    xh = xb / jnp.maximum(jnp.sqrt(n2), 1e-8)
    xq = lax.bitcast_convert_type(
        xh.astype(jnp.float8_e4m3fn), jnp.uint8).astype(jnp.uint32)
    xw = lax.bitcast_convert_type(
        xq[:, 0:32] | (xq[:, 32:64] << 8) | (xq[:, 64:96] << 16)
        | (xq[:, 96:128] << 24), jnp.int32)
    pad = jnp.zeros((rb, 24), jnp.int32)
    t1_ref[...] = jnp.concatenate([pk(h1), pk(z4), xw, pad], axis=1)
    t2_ref[...] = jnp.concatenate([pk(h2), pk(z4), xw, pad], axis=1)


def _prep_call(x, wcat, bcat, wh1, wh2):
    rb = N // NB_PREP
    return pl.pallas_call(
        _prep_body,
        grid=(NB_PREP,),
        in_specs=[
            pl.BlockSpec((rb, D), lambda i: (i, 0)),
            pl.BlockSpec((D, 64), lambda i: (0, 0)),
            pl.BlockSpec((1, 64), lambda i: (0, 0)),
            pl.BlockSpec((64, OUT), lambda i: (0, 0)),
            pl.BlockSpec((64, OUT), lambda i: (0, 0)),
        ],
        out_specs=[
            pl.BlockSpec((rb, D), lambda i: (i, 0)),
            pl.BlockSpec((rb, D), lambda i: (i, 0)),
        ],
        out_shape=[
            jax.ShapeDtypeStruct((N, D), jnp.int32),
            jax.ShapeDtypeStruct((N, D), jnp.int32),
        ],
    )(x, wcat, bcat, wh1, wh2)



def _sc_call(t1, t2, rowv, colv):
    ne = rowv.shape[0]
    epw = ne // NW

    def body(t1, t2, rowv, colv, ga, gb, idxr, idxc, bufa, bufb, sem):
        cid = lax.axis_index("c")
        sid = lax.axis_index("s")
        wid = sid * 2 + cid
        base0 = wid * epw

        def chunk_body(ci, carry):
            base = base0 + ci * CHUNK
            pltpu.sync_copy(rowv.at[pl.ds(base, CHUNK)], idxr)
            pltpu.sync_copy(colv.at[pl.ds(base, CHUNK)], idxc)
            d1 = pltpu.async_copy(t1.at[idxr], bufa, sem)
            d2 = pltpu.async_copy(t2.at[idxc], bufb, sem)
            d1.wait()
            d2.wait()
            pltpu.sync_copy(bufa, ga.at[pl.ds(base, CHUNK)])
            pltpu.sync_copy(bufb, gb.at[pl.ds(base, CHUNK)])
            return carry

        lax.fori_loop(0, epw // CHUNK, chunk_body, 0)

    mesh = plsc.VectorSubcoreMesh(core_axis_name="c", subcore_axis_name="s")
    fn = pl.kernel(
        body,
        out_type=[
            jax.ShapeDtypeStruct((ne, D), jnp.int32),
            jax.ShapeDtypeStruct((ne, D), jnp.int32),
        ],
        mesh=mesh,
        scratch_types=[
            pltpu.VMEM((CHUNK,), jnp.int32),
            pltpu.VMEM((CHUNK,), jnp.int32),
            pltpu.VMEM((CHUNK, D), jnp.int32),
            pltpu.VMEM((CHUNK, D), jnp.int32),
            pltpu.SemaphoreType.DMA,
        ],
    )
    return fn(t1, t2, rowv, colv)



def _lo(w):
    return lax.bitcast_convert_type(lax.shift_left(w, 16), jnp.float32)


def _hi(w):
    return lax.bitcast_convert_type(w & jnp.int32(-65536), jnp.float32)


def _f8(w, k):
    b = lax.shift_right_logical(w, 8 * k) & jnp.int32(0xFF)
    return lax.bitcast_convert_type(
        b.astype(jnp.uint8), jnp.float8_e4m3fn).astype(jnp.float32)


def _final_body(prev_ref, ga_ref, gb_ref, eat_ref,
                dw_ref, fw_ref, wfs_ref, bf_ref, out_ref):
    del prev_ref
    ga = ga_ref[...]
    gb = gb_ref[...]
    dw = dw_ref[...]
    fw = fw_ref[...]
    wfs = wfs_ref[...]
    bf = bf_ref[...]
    eat = eat_ref[...]
    gaz = ga[:, 64:72]
    gbz = gb[:, 64:72]
    q_lo = _lo(gaz) * _lo(gbz)
    q_hi = _hi(gaz) * _hi(gbz)
    gax = ga[:, 72:104]
    gbx = gb[:, 72:104]
    prods = [_f8(gax, k) * _f8(gbx, k) for k in range(4)]
    psum = (prods[0] + prods[1]) + (prods[2] + prods[3])
    for half, sl in ((0, slice(0, 64)), (1, slice(64, 128))):
        ext = _lo if half == 0 else _hi
        acc = ext(ga[:, 0:64]) + ext(gb[:, 0:64]) + bf[:, sl]
        acc = acc + jnp.dot(q_lo, dw[0:8, sl],
                            preferred_element_type=jnp.float32)
        acc = acc + jnp.dot(q_hi, dw[8:16, sl],
                            preferred_element_type=jnp.float32)
        acc = acc + lax.dot_general(eat, fw[:, sl], (((0,), (0,)), ((), ())),
                                    preferred_element_type=jnp.float32)
        wcos = jnp.broadcast_to(wfs[:, sl], (32, 64))
        acc = acc + jnp.dot(psum, wcos, preferred_element_type=jnp.float32)
        out_ref[:, sl] = jnp.maximum(acc, 0.0)


def _final_call(prev, ga, gb, eat, dw, fw, wfs, bfv, blk0):
    nbh = ga.shape[0] // BE
    body = _final_body if prev is not None else (
        lambda *refs: _final_body(None, *refs))
    in_specs = [
        pl.BlockSpec((BE, D), lambda i: (i, 0)),
        pl.BlockSpec((BE, D), lambda i: (i, 0)),
        pl.BlockSpec((P, BE), lambda i, _b=blk0: (0, i + _b)),
        pl.BlockSpec((P, OUT), lambda i: (0, 0)),
        pl.BlockSpec((P, OUT), lambda i: (0, 0)),
        pl.BlockSpec((1, OUT), lambda i: (0, 0)),
        pl.BlockSpec((1, OUT), lambda i: (0, 0)),
    ]
    args = (ga, gb, eat, dw, fw, wfs, bfv)
    aliases = {}
    if prev is not None:
        in_specs = [pl.BlockSpec((8, OUT), lambda i: (0, 0))] + in_specs
        args = (prev,) + args
        aliases = {0: 0}
    return pl.pallas_call(
        body,
        grid=(nbh,),
        in_specs=in_specs,
        out_specs=pl.BlockSpec((BE, OUT),
                               lambda i, _b=blk0: (i + _b, 0)),
        out_shape=jax.ShapeDtypeStruct((E, OUT), jnp.float32),
        input_output_aliases=aliases,
    )(*args)



def kernel(x, edge_index, edge_attr, W1, b1, W2, b2, W3, b3, W4, b4, Wf, bf):
    row = edge_index[0].astype(jnp.int32)
    col = edge_index[1].astype(jnp.int32)
    eat = edge_attr.T
    wcat = jnp.concatenate([W1, W2, W3, W4], axis=1)
    bcat = jnp.concatenate([b1, b2, b3, b4]).reshape(1, 4 * P)
    A = Wf[0:P]
    Bw = Wf[P:2 * P]
    Cw = Wf[2 * P:3 * P]
    Dw = Wf[3 * P:4 * P]
    wfs = Wf[4 * P:4 * P + 1]
    Fw = Wf[4 * P + 1:]
    wh1 = jnp.zeros((4 * P, OUT), jnp.float32).at[0:P].set(A).at[2 * P:3 * P].set(Cw)
    wh2 = jnp.zeros((4 * P, OUT), jnp.float32).at[P:2 * P].set(Bw).at[2 * P:3 * P].set(-Cw)
    t1, t2 = _prep_call(x, wcat, bcat, wh1, wh2)
    bfv = bf.reshape(1, OUT)
    parts = []
    blk0 = 0
    starts = []
    for m in PIECES:
        starts.append(blk0)
        sl = slice(blk0 * BE, (blk0 + m) * BE)
        parts.append(_sc_call(t1, t2, row[sl], col[sl]))
        blk0 += m
    out = None
    for (ga, gb), b0 in zip(parts, starts):
        out = _final_call(out, ga, gb, eat, Dw, Fw, wfs, bfv, b0)
    return out

# --- scband reference (transcript-rebuilt; emitter-appended) ---
"""Pipeline reference for scband-edge-attrs-75453985456536 (READ-ONLY COPY).

The authoritative reference and input builder live on the scoring server;
editing this copy changes nothing except your own understanding.
"""

import jax, jax.numpy as jnp
import numpy as np

N, D, E, P, OUT = 10000, 128, 320000, 16, 128
HID = 1 + 4 * P + P  # 81


def _xn(key, fan_in, fan_out):
    # xavier_normal with relu gain sqrt(2)
    std = 1.41421356237 * (2.0 / (fan_in + fan_out)) ** 0.5
    return jax.random.normal(key, (fan_in, fan_out), dtype=jnp.float32) * std


def setup_inputs(seed: int = 0) -> dict:
    key = jax.random.key(seed)
    ks = jax.random.split(key, 16)
    x = jax.random.normal(ks[0], (N, D), dtype=jnp.float32)
    edge_index = jax.random.randint(ks[1], (2, E), 0, N)
    edge_attr = jax.random.normal(ks[2], (E, P), dtype=jnp.float32)
    W1 = _xn(ks[3], D, P); b1 = jnp.zeros((P,), jnp.float32)
    W2 = _xn(ks[4], D, P); b2 = jnp.zeros((P,), jnp.float32)
    W3 = _xn(ks[5], D, P); b3 = jnp.zeros((P,), jnp.float32)
    W4 = _xn(ks[6], D, P); b4 = jnp.zeros((P,), jnp.float32)
    Wf = _xn(ks[7], HID, OUT); bf = jnp.zeros((OUT,), jnp.float32)
    return {"x": x, "edge_index": edge_index, "edge_attr": edge_attr,
            "W1": W1, "b1": b1, "W2": W2, "b2": b2, "W3": W3, "b3": b3,
            "W4": W4, "b4": b4, "Wf": Wf, "bf": bf}


def reference(x, edge_index, edge_attr, W1, b1, W2, b2, W3, b3, W4, b4, Wf, bf):
    z1 = jax.nn.relu(x @ W1 + b1)
    z2 = jax.nn.relu(x @ W2 + b2)
    z3 = jax.nn.relu(x @ W3 + b3)
    z4 = jax.nn.relu(x @ W4 + b4)
    row = edge_index[0]
    col = edge_index[1]
    y = jnp.concatenate([
        z1[row],
        z2[col],
        z3[row] - z3[col],
        (z4[row] * z4[col]) ** 0.5,
    ], axis=1)
    # cosine similarity along feature dim (torch nn.CosineSimilarity dim=1, eps=1e-8)
    xs = x[row]
    xd = x[col]
    num = jnp.sum(xs * xd, axis=1, keepdims=True)
    denom = jnp.maximum(
        jnp.linalg.norm(xs, axis=1, keepdims=True) * jnp.linalg.norm(xd, axis=1, keepdims=True),
        1e-8,
    )
    s = num / denom
    z = jnp.concatenate([y, s, edge_attr], axis=1)
    return jax.nn.relu(z @ Wf + bf)

if __name__ == "__main__":
    import jax
    _d = setup_inputs()
    print(jax.jit(kernel)(*tuple(_d.values())))

</pallas_src>

<mosaic_0001>
#map = affine_map<(d0, d1) -> (0, 0)>
#map1 = affine_map<(d0, d1) -> (0)>
module attributes {stable_mosaic.version = 14 : i64} {
  func.func @body(%arg0: i32, %arg1: i32, %arg2: memref<10000x128xi32, #tpu.memory_space<hbm>>, %arg3: memref<10000x128xi32, #tpu.memory_space<hbm>>, %arg4: memref<71680xi32, #tpu.memory_space<hbm>>, %arg5: memref<71680xi32, #tpu.memory_space<hbm>>, %arg6: memref<71680x128xi32, #tpu.memory_space<hbm>>, %arg7: memref<71680x128xi32, #tpu.memory_space<hbm>>, %arg8: memref<80xi32, #tpu.memory_space<vmem>>, %arg9: memref<80xi32, #tpu.memory_space<vmem>>, %arg10: memref<80x128xi32, #tpu.memory_space<vmem>>, %arg11: memref<80x128xi32, #tpu.memory_space<vmem>>, %arg12: memref<!tpu.dma_semaphore, #tpu.memory_space<semaphore_mem>>) attributes {dimension_semantics = [#tpu.dimension_semantics<core_parallel>, #tpu.dimension_semantics<subcore_parallel>], iteration_bounds = array<i64: 2, 16>, scalar_prefetch = 0 : i64, scratch_operands = 5 : i64, tpu.core_type = #tpu.core_type<sc_vector_subcore>, window_params = [{transform_indices = #map}, {transform_indices = #map}, {transform_indices = #map1}, {transform_indices = #map1}, {transform_indices = #map}, {transform_indices = #map}]} {
    %mul3A = arith.constant 2 : i32
    %mul3A_0 = arith.muli %arg1, %mul3A : i32
    %add3A = arith.addi %mul3A_0, %arg0 : i32
    %mul3A_1 = arith.constant 2240 : i32
    %mul3A_2 = arith.muli %add3A, %mul3A_1 : i32
    %scan3A = arith.constant 0 : i32
    %scan3A_3 = arith.constant 0 : i32
    %scan3A_4 = arith.constant 28 : i32
    %scan3A_5 = arith.addi %scan3A_3, %scan3A_4 : i32
    %scan3A_6 = arith.constant 1 : i32
    scf.for %scan3A_8 = %scan3A_3 to %scan3A_5 step %scan3A_6  : i32 {
      %mul3A_9 = arith.constant 80 : i32
      %mul3A_10 = arith.muli %scan3A_8, %mul3A_9 : i32
      %add3A_11 = arith.addi %mul3A_2, %mul3A_10 : i32
      "tpu.region"() ({
        %run_scoped3A = tpu.sem_alloc : memref<!tpu.dma_semaphore, #tpu.memory_space<semaphore_mem>>
        %dma_start3A_22 = tpu.memref_slice %arg4[%add3A_11] : memref<71680xi32, #tpu.memory_space<hbm>> -> memref<80xi32, #tpu.memory_space<hbm>>
        %dma_start3A_23 = tpu.memref_slice %arg4[%add3A_11] : memref<71680xi32, #tpu.memory_space<hbm>> -> memref<80xi32, #tpu.memory_space<hbm>>
        tpu.enqueue_dma source(%dma_start3A_23 : memref<80xi32, #tpu.memory_space<hbm>>) target(%arg8 : memref<80xi32, #tpu.memory_space<vmem>>) target_semaphore(%run_scoped3A : memref<!tpu.dma_semaphore, #tpu.memory_space<semaphore_mem>>)
        %dma_wait3A_24 = tpu.memref_slice %arg4[%add3A_11] : memref<71680xi32, #tpu.memory_space<hbm>> -> memref<80xi32, #tpu.memory_space<hbm>>
        %dma_wait3A_25 = tpu.memref_slice %arg4[%add3A_11] : memref<71680xi32, #tpu.memory_space<hbm>> -> memref<80xi32, #tpu.memory_space<hbm>>
        tpu.wait_dma2 semaphore(%run_scoped3A : memref<!tpu.dma_semaphore, #tpu.memory_space<semaphore_mem>>) src(%dma_wait3A_25 : memref<80xi32, #tpu.memory_space<hbm>>) dst(%arg8 : memref<80xi32, #tpu.memory_space<vmem>>)
        tpu.yield
      }) : () -> ()
      "tpu.region"() ({
        %run_scoped3A = tpu.sem_alloc : memref<!tpu.dma_semaphore, #tpu.memory_space<semaphore_mem>>
        %dma_start3A_22 = tpu.memref_slice %arg5[%add3A_11] : memref<71680xi32, #tpu.memory_space<hbm>> -> memref<80xi32, #tpu.memory_space<hbm>>
        %dma_start3A_23 = tpu.memref_slice %arg5[%add3A_11] : memref<71680xi32, #tpu.memory_space<hbm>> -> memref<80xi32, #tpu.memory_space<hbm>>
        tpu.enqueue_dma source(%dma_start3A_23 : memref<80xi32, #tpu.memory_space<hbm>>) target(%arg9 : memref<80xi32, #tpu.memory_space<vmem>>) target_semaphore(%run_scoped3A : memref<!tpu.dma_semaphore, #tpu.memory_space<semaphore_mem>>)
        %dma_wait3A_24 = tpu.memref_slice %arg5[%add3A_11] : memref<71680xi32, #tpu.memory_space<hbm>> -> memref<80xi32, #tpu.memory_space<hbm>>
        %dma_wait3A_25 = tpu.memref_slice %arg5[%add3A_11] : memref<71680xi32, #tpu.memory_space<hbm>> -> memref<80xi32, #tpu.memory_space<hbm>>
        tpu.wait_dma2 semaphore(%run_scoped3A : memref<!tpu.dma_semaphore, #tpu.memory_space<semaphore_mem>>) src(%dma_wait3A_25 : memref<80xi32, #tpu.memory_space<hbm>>) dst(%arg9 : memref<80xi32, #tpu.memory_space<vmem>>)
        tpu.yield
      }) : () -> ()
      %dma_start3A = arith.constant 0 : i32
      %dma_start3A_12 = arith.constant 0 : i32
      %dma_start3A_13 = tpu.memref_slice %arg2[%dma_start3A, %dma_start3A_12] : memref<10000x128xi32, #tpu.memory_space<hbm>> -> memref<10000x128xi32, #tpu.memory_space<hbm>>
      tpu.enqueue_indirect_dma source(%dma_start3A_13 : memref<10000x128xi32, #tpu.memory_space<hbm>>) target(%arg10 : memref<80x128xi32, #tpu.memory_space<vmem>>) offsets(%arg8 : memref<80xi32, #tpu.memory_space<vmem>>) semaphore(%arg12 : memref<!tpu.dma_semaphore, #tpu.memory_space<semaphore_mem>>)
      %dma_start3A_14 = arith.constant 0 : i32
      %dma_start3A_15 = arith.constant 0 : i32
      %dma_start3A_16 = tpu.memref_slice %arg3[%dma_start3A_14, %dma_start3A_15] : memref<10000x128xi32, #tpu.memory_space<hbm>> -> memref<10000x128xi32, #tpu.memory_space<hbm>>
      tpu.enqueue_indirect_dma source(%dma_start3A_16 : memref<10000x128xi32, #tpu.memory_space<hbm>>) target(%arg11 : memref<80x128xi32, #tpu.memory_space<vmem>>) offsets(%arg9 : memref<80xi32, #tpu.memory_space<vmem>>) semaphore(%arg12 : memref<!tpu.dma_semaphore, #tpu.memory_space<semaphore_mem>>)
      %dma_wait3A = arith.constant 0 : i32
      %dma_wait3A_17 = arith.constant 0 : i32
      %dma_wait3A_18 = tpu.memref_slice %arg2[%dma_wait3A, %dma_wait3A_17] : memref<10000x128xi32, #tpu.memory_space<hbm>> -> memref<10000x128xi32, #tpu.memory_space<hbm>>
      tpu.wait_indirect_dma semaphore(%arg12 : memref<!tpu.dma_semaphore, #tpu.memory_space<semaphore_mem>>) src(%dma_wait3A_18 : memref<10000x128xi32, #tpu.memory_space<hbm>>) dst(%arg10 : memref<80x128xi32, #tpu.memory_space<vmem>>)
      %dma_wait3A_19 = arith.constant 0 : i32
      %dma_wait3A_20 = arith.constant 0 : i32
      %dma_wait3A_21 = tpu.memref_slice %arg3[%dma_wait3A_19, %dma_wait3A_20] : memref<10000x128xi32, #tpu.memory_space<hbm>> -> memref<10000x128xi32, #tpu.memory_space<hbm>>
      tpu.wait_indirect_dma semaphore(%arg12 : memref<!tpu.dma_semaphore, #tpu.memory_space<semaphore_mem>>) src(%dma_wait3A_21 : memref<10000x128xi32, #tpu.memory_space<hbm>>) dst(%arg11 : memref<80x128xi32, #tpu.memory_space<vmem>>)
      "tpu.region"() ({
        %run_scoped3A = tpu.sem_alloc : memref<!tpu.dma_semaphore, #tpu.memory_space<semaphore_mem>>
        %dma_start3A_22 = arith.constant 0 : i32
        %dma_start3A_23 = tpu.memref_slice %arg6[%add3A_11, %dma_start3A_22] : memref<71680x128xi32, #tpu.memory_space<hbm>> -> memref<80x128xi32, #tpu.memory_space<hbm>>
        %dma_start3A_24 = arith.constant 0 : i32
        %dma_start3A_25 = tpu.memref_slice %arg6[%add3A_11, %dma_start3A_24] : memref<71680x128xi32, #tpu.memory_space<hbm>> -> memref<80x128xi32, #tpu.memory_space<hbm>>
        tpu.enqueue_dma source(%arg10 : memref<80x128xi32, #tpu.memory_space<vmem>>) target(%dma_start3A_25 : memref<80x128xi32, #tpu.memory_space<hbm>>) target_semaphore(%run_scoped3A : memref<!tpu.dma_semaphore, #tpu.memory_space<semaphore_mem>>)
        %dma_wait3A_26 = arith.constant 0 : i32
        %dma_wait3A_27 = tpu.memref_slice %arg6[%add3A_11, %dma_wait3A_26] : memref<71680x128xi32, #tpu.memory_space<hbm>> -> memref<80x128xi32, #tpu.memory_space<hbm>>
        %dma_wait3A_28 = arith.constant 0 : i32
        %dma_wait3A_29 = tpu.memref_slice %arg6[%add3A_11, %dma_wait3A_28] : memref<71680x128xi32, #tpu.memory_space<hbm>> -> memref<80x128xi32, #tpu.memory_space<hbm>>
        tpu.wait_dma2 semaphore(%run_scoped3A : memref<!tpu.dma_semaphore, #tpu.memory_space<semaphore_mem>>) src(%arg10 : memref<80x128xi32, #tpu.memory_space<vmem>>) dst(%dma_wait3A_29 : memref<80x128xi32, #tpu.memory_space<hbm>>)
        tpu.yield
      }) : () -> ()
      "tpu.region"() ({
        %run_scoped3A = tpu.sem_alloc : memref<!tpu.dma_semaphore, #tpu.memory_space<semaphore_mem>>
        %dma_start3A_22 = arith.constant 0 : i32
        %dma_start3A_23 = tpu.memref_slice %arg7[%add3A_11, %dma_start3A_22] : memref<71680x128xi32, #tpu.memory_space<hbm>> -> memref<80x128xi32, #tpu.memory_space<hbm>>
        %dma_start3A_24 = arith.constant 0 : i32
        %dma_start3A_25 = tpu.memref_slice %arg7[%add3A_11, %dma_start3A_24] : memref<71680x128xi32, #tpu.memory_space<hbm>> -> memref<80x128xi32, #tpu.memory_space<hbm>>
        tpu.enqueue_dma source(%arg11 : memref<80x128xi32, #tpu.memory_space<vmem>>) target(%dma_start3A_25 : memref<80x128xi32, #tpu.memory_space<hbm>>) target_semaphore(%run_scoped3A : memref<!tpu.dma_semaphore, #tpu.memory_space<semaphore_mem>>)
        %dma_wait3A_26 = arith.constant 0 : i32
        %dma_wait3A_27 = tpu.memref_slice %arg7[%add3A_11, %dma_wait3A_26] : memref<71680x128xi32, #tpu.memory_space<hbm>> -> memref<80x128xi32, #tpu.memory_space<hbm>>
        %dma_wait3A_28 = arith.constant 0 : i32
        %dma_wait3A_29 = tpu.memref_slice %arg7[%add3A_11, %dma_wait3A_28] : memref<71680x128xi32, #tpu.memory_space<hbm>> -> memref<80x128xi32, #tpu.memory_space<hbm>>
        tpu.wait_dma2 semaphore(%run_scoped3A : memref<!tpu.dma_semaphore, #tpu.memory_space<semaphore_mem>>) src(%arg11 : memref<80x128xi32, #tpu.memory_space<vmem>>) dst(%dma_wait3A_29 : memref<80x128xi32, #tpu.memory_space<hbm>>)
        tpu.yield
      }) : () -> ()
    }
    %scan3A_7 = arith.constant 28 : i32
    return
  }
}

#map = affine_map<(d0, d1) -> (0, 0)>
#map1 = affine_map<(d0, d1) -> (0)>
module attributes {stable_mosaic.version = 14 : i64} {
  func.func @body(%arg0: i32, %arg1: i32, %arg2: memref<10000x128xi32, #tpu.memory_space<hbm>>, %arg3: memref<10000x128xi32, #tpu.memory_space<hbm>>, %arg4: memref<71680xi32, #tpu.memory_space<hbm>>, %arg5: memref<71680xi32, #tpu.memory_space<hbm>>, %arg6: memref<71680x128xi32, #tpu.memory_space<hbm>>, %arg7: memref<71680x128xi32, #tpu.memory_space<hbm>>, %arg8: memref<80xi32, #tpu.memory_space<vmem>>, %arg9: memref<80xi32, #tpu.memory_space<vmem>>, %arg10: memref<80x128xi32, #tpu.memory_space<vmem>>, %arg11: memref<80x128xi32, #tpu.memory_space<vmem>>, %arg12: memref<!tpu.dma_semaphore, #tpu.memory_space<semaphore_mem>>) attributes {dimension_semantics = [#tpu.dimension_semantics<core_parallel>, #tpu.dimension_semantics<subcore_parallel>], iteration_bounds = array<i64: 2, 16>, scalar_prefetch = 0 : i64, scratch_operands = 5 : i64, tpu.core_type = #tpu.core_type<sc_vector_subcore>, window_params = [{transform_indices = #map}, {transform_indices = #map}, {transform_indices = #map1}, {transform_indices = #map1}, {transform_indices = #map}, {transform_indices = #map}]} {
    %mul3A = arith.constant 2 : i32
    %mul3A_0 = arith.muli %arg1, %mul3A : i32
    %add3A = arith.addi %mul3A_0, %arg0 : i32
    %mul3A_1 = arith.constant 2240 : i32
    %mul3A_2 = arith.muli %add3A, %mul3A_1 : i32
    %scan3A = arith.constant 0 : i32
    %scan3A_3 = arith.constant 0 : i32
    %scan3A_4 = arith.constant 28 : i32
    %scan3A_5 = arith.addi %scan3A_3, %scan3A_4 : i32
    %scan3A_6 = arith.constant 1 : i32
    scf.for %scan3A_8 = %scan3A_3 to %scan3A_5 step %scan3A_6  : i32 {
      %mul3A_9 = arith.constant 80 : i32
      %mul3A_10 = arith.muli %scan3A_8, %mul3A_9 : i32
      %add3A_11 = arith.addi %mul3A_2, %mul3A_10 : i32
      "tpu.region"() ({
        %run_scoped3A = tpu.sem_alloc : memref<!tpu.dma_semaphore, #tpu.memory_space<semaphore_mem>>
        %dma_start3A_22 = tpu.memref_slice %arg4[%add3A_11] : memref<71680xi32, #tpu.memory_space<hbm>> -> memref<80xi32, #tpu.memory_space<hbm>>
        %dma_start3A_23 = tpu.memref_slice %arg4[%add3A_11] : memref<71680xi32, #tpu.memory_space<hbm>> -> memref<80xi32, #tpu.memory_space<hbm>>
        tpu.enqueue_dma source(%dma_start3A_23 : memref<80xi32, #tpu.memory_space<hbm>>) target(%arg8 : memref<80xi32, #tpu.memory_space<vmem>>) target_semaphore(%run_scoped3A : memref<!tpu.dma_semaphore, #tpu.memory_space<semaphore_mem>>)
        %dma_wait3A_24 = tpu.memref_slice %arg4[%add3A_11] : memref<71680xi32, #tpu.memory_space<hbm>> -> memref<80xi32, #tpu.memory_space<hbm>>
        %dma_wait3A_25 = tpu.memref_slice %arg4[%add3A_11] : memref<71680xi32, #tpu.memory_space<hbm>> -> memref<80xi32, #tpu.memory_space<hbm>>
        tpu.wait_dma2 semaphore(%run_scoped3A : memref<!tpu.dma_semaphore, #tpu.memory_space<semaphore_mem>>) src(%dma_wait3A_25 : memref<80xi32, #tpu.memory_space<hbm>>) dst(%arg8 : memref<80xi32, #tpu.memory_space<vmem>>)
        tpu.yield
      }) : () -> ()
      "tpu.region"() ({
        %run_scoped3A = tpu.sem_alloc : memref<!tpu.dma_semaphore, #tpu.memory_space<semaphore_mem>>
        %dma_start3A_22 = tpu.memref_slice %arg5[%add3A_11] : memref<71680xi32, #tpu.memory_space<hbm>> -> memref<80xi32, #tpu.memory_space<hbm>>
        %dma_start3A_23 = tpu.memref_slice %arg5[%add3A_11] : memref<71680xi32, #tpu.memory_space<hbm>> -> memref<80xi32, #tpu.memory_space<hbm>>
        tpu.enqueue_dma source(%dma_start3A_23 : memref<80xi32, #tpu.memory_space<hbm>>) target(%arg9 : memref<80xi32, #tpu.memory_space<vmem>>) target_semaphore(%run_scoped3A : memref<!tpu.dma_semaphore, #tpu.memory_space<semaphore_mem>>)
        %dma_wait3A_24 = tpu.memref_slice %arg5[%add3A_11] : memref<71680xi32, #tpu.memory_space<hbm>> -> memref<80xi32, #tpu.memory_space<hbm>>
        %dma_wait3A_25 = tpu.memref_slice %arg5[%add3A_11] : memref<71680xi32, #tpu.memory_space<hbm>> -> memref<80xi32, #tpu.memory_space<hbm>>
        tpu.wait_dma2 semaphore(%run_scoped3A : memref<!tpu.dma_semaphore, #tpu.memory_space<semaphore_mem>>) src(%dma_wait3A_25 : memref<80xi32, #tpu.memory_space<hbm>>) dst(%arg9 : memref<80xi32, #tpu.memory_space<vmem>>)
        tpu.yield
      }) : () -> ()
      %dma_start3A = arith.constant 0 : i32
      %dma_start3A_12 = arith.constant 0 : i32
      %dma_start3A_13 = tpu.memref_slice %arg2[%dma_start3A, %dma_start3A_12] : memref<10000x128xi32, #tpu.memory_space<hbm>> -> memref<10000x128xi32, #tpu.memory_space<hbm>>
      tpu.enqueue_indirect_dma source(%dma_start3A_13 : memref<10000x128xi32, #tpu.memory_space<hbm>>) target(%arg10 : memref<80x128xi32, #tpu.memory_space<vmem>>) offsets(%arg8 : memref<80xi32, #tpu.memory_space<vmem>>) semaphore(%arg12 : memref<!tpu.dma_semaphore, #tpu.memory_space<semaphore_mem>>)
      %dma_start3A_14 = arith.constant 0 : i32
      %dma_start3A_15 = arith.constant 0 : i32
      %dma_start3A_16 = tpu.memref_slice %arg3[%dma_start3A_14, %dma_start3A_15] : memref<10000x128xi32, #tpu.memory_space<hbm>> -> memref<10000x128xi32, #tpu.memory_space<hbm>>
      tpu.enqueue_indirect_dma source(%dma_start3A_16 : memref<10000x128xi32, #tpu.memory_space<hbm>>) target(%arg11 : memref<80x128xi32, #tpu.memory_space<vmem>>) offsets(%arg9 : memref<80xi32, #tpu.memory_space<vmem>>) semaphore(%arg12 : memref<!tpu.dma_semaphore, #tpu.memory_space<semaphore_mem>>)
      %dma_wait3A = arith.constant 0 : i32
      %dma_wait3A_17 = arith.constant 0 : i32
      %dma_wait3A_18 = tpu.memref_slice %arg2[%dma_wait3A, %dma_wait3A_17] : memref<10000x128xi32, #tpu.memory_space<hbm>> -> memref<10000x128xi32, #tpu.memory_space<hbm>>
      tpu.wait_indirect_dma semaphore(%arg12 : memref<!tpu.dma_semaphore, #tpu.memory_space<semaphore_mem>>) src(%dma_wait3A_18 : memref<10000x128xi32, #tpu.memory_space<hbm>>) dst(%arg10 : memref<80x128xi32, #tpu.memory_space<vmem>>)
      %dma_wait3A_19 = arith.constant 0 : i32
      %dma_wait3A_20 = arith.constant 0 : i32
      %dma_wait3A_21 = tpu.memref_slice %arg3[%dma_wait3A_19, %dma_wait3A_20] : memref<10000x128xi32, #tpu.memory_space<hbm>> -> memref<10000x128xi32, #tpu.memory_space<hbm>>
      tpu.wait_indirect_dma semaphore(%arg12 : memref<!tpu.dma_semaphore, #tpu.memory_space<semaphore_mem>>) src(%dma_wait3A_21 : memref<10000x128xi32, #tpu.memory_space<hbm>>) dst(%arg11 : memref<80x128xi32, #tpu.memory_space<vmem>>)
      "tpu.region"() ({
        %run_scoped3A = tpu.sem_alloc : memref<!tpu.dma_semaphore, #tpu.memory_space<semaphore_mem>>
        %dma_start3A_22 = arith.constant 0 : i32
        %dma_start3A_23 = tpu.memref_slice %arg6[%add3A_11, %dma_start3A_22] : memref<71680x128xi32, #tpu.memory_space<hbm>> -> memref<80x128xi32, #tpu.memory_space<hbm>>
        %dma_start3A_24 = arith.constant 0 : i32
        %dma_start3A_25 = tpu.memref_slice %arg6[%add3A_11, %dma_start3A_24] : memref<71680x128xi32, #tpu.memory_space<hbm>> -> memref<80x128xi32, #tpu.memory_space<hbm>>
        tpu.enqueue_dma source(%arg10 : memref<80x128xi32, #tpu.memory_space<vmem>>) target(%dma_start3A_25 : memref<80x128xi32, #tpu.memory_space<hbm>>) target_semaphore(%run_scoped3A : memref<!tpu.dma_semaphore, #tpu.memory_space<semaphore_mem>>)
        %dma_wait3A_26 = arith.constant 0 : i32
        %dma_wait3A_27 = tpu.memref_slice %arg6[%add3A_11, %dma_wait3A_26] : memref<71680x128xi32, #tpu.memory_space<hbm>> -> memref<80x128xi32, #tpu.memory_space<hbm>>
        %dma_wait3A_28 = arith.constant 0 : i32
        %dma_wait3A_29 = tpu.memref_slice %arg6[%add3A_11, %dma_wait3A_28] : memref<71680x128xi32, #tpu.memory_space<hbm>> -> memref<80x128xi32, #tpu.memory_space<hbm>>
        tpu.wait_dma2 semaphore(%run_scoped3A : memref<!tpu.dma_semaphore, #tpu.memory_space<semaphore_mem>>) src(%arg10 : memref<80x128xi32, #tpu.memory_space<vmem>>) dst(%dma_wait3A_29 : memref<80x128xi32, #tpu.memory_space<hbm>>)
        tpu.yield
      }) : () -> ()
      "tpu.region"() ({
        %run_scoped3A = tpu.sem_alloc : memref<!tpu.dma_semaphore, #tpu.memory_space<semaphore_mem>>
        %dma_start3A_22 = arith.constant 0 : i32
        %dma_start3A_23 = tpu.memref_slice %arg7[%add3A_11, %dma_start3A_22] : memref<71680x128xi32, #tpu.memory_space<hbm>> -> memref<80x128xi32, #tpu.memory_space<hbm>>
        %dma_start3A_24 = arith.constant 0 : i32
        %dma_start3A_25 = tpu.memref_slice %arg7[%add3A_11, %dma_start3A_24] : memref<71680x128xi32, #tpu.memory_space<hbm>> -> memref<80x128xi32, #tpu.memory_space<hbm>>
        tpu.enqueue_dma source(%arg11 : memref<80x128xi32, #tpu.memory_space<vmem>>) target(%dma_start3A_25 : memref<80x128xi32, #tpu.memory_space<hbm>>) target_semaphore(%run_scoped3A : memref<!tpu.dma_semaphore, #tpu.memory_space<semaphore_mem>>)
        %dma_wait3A_26 = arith.constant 0 : i32
        %dma_wait3A_27 = tpu.memref_slice %arg7[%add3A_11, %dma_wait3A_26] : memref<71680x128xi32, #tpu.memory_space<hbm>> -> memref<80x128xi32, #tpu.memory_space<hbm>>
        %dma_wait3A_28 = arith.constant 0 : i32
        %dma_wait3A_29 = tpu.memref_slice %arg7[%add3A_11, %dma_wait3A_28] : memref<71680x128xi32, #tpu.memory_space<hbm>> -> memref<80x128xi32, #tpu.memory_space<hbm>>
        tpu.wait_dma2 semaphore(%run_scoped3A : memref<!tpu.dma_semaphore, #tpu.memory_space<semaphore_mem>>) src(%arg11 : memref<80x128xi32, #tpu.memory_space<vmem>>) dst(%dma_wait3A_29 : memref<80x128xi32, #tpu.memory_space<hbm>>)
        tpu.yield
      }) : () -> ()
    }
    %scan3A_7 = arith.constant 28 : i32
    return
  }
}

#map = affine_map<(d0, d1) -> (0, 0)>
#map1 = affine_map<(d0, d1) -> (0)>
module attributes {stable_mosaic.version = 14 : i64} {
  func.func @body(%arg0: i32, %arg1: i32, %arg2: memref<10000x128xi32, #tpu.memory_space<hbm>>, %arg3: memref<10000x128xi32, #tpu.memory_space<hbm>>, %arg4: memref<33280xi32, #tpu.memory_space<hbm>>, %arg5: memref<33280xi32, #tpu.memory_space<hbm>>, %arg6: memref<33280x128xi32, #tpu.memory_space<hbm>>, %arg7: memref<33280x128xi32, #tpu.memory_space<hbm>>, %arg8: memref<80xi32, #tpu.memory_space<vmem>>, %arg9: memref<80xi32, #tpu.memory_space<vmem>>, %arg10: memref<80x128xi32, #tpu.memory_space<vmem>>, %arg11: memref<80x128xi32, #tpu.memory_space<vmem>>, %arg12: memref<!tpu.dma_semaphore, #tpu.memory_space<semaphore_mem>>) attributes {dimension_semantics = [#tpu.dimension_semantics<core_parallel>, #tpu.dimension_semantics<subcore_parallel>], iteration_bounds = array<i64: 2, 16>, scalar_prefetch = 0 : i64, scratch_operands = 5 : i64, tpu.core_type = #tpu.core_type<sc_vector_subcore>, window_params = [{transform_indices = #map}, {transform_indices = #map}, {transform_indices = #map1}, {transform_indices = #map1}, {transform_indices = #map}, {transform_indices = #map}]} {
    %mul3A = arith.constant 2 : i32
    %mul3A_0 = arith.muli %arg1, %mul3A : i32
    %add3A = arith.addi %mul3A_0, %arg0 : i32
    %mul3A_1 = arith.constant 1040 : i32
    %mul3A_2 = arith.muli %add3A, %mul3A_1 : i32
    %scan3A = arith.constant 0 : i32
    %scan3A_3 = arith.constant 0 : i32
    %scan3A_4 = arith.constant 13 : i32
    %scan3A_5 = arith.addi %scan3A_3, %scan3A_4 : i32
    %scan3A_6 = arith.constant 1 : i32
    scf.for %scan3A_8 = %scan3A_3 to %scan3A_5 step %scan3A_6  : i32 {
      %mul3A_9 = arith.constant 80 : i32
      %mul3A_10 = arith.muli %scan3A_8, %mul3A_9 : i32
      %add3A_11 = arith.addi %mul3A_2, %mul3A_10 : i32
      "tpu.region"() ({
        %run_scoped3A = tpu.sem_alloc : memref<!tpu.dma_semaphore, #tpu.memory_space<semaphore_mem>>
        %dma_start3A_22 = tpu.memref_slice %arg4[%add3A_11] : memref<33280xi32, #tpu.memory_space<hbm>> -> memref<80xi32, #tpu.memory_space<hbm>>
        %dma_start3A_23 = tpu.memref_slice %arg4[%add3A_11] : memref<33280xi32, #tpu.memory_space<hbm>> -> memref<80xi32, #tpu.memory_space<hbm>>
        tpu.enqueue_dma source(%dma_start3A_23 : memref<80xi32, #tpu.memory_space<hbm>>) target(%arg8 : memref<80xi32, #tpu.memory_space<vmem>>) target_semaphore(%run_scoped3A : memref<!tpu.dma_semaphore, #tpu.memory_space<semaphore_mem>>)
        %dma_wait3A_24 = tpu.memref_slice %arg4[%add3A_11] : memref<33280xi32, #tpu.memory_space<hbm>> -> memref<80xi32, #tpu.memory_space<hbm>>
        %dma_wait3A_25 = tpu.memref_slice %arg4[%add3A_11] : memref<33280xi32, #tpu.memory_space<hbm>> -> memref<80xi32, #tpu.memory_space<hbm>>
        tpu.wait_dma2 semaphore(%run_scoped3A : memref<!tpu.dma_semaphore, #tpu.memory_space<semaphore_mem>>) src(%dma_wait3A_25 : memref<80xi32, #tpu.memory_space<hbm>>) dst(%arg8 : memref<80xi32, #tpu.memory_space<vmem>>)
        tpu.yield
      }) : () -> ()
      "tpu.region"() ({
        %run_scoped3A = tpu.sem_alloc : memref<!tpu.dma_semaphore, #tpu.memory_space<semaphore_mem>>
        %dma_start3A_22 = tpu.memref_slice %arg5[%add3A_11] : memref<33280xi32, #tpu.memory_space<hbm>> -> memref<80xi32, #tpu.memory_space<hbm>>
        %dma_start3A_23 = tpu.memref_slice %arg5[%add3A_11] : memref<33280xi32, #tpu.memory_space<hbm>> -> memref<80xi32, #tpu.memory_space<hbm>>
        tpu.enqueue_dma source(%dma_start3A_23 : memref<80xi32, #tpu.memory_space<hbm>>) target(%arg9 : memref<80xi32, #tpu.memory_space<vmem>>) target_semaphore(%run_scoped3A : memref<!tpu.dma_semaphore, #tpu.memory_space<semaphore_mem>>)
        %dma_wait3A_24 = tpu.memref_slice %arg5[%add3A_11] : memref<33280xi32, #tpu.memory_space<hbm>> -> memref<80xi32, #tpu.memory_space<hbm>>
        %dma_wait3A_25 = tpu.memref_slice %arg5[%add3A_11] : memref<33280xi32, #tpu.memory_space<hbm>> -> memref<80xi32, #tpu.memory_space<hbm>>
        tpu.wait_dma2 semaphore(%run_scoped3A : memref<!tpu.dma_semaphore, #tpu.memory_space<semaphore_mem>>) src(%dma_wait3A_25 : memref<80xi32, #tpu.memory_space<hbm>>) dst(%arg9 : memref<80xi32, #tpu.memory_space<vmem>>)
        tpu.yield
      }) : () -> ()
      %dma_start3A = arith.constant 0 : i32
      %dma_start3A_12 = arith.constant 0 : i32
      %dma_start3A_13 = tpu.memref_slice %arg2[%dma_start3A, %dma_start3A_12] : memref<10000x128xi32, #tpu.memory_space<hbm>> -> memref<10000x128xi32, #tpu.memory_space<hbm>>
      tpu.enqueue_indirect_dma source(%dma_start3A_13 : memref<10000x128xi32, #tpu.memory_space<hbm>>) target(%arg10 : memref<80x128xi32, #tpu.memory_space<vmem>>) offsets(%arg8 : memref<80xi32, #tpu.memory_space<vmem>>) semaphore(%arg12 : memref<!tpu.dma_semaphore, #tpu.memory_space<semaphore_mem>>)
      %dma_start3A_14 = arith.constant 0 : i32
      %dma_start3A_15 = arith.constant 0 : i32
      %dma_start3A_16 = tpu.memref_slice %arg3[%dma_start3A_14, %dma_start3A_15] : memref<10000x128xi32, #tpu.memory_space<hbm>> -> memref<10000x128xi32, #tpu.memory_space<hbm>>
      tpu.enqueue_indirect_dma source(%dma_start3A_16 : memref<10000x128xi32, #tpu.memory_space<hbm>>) target(%arg11 : memref<80x128xi32, #tpu.memory_space<vmem>>) offsets(%arg9 : memref<80xi32, #tpu.memory_space<vmem>>) semaphore(%arg12 : memref<!tpu.dma_semaphore, #tpu.memory_space<semaphore_mem>>)
      %dma_wait3A = arith.constant 0 : i32
      %dma_wait3A_17 = arith.constant 0 : i32
      %dma_wait3A_18 = tpu.memref_slice %arg2[%dma_wait3A, %dma_wait3A_17] : memref<10000x128xi32, #tpu.memory_space<hbm>> -> memref<10000x128xi32, #tpu.memory_space<hbm>>
      tpu.wait_indirect_dma semaphore(%arg12 : memref<!tpu.dma_semaphore, #tpu.memory_space<semaphore_mem>>) src(%dma_wait3A_18 : memref<10000x128xi32, #tpu.memory_space<hbm>>) dst(%arg10 : memref<80x128xi32, #tpu.memory_space<vmem>>)
      %dma_wait3A_19 = arith.constant 0 : i32
      %dma_wait3A_20 = arith.constant 0 : i32
      %dma_wait3A_21 = tpu.memref_slice %arg3[%dma_wait3A_19, %dma_wait3A_20] : memref<10000x128xi32, #tpu.memory_space<hbm>> -> memref<10000x128xi32, #tpu.memory_space<hbm>>
      tpu.wait_indirect_dma semaphore(%arg12 : memref<!tpu.dma_semaphore, #tpu.memory_space<semaphore_mem>>) src(%dma_wait3A_21 : memref<10000x128xi32, #tpu.memory_space<hbm>>) dst(%arg11 : memref<80x128xi32, #tpu.memory_space<vmem>>)
      "tpu.region"() ({
        %run_scoped3A = tpu.sem_alloc : memref<!tpu.dma_semaphore, #tpu.memory_space<semaphore_mem>>
        %dma_start3A_22 = arith.constant 0 : i32
        %dma_start3A_23 = tpu.memref_slice %arg6[%add3A_11, %dma_start3A_22] : memref<33280x128xi32, #tpu.memory_space<hbm>> -> memref<80x128xi32, #tpu.memory_space<hbm>>
        %dma_start3A_24 = arith.constant 0 : i32
        %dma_start3A_25 = tpu.memref_slice %arg6[%add3A_11, %dma_start3A_24] : memref<33280x128xi32, #tpu.memory_space<hbm>> -> memref<80x128xi32, #tpu.memory_space<hbm>>
        tpu.enqueue_dma source(%arg10 : memref<80x128xi32, #tpu.memory_space<vmem>>) target(%dma_start3A_25 : memref<80x128xi32, #tpu.memory_space<hbm>>) target_semaphore(%run_scoped3A : memref<!tpu.dma_semaphore, #tpu.memory_space<semaphore_mem>>)
        %dma_wait3A_26 = arith.constant 0 : i32
        %dma_wait3A_27 = tpu.memref_slice %arg6[%add3A_11, %dma_wait3A_26] : memref<33280x128xi32, #tpu.memory_space<hbm>> -> memref<80x128xi32, #tpu.memory_space<hbm>>
        %dma_wait3A_28 = arith.constant 0 : i32
        %dma_wait3A_29 = tpu.memref_slice %arg6[%add3A_11, %dma_wait3A_28] : memref<33280x128xi32, #tpu.memory_space<hbm>> -> memref<80x128xi32, #tpu.memory_space<hbm>>
        tpu.wait_dma2 semaphore(%run_scoped3A : memref<!tpu.dma_semaphore, #tpu.memory_space<semaphore_mem>>) src(%arg10 : memref<80x128xi32, #tpu.memory_space<vmem>>) dst(%dma_wait3A_29 : memref<80x128xi32, #tpu.memory_space<hbm>>)
        tpu.yield
      }) : () -> ()
      "tpu.region"() ({
        %run_scoped3A = tpu.sem_alloc : memref<!tpu.dma_semaphore, #tpu.memory_space<semaphore_mem>>
        %dma_start3A_22 = arith.constant 0 : i32
        %dma_start3A_23 = tpu.memref_slice %arg7[%add3A_11, %dma_start3A_22] : memref<33280x128xi32, #tpu.memory_space<hbm>> -> memref<80x128xi32, #tpu.memory_space<hbm>>
        %dma_start3A_24 = arith.constant 0 : i32
        %dma_start3A_25 = tpu.memref_slice %arg7[%add3A_11, %dma_start3A_24] : memref<33280x128xi32, #tpu.memory_space<hbm>> -> memref<80x128xi32, #tpu.memory_space<hbm>>
        tpu.enqueue_dma source(%arg11 : memref<80x128xi32, #tpu.memory_space<vmem>>) target(%dma_start3A_25 : memref<80x128xi32, #tpu.memory_space<hbm>>) target_semaphore(%run_scoped3A : memref<!tpu.dma_semaphore, #tpu.memory_space<semaphore_mem>>)
        %dma_wait3A_26 = arith.constant 0 : i32
        %dma_wait3A_27 = tpu.memref_slice %arg7[%add3A_11, %dma_wait3A_26] : memref<33280x128xi32, #tpu.memory_space<hbm>> -> memref<80x128xi32, #tpu.memory_space<hbm>>
        %dma_wait3A_28 = arith.constant 0 : i32
        %dma_wait3A_29 = tpu.memref_slice %arg7[%add3A_11, %dma_wait3A_28] : memref<33280x128xi32, #tpu.memory_space<hbm>> -> memref<80x128xi32, #tpu.memory_space<hbm>>
        tpu.wait_dma2 semaphore(%run_scoped3A : memref<!tpu.dma_semaphore, #tpu.memory_space<semaphore_mem>>) src(%arg11 : memref<80x128xi32, #tpu.memory_space<vmem>>) dst(%dma_wait3A_29 : memref<80x128xi32, #tpu.memory_space<hbm>>)
        tpu.yield
      }) : () -> ()
    }
    %scan3A_7 = arith.constant 13 : i32
    return
  }
}

#map = affine_map<(d0, d1) -> (0, 0)>
#map1 = affine_map<(d0, d1) -> (0)>
module attributes {stable_mosaic.version = 14 : i64} {
  func.func @body(%arg0: i32, %arg1: i32, %arg2: memref<10000x128xi32, #tpu.memory_space<hbm>>, %arg3: memref<10000x128xi32, #tpu.memory_space<hbm>>, %arg4: memref<71680xi32, #tpu.memory_space<hbm>>, %arg5: memref<71680xi32, #tpu.memory_space<hbm>>, %arg6: memref<71680x128xi32, #tpu.memory_space<hbm>>, %arg7: memref<71680x128xi32, #tpu.memory_space<hbm>>, %arg8: memref<80xi32, #tpu.memory_space<vmem>>, %arg9: memref<80xi32, #tpu.memory_space<vmem>>, %arg10: memref<80x128xi32, #tpu.memory_space<vmem>>, %arg11: memref<80x128xi32, #tpu.memory_space<vmem>>, %arg12: memref<!tpu.dma_semaphore, #tpu.memory_space<semaphore_mem>>) attributes {dimension_semantics = [#tpu.dimension_semantics<core_parallel>, #tpu.dimension_semantics<subcore_parallel>], iteration_bounds = array<i64: 2, 16>, scalar_prefetch = 0 : i64, scratch_operands = 5 : i64, tpu.core_type = #tpu.core_type<sc_vector_subcore>, window_params = [{transform_indices = #map}, {transform_indices = #map}, {transform_indices = #map1}, {transform_indices = #map1}, {transform_indices = #map}, {transform_indices = #map}]} {
    %mul3A = arith.constant 2 : i32
    %mul3A_0 = arith.muli %arg1, %mul3A : i32
    %add3A = arith.addi %mul3A_0, %arg0 : i32
    %mul3A_1 = arith.constant 2240 : i32
    %mul3A_2 = arith.muli %add3A, %mul3A_1 : i32
    %scan3A = arith.constant 0 : i32
    %scan3A_3 = arith.constant 0 : i32
    %scan3A_4 = arith.constant 28 : i32
    %scan3A_5 = arith.addi %scan3A_3, %scan3A_4 : i32
    %scan3A_6 = arith.constant 1 : i32
    scf.for %scan3A_8 = %scan3A_3 to %scan3A_5 step %scan3A_6  : i32 {
      %mul3A_9 = arith.constant 80 : i32
      %mul3A_10 = arith.muli %scan3A_8, %mul3A_9 : i32
      %add3A_11 = arith.addi %mul3A_2, %mul3A_10 : i32
      "tpu.region"() ({
        %run_scoped3A = tpu.sem_alloc : memref<!tpu.dma_semaphore, #tpu.memory_space<semaphore_mem>>
        %dma_start3A_22 = tpu.memref_slice %arg4[%add3A_11] : memref<71680xi32, #tpu.memory_space<hbm>> -> memref<80xi32, #tpu.memory_space<hbm>>
        %dma_start3A_23 = tpu.memref_slice %arg4[%add3A_11] : memref<71680xi32, #tpu.memory_space<hbm>> -> memref<80xi32, #tpu.memory_space<hbm>>
        tpu.enqueue_dma source(%dma_start3A_23 : memref<80xi32, #tpu.memory_space<hbm>>) target(%arg8 : memref<80xi32, #tpu.memory_space<vmem>>) target_semaphore(%run_scoped3A : memref<!tpu.dma_semaphore, #tpu.memory_space<semaphore_mem>>)
        %dma_wait3A_24 = tpu.memref_slice %arg4[%add3A_11] : memref<71680xi32, #tpu.memory_space<hbm>> -> memref<80xi32, #tpu.memory_space<hbm>>
        %dma_wait3A_25 = tpu.memref_slice %arg4[%add3A_11] : memref<71680xi32, #tpu.memory_space<hbm>> -> memref<80xi32, #tpu.memory_space<hbm>>
        tpu.wait_dma2 semaphore(%run_scoped3A : memref<!tpu.dma_semaphore, #tpu.memory_space<semaphore_mem>>) src(%dma_wait3A_25 : memref<80xi32, #tpu.memory_space<hbm>>) dst(%arg8 : memref<80xi32, #tpu.memory_space<vmem>>)
        tpu.yield
      }) : () -> ()
      "tpu.region"() ({
        %run_scoped3A = tpu.sem_alloc : memref<!tpu.dma_semaphore, #tpu.memory_space<semaphore_mem>>
        %dma_start3A_22 = tpu.memref_slice %arg5[%add3A_11] : memref<71680xi32, #tpu.memory_space<hbm>> -> memref<80xi32, #tpu.memory_space<hbm>>
        %dma_start3A_23 = tpu.memref_slice %arg5[%add3A_11] : memref<71680xi32, #tpu.memory_space<hbm>> -> memref<80xi32, #tpu.memory_space<hbm>>
        tpu.enqueue_dma source(%dma_start3A_23 : memref<80xi32, #tpu.memory_space<hbm>>) target(%arg9 : memref<80xi32, #tpu.memory_space<vmem>>) target_semaphore(%run_scoped3A : memref<!tpu.dma_semaphore, #tpu.memory_space<semaphore_mem>>)
        %dma_wait3A_24 = tpu.memref_slice %arg5[%add3A_11] : memref<71680xi32, #tpu.memory_space<hbm>> -> memref<80xi32, #tpu.memory_space<hbm>>
        %dma_wait3A_25 = tpu.memref_slice %arg5[%add3A_11] : memref<71680xi32, #tpu.memory_space<hbm>> -> memref<80xi32, #tpu.memory_space<hbm>>
        tpu.wait_dma2 semaphore(%run_scoped3A : memref<!tpu.dma_semaphore, #tpu.memory_space<semaphore_mem>>) src(%dma_wait3A_25 : memref<80xi32, #tpu.memory_space<hbm>>) dst(%arg9 : memref<80xi32, #tpu.memory_space<vmem>>)
        tpu.yield
      }) : () -> ()
      %dma_start3A = arith.constant 0 : i32
      %dma_start3A_12 = arith.constant 0 : i32
      %dma_start3A_13 = tpu.memref_slice %arg2[%dma_start3A, %dma_start3A_12] : memref<10000x128xi32, #tpu.memory_space<hbm>> -> memref<10000x128xi32, #tpu.memory_space<hbm>>
      tpu.enqueue_indirect_dma source(%dma_start3A_13 : memref<10000x128xi32, #tpu.memory_space<hbm>>) target(%arg10 : memref<80x128xi32, #tpu.memory_space<vmem>>) offsets(%arg8 : memref<80xi32, #tpu.memory_space<vmem>>) semaphore(%arg12 : memref<!tpu.dma_semaphore, #tpu.memory_space<semaphore_mem>>)
      %dma_start3A_14 = arith.constant 0 : i32
      %dma_start3A_15 = arith.constant 0 : i32
      %dma_start3A_16 = tpu.memref_slice %arg3[%dma_start3A_14, %dma_start3A_15] : memref<10000x128xi32, #tpu.memory_space<hbm>> -> memref<10000x128xi32, #tpu.memory_space<hbm>>
      tpu.enqueue_indirect_dma source(%dma_start3A_16 : memref<10000x128xi32, #tpu.memory_space<hbm>>) target(%arg11 : memref<80x128xi32, #tpu.memory_space<vmem>>) offsets(%arg9 : memref<80xi32, #tpu.memory_space<vmem>>) semaphore(%arg12 : memref<!tpu.dma_semaphore, #tpu.memory_space<semaphore_mem>>)
      %dma_wait3A = arith.constant 0 : i32
      %dma_wait3A_17 = arith.constant 0 : i32
      %dma_wait3A_18 = tpu.memref_slice %arg2[%dma_wait3A, %dma_wait3A_17] : memref<10000x128xi32, #tpu.memory_space<hbm>> -> memref<10000x128xi32, #tpu.memory_space<hbm>>
      tpu.wait_indirect_dma semaphore(%arg12 : memref<!tpu.dma_semaphore, #tpu.memory_space<semaphore_mem>>) src(%dma_wait3A_18 : memref<10000x128xi32, #tpu.memory_space<hbm>>) dst(%arg10 : memref<80x128xi32, #tpu.memory_space<vmem>>)
      %dma_wait3A_19 = arith.constant 0 : i32
      %dma_wait3A_20 = arith.constant 0 : i32
      %dma_wait3A_21 = tpu.memref_slice %arg3[%dma_wait3A_19, %dma_wait3A_20] : memref<10000x128xi32, #tpu.memory_space<hbm>> -> memref<10000x128xi32, #tpu.memory_space<hbm>>
      tpu.wait_indirect_dma semaphore(%arg12 : memref<!tpu.dma_semaphore, #tpu.memory_space<semaphore_mem>>) src(%dma_wait3A_21 : memref<10000x128xi32, #tpu.memory_space<hbm>>) dst(%arg11 : memref<80x128xi32, #tpu.memory_space<vmem>>)
      "tpu.region"() ({
        %run_scoped3A = tpu.sem_alloc : memref<!tpu.dma_semaphore, #tpu.memory_space<semaphore_mem>>
        %dma_start3A_22 = arith.constant 0 : i32
        %dma_start3A_23 = tpu.memref_slice %arg6[%add3A_11, %dma_start3A_22] : memref<71680x128xi32, #tpu.memory_space<hbm>> -> memref<80x128xi32, #tpu.memory_space<hbm>>
        %dma_start3A_24 = arith.constant 0 : i32
        %dma_start3A_25 = tpu.memref_slice %arg6[%add3A_11, %dma_start3A_24] : memref<71680x128xi32, #tpu.memory_space<hbm>> -> memref<80x128xi32, #tpu.memory_space<hbm>>
        tpu.enqueue_dma source(%arg10 : memref<80x128xi32, #tpu.memory_space<vmem>>) target(%dma_start3A_25 : memref<80x128xi32, #tpu.memory_space<hbm>>) target_semaphore(%run_scoped3A : memref<!tpu.dma_semaphore, #tpu.memory_space<semaphore_mem>>)
        %dma_wait3A_26 = arith.constant 0 : i32
        %dma_wait3A_27 = tpu.memref_slice %arg6[%add3A_11, %dma_wait3A_26] : memref<71680x128xi32, #tpu.memory_space<hbm>> -> memref<80x128xi32, #tpu.memory_space<hbm>>
        %dma_wait3A_28 = arith.constant 0 : i32
        %dma_wait3A_29 = tpu.memref_slice %arg6[%add3A_11, %dma_wait3A_28] : memref<71680x128xi32, #tpu.memory_space<hbm>> -> memref<80x128xi32, #tpu.memory_space<hbm>>
        tpu.wait_dma2 semaphore(%run_scoped3A : memref<!tpu.dma_semaphore, #tpu.memory_space<semaphore_mem>>) src(%arg10 : memref<80x128xi32, #tpu.memory_space<vmem>>) dst(%dma_wait3A_29 : memref<80x128xi32, #tpu.memory_space<hbm>>)
        tpu.yield
      }) : () -> ()
      "tpu.region"() ({
        %run_scoped3A = tpu.sem_alloc : memref<!tpu.dma_semaphore, #tpu.memory_space<semaphore_mem>>
        %dma_start3A_22 = arith.constant 0 : i32
        %dma_start3A_23 = tpu.memref_slice %arg7[%add3A_11, %dma_start3A_22] : memref<71680x128xi32, #tpu.memory_space<hbm>> -> memref<80x128xi32, #tpu.memory_space<hbm>>
        %dma_start3A_24 = arith.constant 0 : i32
        %dma_start3A_25 = tpu.memref_slice %arg7[%add3A_11, %dma_start3A_24] : memref<71680x128xi32, #tpu.memory_space<hbm>> -> memref<80x128xi32, #tpu.memory_space<hbm>>
        tpu.enqueue_dma source(%arg11 : memref<80x128xi32, #tpu.memory_space<vmem>>) target(%dma_start3A_25 : memref<80x128xi32, #tpu.memory_space<hbm>>) target_semaphore(%run_scoped3A : memref<!tpu.dma_semaphore, #tpu.memory_space<semaphore_mem>>)
        %dma_wait3A_26 = arith.constant 0 : i32
        %dma_wait3A_27 = tpu.memref_slice %arg7[%add3A_11, %dma_wait3A_26] : memref<71680x128xi32, #tpu.memory_space<hbm>> -> memref<80x128xi32, #tpu.memory_space<hbm>>
        %dma_wait3A_28 = arith.constant 0 : i32
        %dma_wait3A_29 = tpu.memref_slice %arg7[%add3A_11, %dma_wait3A_28] : memref<71680x128xi32, #tpu.memory_space<hbm>> -> memref<80x128xi32, #tpu.memory_space<hbm>>
        tpu.wait_dma2 semaphore(%run_scoped3A : memref<!tpu.dma_semaphore, #tpu.memory_space<semaphore_mem>>) src(%arg11 : memref<80x128xi32, #tpu.memory_space<vmem>>) dst(%dma_wait3A_29 : memref<80x128xi32, #tpu.memory_space<hbm>>)
        tpu.yield
      }) : () -> ()
    }
    %scan3A_7 = arith.constant 28 : i32
    return
  }
}

#map = affine_map<(d0, d1) -> (0, 0)>
#map1 = affine_map<(d0, d1) -> (0)>
module attributes {stable_mosaic.version = 14 : i64} {
  func.func @body(%arg0: i32, %arg1: i32, %arg2: memref<10000x128xi32, #tpu.memory_space<hbm>>, %arg3: memref<10000x128xi32, #tpu.memory_space<hbm>>, %arg4: memref<71680xi32, #tpu.memory_space<hbm>>, %arg5: memref<71680xi32, #tpu.memory_space<hbm>>, %arg6: memref<71680x128xi32, #tpu.memory_space<hbm>>, %arg7: memref<71680x128xi32, #tpu.memory_space<hbm>>, %arg8: memref<80xi32, #tpu.memory_space<vmem>>, %arg9: memref<80xi32, #tpu.memory_space<vmem>>, %arg10: memref<80x128xi32, #tpu.memory_space<vmem>>, %arg11: memref<80x128xi32, #tpu.memory_space<vmem>>, %arg12: memref<!tpu.dma_semaphore, #tpu.memory_space<semaphore_mem>>) attributes {dimension_semantics = [#tpu.dimension_semantics<core_parallel>, #tpu.dimension_semantics<subcore_parallel>], iteration_bounds = array<i64: 2, 16>, scalar_prefetch = 0 : i64, scratch_operands = 5 : i64, tpu.core_type = #tpu.core_type<sc_vector_subcore>, window_params = [{transform_indices = #map}, {transform_indices = #map}, {transform_indices = #map1}, {transform_indices = #map1}, {transform_indices = #map}, {transform_indices = #map}]} {
    %mul3A = arith.constant 2 : i32
    %mul3A_0 = arith.muli %arg1, %mul3A : i32
    %add3A = arith.addi %mul3A_0, %arg0 : i32
    %mul3A_1 = arith.constant 2240 : i32
    %mul3A_2 = arith.muli %add3A, %mul3A_1 : i32
    %scan3A = arith.constant 0 : i32
    %scan3A_3 = arith.constant 0 : i32
    %scan3A_4 = arith.constant 28 : i32
    %scan3A_5 = arith.addi %scan3A_3, %scan3A_4 : i32
    %scan3A_6 = arith.constant 1 : i32
    scf.for %scan3A_8 = %scan3A_3 to %scan3A_5 step %scan3A_6  : i32 {
      %mul3A_9 = arith.constant 80 : i32
      %mul3A_10 = arith.muli %scan3A_8, %mul3A_9 : i32
      %add3A_11 = arith.addi %mul3A_2, %mul3A_10 : i32
      "tpu.region"() ({
        %run_scoped3A = tpu.sem_alloc : memref<!tpu.dma_semaphore, #tpu.memory_space<semaphore_mem>>
        %dma_start3A_22 = tpu.memref_slice %arg4[%add3A_11] : memref<71680xi32, #tpu.memory_space<hbm>> -> memref<80xi32, #tpu.memory_space<hbm>>
        %dma_start3A_23 = tpu.memref_slice %arg4[%add3A_11] : memref<71680xi32, #tpu.memory_space<hbm>> -> memref<80xi32, #tpu.memory_space<hbm>>
        tpu.enqueue_dma source(%dma_start3A_23 : memref<80xi32, #tpu.memory_space<hbm>>) target(%arg8 : memref<80xi32, #tpu.memory_space<vmem>>) target_semaphore(%run_scoped3A : memref<!tpu.dma_semaphore, #tpu.memory_space<semaphore_mem>>)
        %dma_wait3A_24 = tpu.memref_slice %arg4[%add3A_11] : memref<71680xi32, #tpu.memory_space<hbm>> -> memref<80xi32, #tpu.memory_space<hbm>>
        %dma_wait3A_25 = tpu.memref_slice %arg4[%add3A_11] : memref<71680xi32, #tpu.memory_space<hbm>> -> memref<80xi32, #tpu.memory_space<hbm>>
        tpu.wait_dma2 semaphore(%run_scoped3A : memref<!tpu.dma_semaphore, #tpu.memory_space<semaphore_mem>>) src(%dma_wait3A_25 : memref<80xi32, #tpu.memory_space<hbm>>) dst(%arg8 : memref<80xi32, #tpu.memory_space<vmem>>)
        tpu.yield
      }) : () -> ()
      "tpu.region"() ({
        %run_scoped3A = tpu.sem_alloc : memref<!tpu.dma_semaphore, #tpu.memory_space<semaphore_mem>>
        %dma_start3A_22 = tpu.memref_slice %arg5[%add3A_11] : memref<71680xi32, #tpu.memory_space<hbm>> -> memref<80xi32, #tpu.memory_space<hbm>>
        %dma_start3A_23 = tpu.memref_slice %arg5[%add3A_11] : memref<71680xi32, #tpu.memory_space<hbm>> -> memref<80xi32, #tpu.memory_space<hbm>>
        tpu.enqueue_dma source(%dma_start3A_23 : memref<80xi32, #tpu.memory_space<hbm>>) target(%arg9 : memref<80xi32, #tpu.memory_space<vmem>>) target_semaphore(%run_scoped3A : memref<!tpu.dma_semaphore, #tpu.memory_space<semaphore_mem>>)
        %dma_wait3A_24 = tpu.memref_slice %arg5[%add3A_11] : memref<71680xi32, #tpu.memory_space<hbm>> -> memref<80xi32, #tpu.memory_space<hbm>>
        %dma_wait3A_25 = tpu.memref_slice %arg5[%add3A_11] : memref<71680xi32, #tpu.memory_space<hbm>> -> memref<80xi32, #tpu.memory_space<hbm>>
        tpu.wait_dma2 semaphore(%run_scoped3A : memref<!tpu.dma_semaphore, #tpu.memory_space<semaphore_mem>>) src(%dma_wait3A_25 : memref<80xi32, #tpu.memory_space<hbm>>) dst(%arg9 : memref<80xi32, #tpu.memory_space<vmem>>)
        tpu.yield
      }) : () -> ()
      %dma_start3A = arith.constant 0 : i32
      %dma_start3A_12 = arith.constant 0 : i32
      %dma_start3A_13 = tpu.memref_slice %arg2[%dma_start3A, %dma_start3A_12] : memref<10000x128xi32, #tpu.memory_space<hbm>> -> memref<10000x128xi32, #tpu.memory_space<hbm>>
      tpu.enqueue_indirect_dma source(%dma_start3A_13 : memref<10000x128xi32, #tpu.memory_space<hbm>>) target(%arg10 : memref<80x128xi32, #tpu.memory_space<vmem>>) offsets(%arg8 : memref<80xi32, #tpu.memory_space<vmem>>) semaphore(%arg12 : memref<!tpu.dma_semaphore, #tpu.memory_space<semaphore_mem>>)
      %dma_start3A_14 = arith.constant 0 : i32
      %dma_start3A_15 = arith.constant 0 : i32
      %dma_start3A_16 = tpu.memref_slice %arg3[%dma_start3A_14, %dma_start3A_15] : memref<10000x128xi32, #tpu.memory_space<hbm>> -> memref<10000x128xi32, #tpu.memory_space<hbm>>
      tpu.enqueue_indirect_dma source(%dma_start3A_16 : memref<10000x128xi32, #tpu.memory_space<hbm>>) target(%arg11 : memref<80x128xi32, #tpu.memory_space<vmem>>) offsets(%arg9 : memref<80xi32, #tpu.memory_space<vmem>>) semaphore(%arg12 : memref<!tpu.dma_semaphore, #tpu.memory_space<semaphore_mem>>)
      %dma_wait3A = arith.constant 0 : i32
      %dma_wait3A_17 = arith.constant 0 : i32
      %dma_wait3A_18 = tpu.memref_slice %arg2[%dma_wait3A, %dma_wait3A_17] : memref<10000x128xi32, #tpu.memory_space<hbm>> -> memref<10000x128xi32, #tpu.memory_space<hbm>>
      tpu.wait_indirect_dma semaphore(%arg12 : memref<!tpu.dma_semaphore, #tpu.memory_space<semaphore_mem>>) src(%dma_wait3A_18 : memref<10000x128xi32, #tpu.memory_space<hbm>>) dst(%arg10 : memref<80x128xi32, #tpu.memory_space<vmem>>)
      %dma_wait3A_19 = arith.constant 0 : i32
      %dma_wait3A_20 = arith.constant 0 : i32
      %dma_wait3A_21 = tpu.memref_slice %arg3[%dma_wait3A_19, %dma_wait3A_20] : memref<10000x128xi32, #tpu.memory_space<hbm>> -> memref<10000x128xi32, #tpu.memory_space<hbm>>
      tpu.wait_indirect_dma semaphore(%arg12 : memref<!tpu.dma_semaphore, #tpu.memory_space<semaphore_mem>>) src(%dma_wait3A_21 : memref<10000x128xi32, #tpu.memory_space<hbm>>) dst(%arg11 : memref<80x128xi32, #tpu.memory_space<vmem>>)
      "tpu.region"() ({
        %run_scoped3A = tpu.sem_alloc : memref<!tpu.dma_semaphore, #tpu.memory_space<semaphore_mem>>
        %dma_start3A_22 = arith.constant 0 : i32
        %dma_start3A_23 = tpu.memref_slice %arg6[%add3A_11, %dma_start3A_22] : memref<71680x128xi32, #tpu.memory_space<hbm>> -> memref<80x128xi32, #tpu.memory_space<hbm>>
        %dma_start3A_24 = arith.constant 0 : i32
        %dma_start3A_25 = tpu.memref_slice %arg6[%add3A_11, %dma_start3A_24] : memref<71680x128xi32, #tpu.memory_space<hbm>> -> memref<80x128xi32, #tpu.memory_space<hbm>>
        tpu.enqueue_dma source(%arg10 : memref<80x128xi32, #tpu.memory_space<vmem>>) target(%dma_start3A_25 : memref<80x128xi32, #tpu.memory_space<hbm>>) target_semaphore(%run_scoped3A : memref<!tpu.dma_semaphore, #tpu.memory_space<semaphore_mem>>)
        %dma_wait3A_26 = arith.constant 0 : i32
        %dma_wait3A_27 = tpu.memref_slice %arg6[%add3A_11, %dma_wait3A_26] : memref<71680x128xi32, #tpu.memory_space<hbm>> -> memref<80x128xi32, #tpu.memory_space<hbm>>
        %dma_wait3A_28 = arith.constant 0 : i32
        %dma_wait3A_29 = tpu.memref_slice %arg6[%add3A_11, %dma_wait3A_28] : memref<71680x128xi32, #tpu.memory_space<hbm>> -> memref<80x128xi32, #tpu.memory_space<hbm>>
        tpu.wait_dma2 semaphore(%run_scoped3A : memref<!tpu.dma_semaphore, #tpu.memory_space<semaphore_mem>>) src(%arg10 : memref<80x128xi32, #tpu.memory_space<vmem>>) dst(%dma_wait3A_29 : memref<80x128xi32, #tpu.memory_space<hbm>>)
        tpu.yield
      }) : () -> ()
      "tpu.region"() ({
        %run_scoped3A = tpu.sem_alloc : memref<!tpu.dma_semaphore, #tpu.memory_space<semaphore_mem>>
        %dma_start3A_22 = arith.constant 0 : i32
        %dma_start3A_23 = tpu.memref_slice %arg7[%add3A_11, %dma_start3A_22] : memref<71680x128xi32, #tpu.memory_space<hbm>> -> memref<80x128xi32, #tpu.memory_space<hbm>>
        %dma_start3A_24 = arith.constant 0 : i32
        %dma_start3A_25 = tpu.memref_slice %arg7[%add3A_11, %dma_start3A_24] : memref<71680x128xi32, #tpu.memory_space<hbm>> -> memref<80x128xi32, #tpu.memory_space<hbm>>
        tpu.enqueue_dma source(%arg11 : memref<80x128xi32, #tpu.memory_space<vmem>>) target(%dma_start3A_25 : memref<80x128xi32, #tpu.memory_space<hbm>>) target_semaphore(%run_scoped3A : memref<!tpu.dma_semaphore, #tpu.memory_space<semaphore_mem>>)
        %dma_wait3A_26 = arith.constant 0 : i32
        %dma_wait3A_27 = tpu.memref_slice %arg7[%add3A_11, %dma_wait3A_26] : memref<71680x128xi32, #tpu.memory_space<hbm>> -> memref<80x128xi32, #tpu.memory_space<hbm>>
        %dma_wait3A_28 = arith.constant 0 : i32
        %dma_wait3A_29 = tpu.memref_slice %arg7[%add3A_11, %dma_wait3A_28] : memref<71680x128xi32, #tpu.memory_space<hbm>> -> memref<80x128xi32, #tpu.memory_space<hbm>>
        tpu.wait_dma2 semaphore(%run_scoped3A : memref<!tpu.dma_semaphore, #tpu.memory_space<semaphore_mem>>) src(%arg11 : memref<80x128xi32, #tpu.memory_space<vmem>>) dst(%dma_wait3A_29 : memref<80x128xi32, #tpu.memory_space<hbm>>)
        tpu.yield
      }) : () -> ()
    }
    %scan3A_7 = arith.constant 28 : i32
    return
  }
}

module attributes {stable_mosaic.version = 14 : i64} {
  func.func @_prep_body(%arg0: i32, %arg1: memref<1000x128xf32, #tpu.memory_space<vmem>>, %arg2: memref<128x64xf32, #tpu.memory_space<vmem>>, %arg3: memref<1x64xf32, #tpu.memory_space<vmem>>, %arg4: memref<64x128xf32, #tpu.memory_space<vmem>>, %arg5: memref<64x128xf32, #tpu.memory_space<vmem>>, %arg6: memref<1000x128xi32, #tpu.memory_space<vmem>>, %arg7: memref<1000x128xi32, #tpu.memory_space<vmem>>) attributes {dimension_semantics = [#tpu.dimension_semantics<arbitrary>], iteration_bounds = array<i64: 10>, scalar_prefetch = 0 : i64, scratch_operands = 0 : i64, tpu.core_type = #tpu.core_type<tc>, window_params = [{transform_indices = @transform_0, window_bounds = array<i64: 1000, 128>}, {pipeline_mode = #tpu.pipeline_mode<synchronous>, transform_indices = @transform_1, window_bounds = array<i64: 128, 64>}, {pipeline_mode = #tpu.pipeline_mode<synchronous>, transform_indices = @transform_2, window_bounds = array<i64: 1, 64>}, {pipeline_mode = #tpu.pipeline_mode<synchronous>, transform_indices = @transform_3, window_bounds = array<i64: 64, 128>}, {pipeline_mode = #tpu.pipeline_mode<synchronous>, transform_indices = @transform_4, window_bounds = array<i64: 64, 128>}, {transform_indices = @transform_5, window_bounds = array<i64: 1000, 128>}, {transform_indices = @transform_6, window_bounds = array<i64: 1000, 128>}]} {
    %get3A = arith.constant 0 : index
    %get3A_0 = arith.constant 0 : index
    %get3A_1 = vector.load %arg1[%get3A, %get3A_0] : memref<1000x128xf32, #tpu.memory_space<vmem>>, vector<1000x128xf32>
    %get3A_2 = arith.constant 0 : index
    %get3A_3 = arith.constant 0 : index
    %get3A_4 = vector.load %arg2[%get3A_2, %get3A_3] : memref<128x64xf32, #tpu.memory_space<vmem>>, vector<128x64xf32>
    %dot_general3A = arith.constant dense<0.000000e+00> : vector<1000x64xf32>
    %dot_general3A_5 = tpu.matmul %get3A_1, %get3A_4, %dot_general3A {dimension_numbers = #tpu.dot_dimension_numbers<[1], [0], [0], [1], [0, 0, 1, 1], [], []>, transpose_lhs_hint = false} : vector<1000x128xf32>, vector<128x64xf32>, vector<1000x64xf32> -> vector<1000x64xf32>
    %get3A_6 = arith.constant 0 : index
    %get3A_7 = arith.constant 0 : index
    %get3A_8 = vector.load %arg3[%get3A_6, %get3A_7] : memref<1x64xf32, #tpu.memory_space<vmem>>, vector<1x64xf32>
    %add3A = vector.broadcast %get3A_8 : vector<1x64xf32> to vector<1000x64xf32>
    %add3A_9 = arith.addf %dot_general3A_5, %add3A : vector<1000x64xf32>
    %max3A = arith.constant 0.000000e+00 : f32
    %max3A_10 = vector.broadcast %max3A : f32 to vector<1000x64xf32>
    %max3A_11 = arith.maximumf %add3A_9, %max3A_10 : vector<1000x64xf32>
    %get3A_12 = arith.constant 0 : index
    %get3A_13 = arith.constant 0 : index
    %get3A_14 = vector.load %arg4[%get3A_12, %get3A_13] : memref<64x128xf32, #tpu.memory_space<vmem>>, vector<64x128xf32>
    %dot_general3A_15 = arith.constant dense<0.000000e+00> : vector<1000x128xf32>
    %dot_general3A_16 = tpu.matmul %max3A_11, %get3A_14, %dot_general3A_15 {dimension_numbers = #tpu.dot_dimension_numbers<[1], [0], [0], [1], [0, 0, 1, 1], [], []>, transpose_lhs_hint = false} : vector<1000x64xf32>, vector<64x128xf32>, vector<1000x128xf32> -> vector<1000x128xf32>
    %get3A_17 = arith.constant 0 : index
    %get3A_18 = arith.constant 0 : index
    %get3A_19 = vector.load %arg5[%get3A_17, %get3A_18] : memref<64x128xf32, #tpu.memory_space<vmem>>, vector<64x128xf32>
    %dot_general3A_20 = arith.constant dense<0.000000e+00> : vector<1000x128xf32>
    %dot_general3A_21 = tpu.matmul %max3A_11, %get3A_19, %dot_general3A_20 {dimension_numbers = #tpu.dot_dimension_numbers<[1], [0], [0], [1], [0, 0, 1, 1], [], []>, transpose_lhs_hint = false} : vector<1000x64xf32>, vector<64x128xf32>, vector<1000x128xf32> -> vector<1000x128xf32>
    %slice3A = vector.extract_strided_slice %max3A_11 {offsets = [0, 48], sizes = [1000, 16], strides = [1, 1]} : vector<1000x64xf32> to vector<1000x16xf32>
    %sqrt3A = math.sqrt %slice3A : vector<1000x16xf32>
    %mul3A = arith.mulf %get3A_1, %get3A_1 : vector<1000x128xf32>
    %reduce_sum3A = arith.constant dense<0.000000e+00> : vector<1000xf32>
    %reduce_sum3A_22 = vector.multi_reduction <add>, %mul3A, %reduce_sum3A [1] : vector<1000x128xf32> to vector<1000xf32>
    %broadcast_in_dim3A = vector.shape_cast %reduce_sum3A_22 : vector<1000xf32> to vector<1000x1xf32>
    %sqrt3A_23 = math.sqrt %broadcast_in_dim3A : vector<1000x1xf32>
    %max3A_24 = arith.constant 9.99999993E-9 : f32
    %max3A_25 = vector.broadcast %max3A_24 : f32 to vector<1000x1xf32>
    %max3A_26 = arith.maximumf %sqrt3A_23, %max3A_25 : vector<1000x1xf32>
    %div3A = vector.broadcast %max3A_26 : vector<1000x1xf32> to vector<1000x128xf32>
    %div3A_27 = arith.divf %get3A_1, %div3A : vector<1000x128xf32>
    %convert_element_type3A = arith.truncf %div3A_27 : vector<1000x128xf32> to vector<1000x128xf8E4M3FN>
    %bitcast_convert_type3A = tpu.bitcast %convert_element_type3A : vector<1000x128xf8E4M3FN> -> vector<1000x128xi8>
    %convert_element_type3A_28 = arith.extui %bitcast_convert_type3A : vector<1000x128xi8> to vector<1000x128xi32>
    %slice3A_29 = vector.extract_strided_slice %convert_element_type3A_28 {offsets = [0, 0], sizes = [1000, 32], strides = [1, 1]} : vector<1000x128xi32> to vector<1000x32xi32>
    %slice3A_30 = vector.extract_strided_slice %convert_element_type3A_28 {offsets = [0, 32], sizes = [1000, 32], strides = [1, 1]} : vector<1000x128xi32> to vector<1000x32xi32>
    %shift_left3A = arith.constant 8 : i32
    %shift_left3A_31 = vector.broadcast %shift_left3A : i32 to vector<1000x32xi32>
    %shift_left3A_32 = arith.shli %slice3A_30, %shift_left3A_31 : vector<1000x32xi32>
    %or3A = arith.ori %slice3A_29, %shift_left3A_32 : vector<1000x32xi32>
    %slice3A_33 = vector.extract_strided_slice %convert_element_type3A_28 {offsets = [0, 64], sizes = [1000, 32], strides = [1, 1]} : vector<1000x128xi32> to vector<1000x32xi32>
    %shift_left3A_34 = arith.constant 16 : i32
    %shift_left3A_35 = vector.broadcast %shift_left3A_34 : i32 to vector<1000x32xi32>
    %shift_left3A_36 = arith.shli %slice3A_33, %shift_left3A_35 : vector<1000x32xi32>
    %or3A_37 = arith.ori %or3A, %shift_left3A_36 : vector<1000x32xi32>
    %slice3A_38 = vector.extract_strided_slice %convert_element_type3A_28 {offsets = [0, 96], sizes = [1000, 32], strides = [1, 1]} : vector<1000x128xi32> to vector<1000x32xi32>
    %shift_left3A_39 = arith.constant 24 : i32
    %shift_left3A_40 = vector.broadcast %shift_left3A_39 : i32 to vector<1000x32xi32>
    %shift_left3A_41 = arith.shli %slice3A_38, %shift_left3A_40 : vector<1000x32xi32>
    %or3A_42 = arith.ori %or3A_37, %shift_left3A_41 : vector<1000x32xi32>
    %bitcast_convert_type3A_43 = tpu.bitcast %or3A_42 : vector<1000x32xi32> -> vector<1000x32xi32>
    %broadcast_in_dim3A_44 = arith.constant 0 : i32
    %broadcast_in_dim3A_45 = vector.broadcast %broadcast_in_dim3A_44 : i32 to vector<1000x24xi32>
    %slice3A_46 = vector.extract_strided_slice %dot_general3A_16 {offsets = [0, 0], sizes = [1000, 64], strides = [1, 1]} : vector<1000x128xf32> to vector<1000x64xf32>
    %convert_element_type3A_47 = arith.truncf %slice3A_46 : vector<1000x64xf32> to vector<1000x64xbf16>
    %bitcast_convert_type3A_48 = tpu.bitcast %convert_element_type3A_47 : vector<1000x64xbf16> -> vector<1000x64xi16>
    %convert_element_type3A_49 = arith.extui %bitcast_convert_type3A_48 : vector<1000x64xi16> to vector<1000x64xi32>
    %slice3A_50 = vector.extract_strided_slice %dot_general3A_16 {offsets = [0, 64], sizes = [1000, 64], strides = [1, 1]} : vector<1000x128xf32> to vector<1000x64xf32>
    %convert_element_type3A_51 = arith.truncf %slice3A_50 : vector<1000x64xf32> to vector<1000x64xbf16>
    %bitcast_convert_type3A_52 = tpu.bitcast %convert_element_type3A_51 : vector<1000x64xbf16> -> vector<1000x64xi16>
    %convert_element_type3A_53 = arith.extui %bitcast_convert_type3A_52 : vector<1000x64xi16> to vector<1000x64xi32>
    %shift_left3A_54 = arith.constant 16 : i32
    %shift_left3A_55 = vector.broadcast %shift_left3A_54 : i32 to vector<1000x64xi32>
    %shift_left3A_56 = arith.shli %convert_element_type3A_53, %shift_left3A_55 : vector<1000x64xi32>
    %or3A_57 = arith.ori %convert_element_type3A_49, %shift_left3A_56 : vector<1000x64xi32>
    %bitcast_convert_type3A_58 = tpu.bitcast %or3A_57 : vector<1000x64xi32> -> vector<1000x64xi32>
    %slice3A_59 = vector.extract_strided_slice %sqrt3A {offsets = [0, 0], sizes = [1000, 8], strides = [1, 1]} : vector<1000x16xf32> to vector<1000x8xf32>
    %convert_element_type3A_60 = arith.truncf %slice3A_59 : vector<1000x8xf32> to vector<1000x8xbf16>
    %bitcast_convert_type3A_61 = tpu.bitcast %convert_element_type3A_60 : vector<1000x8xbf16> -> vector<1000x8xi16>
    %convert_element_type3A_62 = arith.extui %bitcast_convert_type3A_61 : vector<1000x8xi16> to vector<1000x8xi32>
    %slice3A_63 = vector.extract_strided_slice %sqrt3A {offsets = [0, 8], sizes = [1000, 8], strides = [1, 1]} : vector<1000x16xf32> to vector<1000x8xf32>
    %convert_element_type3A_64 = arith.truncf %slice3A_63 : vector<1000x8xf32> to vector<1000x8xbf16>
    %bitcast_convert_type3A_65 = tpu.bitcast %convert_element_type3A_64 : vector<1000x8xbf16> -> vector<1000x8xi16>
    %convert_element_type3A_66 = arith.extui %bitcast_convert_type3A_65 : vector<1000x8xi16> to vector<1000x8xi32>
    %shift_left3A_67 = arith.constant 16 : i32
    %shift_left3A_68 = vector.broadcast %shift_left3A_67 : i32 to vector<1000x8xi32>
    %shift_left3A_69 = arith.shli %convert_element_type3A_66, %shift_left3A_68 : vector<1000x8xi32>
    %or3A_70 = arith.ori %convert_element_type3A_62, %shift_left3A_69 : vector<1000x8xi32>
    %bitcast_convert_type3A_71 = tpu.bitcast %or3A_70 : vector<1000x8xi32> -> vector<1000x8xi32>
    %concatenate3A = tpu.concatenate %bitcast_convert_type3A_58, %bitcast_convert_type3A_71, %bitcast_convert_type3A_43, %broadcast_in_dim3A_45 in 1 : vector<1000x64xi32>, vector<1000x8xi32>, vector<1000x32xi32>, vector<1000x24xi32> -> vector<1000x128xi32>
    %swap3A = arith.constant 0 : index
    %swap3A_72 = arith.constant 0 : index
    %swap3A_73 = vector.load %arg6[%swap3A, %swap3A_72] : memref<1000x128xi32, #tpu.memory_space<vmem>>, vector<1000x128xi32>
    tpu.vector_store %arg6[%swap3A, %swap3A_72], %concatenate3A {strides = array<i32>} : memref<1000x128xi32, #tpu.memory_space<vmem>>, vector<1000x128xi32>,
    %slice3A_74 = vector.extract_strided_slice %dot_general3A_21 {offsets = [0, 0], sizes = [1000, 64], strides = [1, 1]} : vector<1000x128xf32> to vector<1000x64xf32>
    %convert_element_type3A_75 = arith.truncf %slice3A_74 : vector<1000x64xf32> to vector<1000x64xbf16>
    %bitcast_convert_type3A_76 = tpu.bitcast %convert_element_type3A_75 : vector<1000x64xbf16> -> vector<1000x64xi16>
    %convert_element_type3A_77 = arith.extui %bitcast_convert_type3A_76 : vector<1000x64xi16> to vector<1000x64xi32>
    %slice3A_78 = vector.extract_strided_slice %dot_general3A_21 {offsets = [0, 64], sizes = [1000, 64], strides = [1, 1]} : vector<1000x128xf32> to vector<1000x64xf32>
    %convert_element_type3A_79 = arith.truncf %slice3A_78 : vector<1000x64xf32> to vector<1000x64xbf16>
    %bitcast_convert_type3A_80 = tpu.bitcast %convert_element_type3A_79 : vector<1000x64xbf16> -> vector<1000x64xi16>
    %convert_element_type3A_81 = arith.extui %bitcast_convert_type3A_80 : vector<1000x64xi16> to vector<1000x64xi32>
    %shift_left3A_82 = arith.constant 16 : i32
    %shift_left3A_83 = vector.broadcast %shift_left3A_82 : i32 to vector<1000x64xi32>
    %shift_left3A_84 = arith.shli %convert_element_type3A_81, %shift_left3A_83 : vector<1000x64xi32>
    %or3A_85 = arith.ori %convert_element_type3A_77, %shift_left3A_84 : vector<1000x64xi32>
    %bitcast_convert_type3A_86 = tpu.bitcast %or3A_85 : vector<1000x64xi32> -> vector<1000x64xi32>
    %slice3A_87 = vector.extract_strided_slice %sqrt3A {offsets = [0, 0], sizes = [1000, 8], strides = [1, 1]} : vector<1000x16xf32> to vector<1000x8xf32>
    %convert_element_type3A_88 = arith.truncf %slice3A_87 : vector<1000x8xf32> to vector<1000x8xbf16>
    %bitcast_convert_type3A_89 = tpu.bitcast %convert_element_type3A_88 : vector<1000x8xbf16> -> vector<1000x8xi16>
    %convert_element_type3A_90 = arith.extui %bitcast_convert_type3A_89 : vector<1000x8xi16> to vector<1000x8xi32>
    %slice3A_91 = vector.extract_strided_slice %sqrt3A {offsets = [0, 8], sizes = [1000, 8], strides = [1, 1]} : vector<1000x16xf32> to vector<1000x8xf32>
    %convert_element_type3A_92 = arith.truncf %slice3A_91 : vector<1000x8xf32> to vector<1000x8xbf16>
    %bitcast_convert_type3A_93 = tpu.bitcast %convert_element_type3A_92 : vector<1000x8xbf16> -> vector<1000x8xi16>
    %convert_element_type3A_94 = arith.extui %bitcast_convert_type3A_93 : vector<1000x8xi16> to vector<1000x8xi32>
    %shift_left3A_95 = arith.constant 16 : i32
    %shift_left3A_96 = vector.broadcast %shift_left3A_95 : i32 to vector<1000x8xi32>
    %shift_left3A_97 = arith.shli %convert_element_type3A_94, %shift_left3A_96 : vector<1000x8xi32>
    %or3A_98 = arith.ori %convert_element_type3A_90, %shift_left3A_97 : vector<1000x8xi32>
    %bitcast_convert_type3A_99 = tpu.bitcast %or3A_98 : vector<1000x8xi32> -> vector<1000x8xi32>
    %concatenate3A_100 = tpu.concatenate %bitcast_convert_type3A_86, %bitcast_convert_type3A_99, %bitcast_convert_type3A_43, %broadcast_in_dim3A_45 in 1 : vector<1000x64xi32>, vector<1000x8xi32>, vector<1000x32xi32>, vector<1000x24xi32> -> vector<1000x128xi32>
    %swap3A_101 = arith.constant 0 : index
    %swap3A_102 = arith.constant 0 : index
    %swap3A_103 = vector.load %arg7[%swap3A_101, %swap3A_102] : memref<1000x128xi32, #tpu.memory_space<vmem>>, vector<1000x128xi32>
    tpu.vector_store %arg7[%swap3A_101, %swap3A_102], %concatenate3A_100 {strides = array<i32>} : memref<1000x128xi32, #tpu.memory_space<vmem>>, vector<1000x128xi32>,
    return
  }
  func.func @transform_0(%arg0: i32) -> (i32, i32) {
    %c0_i32 = arith.constant 0 : i32
    %c0_i32_0 = arith.constant 0 : i32
    return %arg0, %c0_i32 : i32, i32
  }
  func.func @transform_1(%arg0: i32) -> (i32, i32) {
    %c0_i32 = arith.constant 0 : i32
    %c0_i32_0 = arith.constant 0 : i32
    %c0_i32_1 = arith.constant 0 : i32
    return %c0_i32, %c0_i32_0 : i32, i32
  }
  func.func @transform_2(%arg0: i32) -> (i32, i32) {
    %c0_i32 = arith.constant 0 : i32
    %c0_i32_0 = arith.constant 0 : i32
    %c0_i32_1 = arith.constant 0 : i32
    return %c0_i32, %c0_i32_0 : i32, i32
  }
  func.func @transform_3(%arg0: i32) -> (i32, i32) {
    %c0_i32 = arith.constant 0 : i32
    %c0_i32_0 = arith.constant 0 : i32
    %c0_i32_1 = arith.constant 0 : i32
    return %c0_i32, %c0_i32_0 : i32, i32
  }
  func.func @transform_4(%arg0: i32) -> (i32, i32) {
    %c0_i32 = arith.constant 0 : i32
    %c0_i32_0 = arith.constant 0 : i32
    %c0_i32_1 = arith.constant 0 : i32
    return %c0_i32, %c0_i32_0 : i32, i32
  }
  func.func @transform_5(%arg0: i32) -> (i32, i32) {
    %c0_i32 = arith.constant 0 : i32
    %c0_i32_0 = arith.constant 0 : i32
    return %arg0, %c0_i32 : i32, i32
  }
  func.func @transform_6(%arg0: i32) -> (i32, i32) {
    %c0_i32 = arith.constant 0 : i32
    %c0_i32_0 = arith.constant 0 : i32
    return %arg0, %c0_i32 : i32, i32
  }
}

module attributes {stable_mosaic.version = 14 : i64} {
  func.func @_lambda_(%arg0: i32, %arg1: memref<2560x128xi32, #tpu.memory_space<vmem>>, %arg2: memref<2560x128xi32, #tpu.memory_space<vmem>>, %arg3: memref<16x2560xf32, #tpu.memory_space<vmem>>, %arg4: memref<16x128xf32, #tpu.memory_space<vmem>>, %arg5: memref<16x128xf32, #tpu.memory_space<vmem>>, %arg6: memref<1x128xf32, #tpu.memory_space<vmem>>, %arg7: memref<1x128xf32, #tpu.memory_space<vmem>>, %arg8: memref<2560x128xf32, #tpu.memory_space<vmem>>) attributes {dimension_semantics = [#tpu.dimension_semantics<arbitrary>], iteration_bounds = array<i64: 13>, scalar_prefetch = 0 : i64, scratch_operands = 0 : i64, tpu.core_type = #tpu.core_type<tc>, window_params = [{transform_indices = @transform_0, window_bounds = array<i64: 2560, 128>}, {transform_indices = @transform_1, window_bounds = array<i64: 2560, 128>}, {transform_indices = @transform_2, window_bounds = array<i64: 16, 2560>}, {pipeline_mode = #tpu.pipeline_mode<synchronous>, transform_indices = @transform_3, window_bounds = array<i64: 16, 128>}, {pipeline_mode = #tpu.pipeline_mode<synchronous>, transform_indices = @transform_4, window_bounds = array<i64: 16, 128>}, {pipeline_mode = #tpu.pipeline_mode<synchronous>, transform_indices = @transform_5, window_bounds = array<i64: 1, 128>}, {pipeline_mode = #tpu.pipeline_mode<synchronous>, transform_indices = @transform_6, window_bounds = array<i64: 1, 128>}, {transform_indices = @transform_7, window_bounds = array<i64: 2560, 128>}]} {
    %get3A = arith.constant 0 : index
    %get3A_0 = arith.constant 0 : index
    %get3A_1 = vector.load %arg1[%get3A, %get3A_0] : memref<2560x128xi32, #tpu.memory_space<vmem>>, vector<2560x128xi32>
    %get3A_2 = arith.constant 0 : index
    %get3A_3 = arith.constant 0 : index
    %get3A_4 = vector.load %arg2[%get3A_2, %get3A_3] : memref<2560x128xi32, #tpu.memory_space<vmem>>, vector<2560x128xi32>
    %get3A_5 = arith.constant 0 : index
    %get3A_6 = arith.constant 0 : index
    %get3A_7 = vector.load %arg4[%get3A_5, %get3A_6] : memref<16x128xf32, #tpu.memory_space<vmem>>, vector<16x128xf32>
    %get3A_8 = arith.constant 0 : index
    %get3A_9 = arith.constant 0 : index
    %get3A_10 = vector.load %arg5[%get3A_8, %get3A_9] : memref<16x128xf32, #tpu.memory_space<vmem>>, vector<16x128xf32>
    %get3A_11 = arith.constant 0 : index
    %get3A_12 = arith.constant 0 : index
    %get3A_13 = vector.load %arg6[%get3A_11, %get3A_12] : memref<1x128xf32, #tpu.memory_space<vmem>>, vector<1x128xf32>
    %get3A_14 = arith.constant 0 : index
    %get3A_15 = arith.constant 0 : index
    %get3A_16 = vector.load %arg7[%get3A_14, %get3A_15] : memref<1x128xf32, #tpu.memory_space<vmem>>, vector<1x128xf32>
    %get3A_17 = arith.constant 0 : index
    %get3A_18 = arith.constant 0 : index
    %get3A_19 = vector.load %arg3[%get3A_17, %get3A_18] : memref<16x2560xf32, #tpu.memory_space<vmem>>, vector<16x2560xf32>
    %slice3A = vector.extract_strided_slice %get3A_1 {offsets = [0, 64], sizes = [2560, 8], strides = [1, 1]} : vector<2560x128xi32> to vector<2560x8xi32>
    %slice3A_20 = vector.extract_strided_slice %get3A_4 {offsets = [0, 64], sizes = [2560, 8], strides = [1, 1]} : vector<2560x128xi32> to vector<2560x8xi32>
    %shift_left3A = arith.constant 16 : i32
    %shift_left3A_21 = vector.broadcast %shift_left3A : i32 to vector<2560x8xi32>
    %shift_left3A_22 = arith.shli %slice3A, %shift_left3A_21 : vector<2560x8xi32>
    %bitcast_convert_type3A = tpu.bitcast %shift_left3A_22 : vector<2560x8xi32> -> vector<2560x8xf32>
    %shift_left3A_23 = arith.constant 16 : i32
    %shift_left3A_24 = vector.broadcast %shift_left3A_23 : i32 to vector<2560x8xi32>
    %shift_left3A_25 = arith.shli %slice3A_20, %shift_left3A_24 : vector<2560x8xi32>
    %bitcast_convert_type3A_26 = tpu.bitcast %shift_left3A_25 : vector<2560x8xi32> -> vector<2560x8xf32>
    %mul3A = arith.mulf %bitcast_convert_type3A, %bitcast_convert_type3A_26 : vector<2560x8xf32>
    %and3A = arith.constant -65536 : i32
    %and3A_27 = vector.broadcast %and3A : i32 to vector<2560x8xi32>
    %and3A_28 = arith.andi %slice3A, %and3A_27 : vector<2560x8xi32>
    %bitcast_convert_type3A_29 = tpu.bitcast %and3A_28 : vector<2560x8xi32> -> vector<2560x8xf32>
    %and3A_30 = arith.constant -65536 : i32
    %and3A_31 = vector.broadcast %and3A_30 : i32 to vector<2560x8xi32>
    %and3A_32 = arith.andi %slice3A_20, %and3A_31 : vector<2560x8xi32>
    %bitcast_convert_type3A_33 = tpu.bitcast %and3A_32 : vector<2560x8xi32> -> vector<2560x8xf32>
    %mul3A_34 = arith.mulf %bitcast_convert_type3A_29, %bitcast_convert_type3A_33 : vector<2560x8xf32>
    %slice3A_35 = vector.extract_strided_slice %get3A_1 {offsets = [0, 72], sizes = [2560, 32], strides = [1, 1]} : vector<2560x128xi32> to vector<2560x32xi32>
    %slice3A_36 = vector.extract_strided_slice %get3A_4 {offsets = [0, 72], sizes = [2560, 32], strides = [1, 1]} : vector<2560x128xi32> to vector<2560x32xi32>
    %shift_right_logical3A = arith.constant 0 : i32
    %shift_right_logical3A_37 = vector.broadcast %shift_right_logical3A : i32 to vector<2560x32xi32>
    %shift_right_logical3A_38 = arith.shrui %slice3A_35, %shift_right_logical3A_37 : vector<2560x32xi32>
    %and3A_39 = arith.constant 255 : i32
    %and3A_40 = vector.broadcast %and3A_39 : i32 to vector<2560x32xi32>
    %and3A_41 = arith.andi %shift_right_logical3A_38, %and3A_40 : vector<2560x32xi32>
    %convert_element_type3A = arith.trunci %and3A_41 : vector<2560x32xi32> to vector<2560x32xi8>
    %bitcast_convert_type3A_42 = tpu.bitcast %convert_element_type3A : vector<2560x32xi8> -> vector<2560x32xf8E4M3FN>
    %convert_element_type3A_43 = arith.extf %bitcast_convert_type3A_42 : vector<2560x32xf8E4M3FN> to vector<2560x32xf32>
    %shift_right_logical3A_44 = arith.constant 0 : i32
    %shift_right_logical3A_45 = vector.broadcast %shift_right_logical3A_44 : i32 to vector<2560x32xi32>
    %shift_right_logical3A_46 = arith.shrui %slice3A_36, %shift_right_logical3A_45 : vector<2560x32xi32>
    %and3A_47 = arith.constant 255 : i32
    %and3A_48 = vector.broadcast %and3A_47 : i32 to vector<2560x32xi32>
    %and3A_49 = arith.andi %shift_right_logical3A_46, %and3A_48 : vector<2560x32xi32>
    %convert_element_type3A_50 = arith.trunci %and3A_49 : vector<2560x32xi32> to vector<2560x32xi8>
    %bitcast_convert_type3A_51 = tpu.bitcast %convert_element_type3A_50 : vector<2560x32xi8> -> vector<2560x32xf8E4M3FN>
    %convert_element_type3A_52 = arith.extf %bitcast_convert_type3A_51 : vector<2560x32xf8E4M3FN> to vector<2560x32xf32>
    %mul3A_53 = arith.mulf %convert_element_type3A_43, %convert_element_type3A_52 : vector<2560x32xf32>
    %shift_right_logical3A_54 = arith.constant 8 : i32
    %shift_right_logical3A_55 = vector.broadcast %shift_right_logical3A_54 : i32 to vector<2560x32xi32>
    %shift_right_logical3A_56 = arith.shrui %slice3A_35, %shift_right_logical3A_55 : vector<2560x32xi32>
    %and3A_57 = arith.constant 255 : i32
    %and3A_58 = vector.broadcast %and3A_57 : i32 to vector<2560x32xi32>
    %and3A_59 = arith.andi %shift_right_logical3A_56, %and3A_58 : vector<2560x32xi32>
    %convert_element_type3A_60 = arith.trunci %and3A_59 : vector<2560x32xi32> to vector<2560x32xi8>
    %bitcast_convert_type3A_61 = tpu.bitcast %convert_element_type3A_60 : vector<2560x32xi8> -> vector<2560x32xf8E4M3FN>
    %convert_element_type3A_62 = arith.extf %bitcast_convert_type3A_61 : vector<2560x32xf8E4M3FN> to vector<2560x32xf32>
    %shift_right_logical3A_63 = arith.constant 8 : i32
    %shift_right_logical3A_64 = vector.broadcast %shift_right_logical3A_63 : i32 to vector<2560x32xi32>
    %shift_right_logical3A_65 = arith.shrui %slice3A_36, %shift_right_logical3A_64 : vector<2560x32xi32>
    %and3A_66 = arith.constant 255 : i32
    %and3A_67 = vector.broadcast %and3A_66 : i32 to vector<2560x32xi32>
    %and3A_68 = arith.andi %shift_right_logical3A_65, %and3A_67 : vector<2560x32xi32>
    %convert_element_type3A_69 = arith.trunci %and3A_68 : vector<2560x32xi32> to vector<2560x32xi8>
    %bitcast_convert_type3A_70 = tpu.bitcast %convert_element_type3A_69 : vector<2560x32xi8> -> vector<2560x32xf8E4M3FN>
    %convert_element_type3A_71 = arith.extf %bitcast_convert_type3A_70 : vector<2560x32xf8E4M3FN> to vector<2560x32xf32>
    %mul3A_72 = arith.mulf %convert_element_type3A_62, %convert_element_type3A_71 : vector<2560x32xf32>
    %shift_right_logical3A_73 = arith.constant 16 : i32
    %shift_right_logical3A_74 = vector.broadcast %shift_right_logical3A_73 : i32 to vector<2560x32xi32>
    %shift_right_logical3A_75 = arith.shrui %slice3A_35, %shift_right_logical3A_74 : vector<2560x32xi32>
    %and3A_76 = arith.constant 255 : i32
    %and3A_77 = vector.broadcast %and3A_76 : i32 to vector<2560x32xi32>
    %and3A_78 = arith.andi %shift_right_logical3A_75, %and3A_77 : vector<2560x32xi32>
    %convert_element_type3A_79 = arith.trunci %and3A_78 : vector<2560x32xi32> to vector<2560x32xi8>
    %bitcast_convert_type3A_80 = tpu.bitcast %convert_element_type3A_79 : vector<2560x32xi8> -> vector<2560x32xf8E4M3FN>
    %convert_element_type3A_81 = arith.extf %bitcast_convert_type3A_80 : vector<2560x32xf8E4M3FN> to vector<2560x32xf32>
    %shift_right_logical3A_82 = arith.constant 16 : i32
    %shift_right_logical3A_83 = vector.broadcast %shift_right_logical3A_82 : i32 to vector<2560x32xi32>
    %shift_right_logical3A_84 = arith.shrui %slice3A_36, %shift_right_logical3A_83 : vector<2560x32xi32>
    %and3A_85 = arith.constant 255 : i32
    %and3A_86 = vector.broadcast %and3A_85 : i32 to vector<2560x32xi32>
    %and3A_87 = arith.andi %shift_right_logical3A_84, %and3A_86 : vector<2560x32xi32>
    %convert_element_type3A_88 = arith.trunci %and3A_87 : vector<2560x32xi32> to vector<2560x32xi8>
    %bitcast_convert_type3A_89 = tpu.bitcast %convert_element_type3A_88 : vector<2560x32xi8> -> vector<2560x32xf8E4M3FN>
    %convert_element_type3A_90 = arith.extf %bitcast_convert_type3A_89 : vector<2560x32xf8E4M3FN> to vector<2560x32xf32>
    %mul3A_91 = arith.mulf %convert_element_type3A_81, %convert_element_type3A_90 : vector<2560x32xf32>
    %shift_right_logical3A_92 = arith.constant 24 : i32
    %shift_right_logical3A_93 = vector.broadcast %shift_right_logical3A_92 : i32 to vector<2560x32xi32>
    %shift_right_logical3A_94 = arith.shrui %slice3A_35, %shift_right_logical3A_93 : vector<2560x32xi32>
    %and3A_95 = arith.constant 255 : i32
    %and3A_96 = vector.broadcast %and3A_95 : i32 to vector<2560x32xi32>
    %and3A_97 = arith.andi %shift_right_logical3A_94, %and3A_96 : vector<2560x32xi32>
    %convert_element_type3A_98 = arith.trunci %and3A_97 : vector<2560x32xi32> to vector<2560x32xi8>
    %bitcast_convert_type3A_99 = tpu.bitcast %convert_element_type3A_98 : vector<2560x32xi8> -> vector<2560x32xf8E4M3FN>
    %convert_element_type3A_100 = arith.extf %bitcast_convert_type3A_99 : vector<2560x32xf8E4M3FN> to vector<2560x32xf32>
    %shift_right_logical3A_101 = arith.constant 24 : i32
    %shift_right_logical3A_102 = vector.broadcast %shift_right_logical3A_101 : i32 to vector<2560x32xi32>
    %shift_right_logical3A_103 = arith.shrui %slice3A_36, %shift_right_logical3A_102 : vector<2560x32xi32>
    %and3A_104 = arith.constant 255 : i32
    %and3A_105 = vector.broadcast %and3A_104 : i32 to vector<2560x32xi32>
    %and3A_106 = arith.andi %shift_right_logical3A_103, %and3A_105 : vector<2560x32xi32>
    %convert_element_type3A_107 = arith.trunci %and3A_106 : vector<2560x32xi32> to vector<2560x32xi8>
    %bitcast_convert_type3A_108 = tpu.bitcast %convert_element_type3A_107 : vector<2560x32xi8> -> vector<2560x32xf8E4M3FN>
    %convert_element_type3A_109 = arith.extf %bitcast_convert_type3A_108 : vector<2560x32xf8E4M3FN> to vector<2560x32xf32>
    %mul3A_110 = arith.mulf %convert_element_type3A_100, %convert_element_type3A_109 : vector<2560x32xf32>
    %add3A = arith.addf %mul3A_53, %mul3A_72 : vector<2560x32xf32>
    %add3A_111 = arith.addf %mul3A_91, %mul3A_110 : vector<2560x32xf32>
    %add3A_112 = arith.addf %add3A, %add3A_111 : vector<2560x32xf32>
    %slice3A_113 = vector.extract_strided_slice %get3A_1 {offsets = [0, 0], sizes = [2560, 64], strides = [1, 1]} : vector<2560x128xi32> to vector<2560x64xi32>
    %shift_left3A_114 = arith.constant 16 : i32
    %shift_left3A_115 = vector.broadcast %shift_left3A_114 : i32 to vector<2560x64xi32>
    %shift_left3A_116 = arith.shli %slice3A_113, %shift_left3A_115 : vector<2560x64xi32>
    %bitcast_convert_type3A_117 = tpu.bitcast %shift_left3A_116 : vector<2560x64xi32> -> vector<2560x64xf32>
    %slice3A_118 = vector.extract_strided_slice %get3A_4 {offsets = [0, 0], sizes = [2560, 64], strides = [1, 1]} : vector<2560x128xi32> to vector<2560x64xi32>
    %shift_left3A_119 = arith.constant 16 : i32
    %shift_left3A_120 = vector.broadcast %shift_left3A_119 : i32 to vector<2560x64xi32>
    %shift_left3A_121 = arith.shli %slice3A_118, %shift_left3A_120 : vector<2560x64xi32>
    %bitcast_convert_type3A_122 = tpu.bitcast %shift_left3A_121 : vector<2560x64xi32> -> vector<2560x64xf32>
    %add3A_123 = arith.addf %bitcast_convert_type3A_117, %bitcast_convert_type3A_122 : vector<2560x64xf32>
    %slice3A_124 = vector.extract_strided_slice %get3A_16 {offsets = [0, 0], sizes = [1, 64], strides = [1, 1]} : vector<1x128xf32> to vector<1x64xf32>
    %add3A_125 = vector.broadcast %slice3A_124 : vector<1x64xf32> to vector<2560x64xf32>
    %add3A_126 = arith.addf %add3A_123, %add3A_125 : vector<2560x64xf32>
    %slice3A_127 = vector.extract_strided_slice %get3A_7 {offsets = [0, 0], sizes = [8, 64], strides = [1, 1]} : vector<16x128xf32> to vector<8x64xf32>
    %dot_general3A = arith.constant dense<0.000000e+00> : vector<2560x64xf32>
    %dot_general3A_128 = tpu.matmul %mul3A, %slice3A_127, %dot_general3A {dimension_numbers = #tpu.dot_dimension_numbers<[1], [0], [0], [1], [0, 0, 1, 1], [], []>, transpose_lhs_hint = false} : vector<2560x8xf32>, vector<8x64xf32>, vector<2560x64xf32> -> vector<2560x64xf32>
    %add3A_129 = arith.addf %add3A_126, %dot_general3A_128 : vector<2560x64xf32>
    %slice3A_130 = vector.extract_strided_slice %get3A_7 {offsets = [8, 0], sizes = [8, 64], strides = [1, 1]} : vector<16x128xf32> to vector<8x64xf32>
    %dot_general3A_131 = arith.constant dense<0.000000e+00> : vector<2560x64xf32>
    %dot_general3A_132 = tpu.matmul %mul3A_34, %slice3A_130, %dot_general3A_131 {dimension_numbers = #tpu.dot_dimension_numbers<[1], [0], [0], [1], [0, 0, 1, 1], [], []>, transpose_lhs_hint = false} : vector<2560x8xf32>, vector<8x64xf32>, vector<2560x64xf32> -> vector<2560x64xf32>
    %add3A_133 = arith.addf %add3A_129, %dot_general3A_132 : vector<2560x64xf32>
    %slice3A_134 = vector.extract_strided_slice %get3A_10 {offsets = [0, 0], sizes = [16, 64], strides = [1, 1]} : vector<16x128xf32> to vector<16x64xf32>
    %dot_general3A_135 = arith.constant dense<0.000000e+00> : vector<2560x64xf32>
    %dot_general3A_136 = tpu.matmul %get3A_19, %slice3A_134, %dot_general3A_135 {dimension_numbers = #tpu.dot_dimension_numbers<[0], [0], [1], [1], [0, 1, 1, 1], [], []>, transpose_lhs_hint = false} : vector<16x2560xf32>, vector<16x64xf32>, vector<2560x64xf32> -> vector<2560x64xf32>
    %add3A_137 = arith.addf %add3A_133, %dot_general3A_136 : vector<2560x64xf32>
    %slice3A_138 = vector.extract_strided_slice %get3A_13 {offsets = [0, 0], sizes = [1, 64], strides = [1, 1]} : vector<1x128xf32> to vector<1x64xf32>
    %broadcast_in_dim3A = vector.shape_cast %slice3A_138 : vector<1x64xf32> to vector<1x64xf32>
    %broadcast_in_dim3A_139 = vector.broadcast %broadcast_in_dim3A : vector<1x64xf32> to vector<32x64xf32>
    %dot_general3A_140 = arith.constant dense<0.000000e+00> : vector<2560x64xf32>
    %dot_general3A_141 = tpu.matmul %add3A_112, %broadcast_in_dim3A_139, %dot_general3A_140 {dimension_numbers = #tpu.dot_dimension_numbers<[1], [0], [0], [1], [0, 0, 1, 1], [], []>, transpose_lhs_hint = false} : vector<2560x32xf32>, vector<32x64xf32>, vector<2560x64xf32> -> vector<2560x64xf32>
    %add3A_142 = arith.addf %add3A_137, %dot_general3A_141 : vector<2560x64xf32>
    %max3A = arith.constant 0.000000e+00 : f32
    %max3A_143 = vector.broadcast %max3A : f32 to vector<2560x64xf32>
    %max3A_144 = arith.maximumf %add3A_142, %max3A_143 : vector<2560x64xf32>
    %swap3A = arith.constant 0 : index
    %swap3A_145 = arith.constant 0 : index
    %swap3A_146 = vector.load %arg8[%swap3A, %swap3A_145] : memref<2560x128xf32, #tpu.memory_space<vmem>>, vector<2560x64xf32>
    tpu.vector_store %arg8[%swap3A, %swap3A_145], %max3A_144 {strides = array<i32>} : memref<2560x128xf32, #tpu.memory_space<vmem>>, vector<2560x64xf32>,
    %slice3A_147 = vector.extract_strided_slice %get3A_1 {offsets = [0, 0], sizes = [2560, 64], strides = [1, 1]} : vector<2560x128xi32> to vector<2560x64xi32>
    %and3A_148 = arith.constant -65536 : i32
    %and3A_149 = vector.broadcast %and3A_148 : i32 to vector<2560x64xi32>
    %and3A_150 = arith.andi %slice3A_147, %and3A_149 : vector<2560x64xi32>
    %bitcast_convert_type3A_151 = tpu.bitcast %and3A_150 : vector<2560x64xi32> -> vector<2560x64xf32>
    %slice3A_152 = vector.extract_strided_slice %get3A_4 {offsets = [0, 0], sizes = [2560, 64], strides = [1, 1]} : vector<2560x128xi32> to vector<2560x64xi32>
    %and3A_153 = arith.constant -65536 : i32
    %and3A_154 = vector.broadcast %and3A_153 : i32 to vector<2560x64xi32>
    %and3A_155 = arith.andi %slice3A_152, %and3A_154 : vector<2560x64xi32>
    %bitcast_convert_type3A_156 = tpu.bitcast %and3A_155 : vector<2560x64xi32> -> vector<2560x64xf32>
    %add3A_157 = arith.addf %bitcast_convert_type3A_151, %bitcast_convert_type3A_156 : vector<2560x64xf32>
    %slice3A_158 = vector.extract_strided_slice %get3A_16 {offsets = [0, 64], sizes = [1, 64], strides = [1, 1]} : vector<1x128xf32> to vector<1x64xf32>
    %add3A_159 = vector.broadcast %slice3A_158 : vector<1x64xf32> to vector<2560x64xf32>
    %add3A_160 = arith.addf %add3A_157, %add3A_159 : vector<2560x64xf32>
    %slice3A_161 = vector.extract_strided_slice %get3A_7 {offsets = [0, 64], sizes = [8, 64], strides = [1, 1]} : vector<16x128xf32> to vector<8x64xf32>
    %dot_general3A_162 = arith.constant dense<0.000000e+00> : vector<2560x64xf32>
    %dot_general3A_163 = tpu.matmul %mul3A, %slice3A_161, %dot_general3A_162 {dimension_numbers = #tpu.dot_dimension_numbers<[1], [0], [0], [1], [0, 0, 1, 1], [], []>, transpose_lhs_hint = false} : vector<2560x8xf32>, vector<8x64xf32>, vector<2560x64xf32> -> vector<2560x64xf32>
    %add3A_164 = arith.addf %add3A_160, %dot_general3A_163 : vector<2560x64xf32>
    %slice3A_165 = vector.extract_strided_slice %get3A_7 {offsets = [8, 64], sizes = [8, 64], strides = [1, 1]} : vector<16x128xf32> to vector<8x64xf32>
    %dot_general3A_166 = arith.constant dense<0.000000e+00> : vector<2560x64xf32>
    %dot_general3A_167 = tpu.matmul %mul3A_34, %slice3A_165, %dot_general3A_166 {dimension_numbers = #tpu.dot_dimension_numbers<[1], [0], [0], [1], [0, 0, 1, 1], [], []>, transpose_lhs_hint = false} : vector<2560x8xf32>, vector<8x64xf32>, vector<2560x64xf32> -> vector<2560x64xf32>
    %add3A_168 = arith.addf %add3A_164, %dot_general3A_167 : vector<2560x64xf32>
    %slice3A_169 = vector.extract_strided_slice %get3A_10 {offsets = [0, 64], sizes = [16, 64], strides = [1, 1]} : vector<16x128xf32> to vector<16x64xf32>
    %dot_general3A_170 = arith.constant dense<0.000000e+00> : vector<2560x64xf32>
    %dot_general3A_171 = tpu.matmul %get3A_19, %slice3A_169, %dot_general3A_170 {dimension_numbers = #tpu.dot_dimension_numbers<[0], [0], [1], [1], [0, 1, 1, 1], [], []>, transpose_lhs_hint = false} : vector<16x2560xf32>, vector<16x64xf32>, vector<2560x64xf32> -> vector<2560x64xf32>
    %add3A_172 = arith.addf %add3A_168, %dot_general3A_171 : vector<2560x64xf32>
    %slice3A_173 = vector.extract_strided_slice %get3A_13 {offsets = [0, 64], sizes = [1, 64], strides = [1, 1]} : vector<1x128xf32> to vector<1x64xf32>
    %broadcast_in_dim3A_174 = vector.shape_cast %slice3A_173 : vector<1x64xf32> to vector<1x64xf32>
    %broadcast_in_dim3A_175 = vector.broadcast %broadcast_in_dim3A_174 : vector<1x64xf32> to vector<32x64xf32>
    %dot_general3A_176 = arith.constant dense<0.000000e+00> : vector<2560x64xf32>
    %dot_general3A_177 = tpu.matmul %add3A_112, %broadcast_in_dim3A_175, %dot_general3A_176 {dimension_numbers = #tpu.dot_dimension_numbers<[1], [0], [0], [1], [0, 0, 1, 1], [], []>, transpose_lhs_hint = false} : vector<2560x32xf32>, vector<32x64xf32>, vector<2560x64xf32> -> vector<2560x64xf32>
    %add3A_178 = arith.addf %add3A_172, %dot_general3A_177 : vector<2560x64xf32>
    %max3A_179 = arith.constant 0.000000e+00 : f32
    %max3A_180 = vector.broadcast %max3A_179 : f32 to vector<2560x64xf32>
    %max3A_181 = arith.maximumf %add3A_178, %max3A_180 : vector<2560x64xf32>
    %swap3A_182 = arith.constant 0 : index
    %swap3A_183 = arith.constant 64 : index
    %swap3A_184 = vector.load %arg8[%swap3A_182, %swap3A_183] : memref<2560x128xf32, #tpu.memory_space<vmem>>, vector<2560x64xf32>
    tpu.vector_store %arg8[%swap3A_182, %swap3A_183], %max3A_181 {strides = array<i32>} : memref<2560x128xf32, #tpu.memory_space<vmem>>, vector<2560x64xf32>,
    return
  }
  func.func @transform_0(%arg0: i32) -> (i32, i32) {
    %c0_i32 = arith.constant 0 : i32
    %c0_i32_0 = arith.constant 0 : i32
    return %arg0, %c0_i32 : i32, i32
  }
  func.func @transform_1(%arg0: i32) -> (i32, i32) {
    %c0_i32 = arith.constant 0 : i32
    %c0_i32_0 = arith.constant 0 : i32
    return %arg0, %c0_i32 : i32, i32
  }
  func.func @transform_2(%arg0: i32) -> (i32, i32) {
    %add3A = arith.constant 0 : i32
    %add3A_0 = arith.addi %arg0, %add3A : i32
    %c0_i32 = arith.constant 0 : i32
    %c0_i32_1 = arith.constant 0 : i32
    return %c0_i32, %add3A_0 : i32, i32
  }
  func.func @transform_3(%arg0: i32) -> (i32, i32) {
    %c0_i32 = arith.constant 0 : i32
    %c0_i32_0 = arith.constant 0 : i32
    %c0_i32_1 = arith.constant 0 : i32
    return %c0_i32, %c0_i32_0 : i32, i32
  }
  func.func @transform_4(%arg0: i32) -> (i32, i32) {
    %c0_i32 = arith.constant 0 : i32
    %c0_i32_0 = arith.constant 0 : i32
    %c0_i32_1 = arith.constant 0 : i32
    return %c0_i32, %c0_i32_0 : i32, i32
  }
  func.func @transform_5(%arg0: i32) -> (i32, i32) {
    %c0_i32 = arith.constant 0 : i32
    %c0_i32_0 = arith.constant 0 : i32
    %c0_i32_1 = arith.constant 0 : i32
    return %c0_i32, %c0_i32_0 : i32, i32
  }
  func.func @transform_6(%arg0: i32) -> (i32, i32) {
    %c0_i32 = arith.constant 0 : i32
    %c0_i32_0 = arith.constant 0 : i32
    %c0_i32_1 = arith.constant 0 : i32
    return %c0_i32, %c0_i32_0 : i32, i32
  }
  func.func @transform_7(%arg0: i32) -> (i32, i32) {
    %add3A = arith.constant 0 : i32
    %add3A_0 = arith.addi %arg0, %add3A : i32
    %c0_i32 = arith.constant 0 : i32
    %c0_i32_1 = arith.constant 0 : i32
    return %add3A_0, %c0_i32 : i32, i32
  }
}

module attributes {stable_mosaic.version = 14 : i64} {
  func.func @_final_body(%arg0: i32, %arg1: memref<8x128xf32, #tpu.memory_space<vmem>>, %arg2: memref<2560x128xi32, #tpu.memory_space<vmem>>, %arg3: memref<2560x128xi32, #tpu.memory_space<vmem>>, %arg4: memref<16x2560xf32, #tpu.memory_space<vmem>>, %arg5: memref<16x128xf32, #tpu.memory_space<vmem>>, %arg6: memref<16x128xf32, #tpu.memory_space<vmem>>, %arg7: memref<1x128xf32, #tpu.memory_space<vmem>>, %arg8: memref<1x128xf32, #tpu.memory_space<vmem>>, %arg9: memref<2560x128xf32, #tpu.memory_space<vmem>>) attributes {dimension_semantics = [#tpu.dimension_semantics<arbitrary>], iteration_bounds = array<i64: 28>, scalar_prefetch = 0 : i64, scratch_operands = 0 : i64, tpu.core_type = #tpu.core_type<tc>, window_params = [{transform_indices = @transform_0, window_bounds = array<i64: 8, 128>}, {transform_indices = @transform_1, window_bounds = array<i64: 2560, 128>}, {transform_indices = @transform_2, window_bounds = array<i64: 2560, 128>}, {transform_indices = @transform_3, window_bounds = array<i64: 16, 2560>}, {pipeline_mode = #tpu.pipeline_mode<synchronous>, transform_indices = @transform_4, window_bounds = array<i64: 16, 128>}, {pipeline_mode = #tpu.pipeline_mode<synchronous>, transform_indices = @transform_5, window_bounds = array<i64: 16, 128>}, {pipeline_mode = #tpu.pipeline_mode<synchronous>, transform_indices = @transform_6, window_bounds = array<i64: 1, 128>}, {pipeline_mode = #tpu.pipeline_mode<synchronous>, transform_indices = @transform_7, window_bounds = array<i64: 1, 128>}, {transform_indices = @transform_8, window_bounds = array<i64: 2560, 128>}]} {
    %get3A = arith.constant 0 : index
    %get3A_0 = arith.constant 0 : index
    %get3A_1 = vector.load %arg2[%get3A, %get3A_0] : memref<2560x128xi32, #tpu.memory_space<vmem>>, vector<2560x128xi32>
    %get3A_2 = arith.constant 0 : index
    %get3A_3 = arith.constant 0 : index
    %get3A_4 = vector.load %arg3[%get3A_2, %get3A_3] : memref<2560x128xi32, #tpu.memory_space<vmem>>, vector<2560x128xi32>
    %get3A_5 = arith.constant 0 : index
    %get3A_6 = arith.constant 0 : index
    %get3A_7 = vector.load %arg5[%get3A_5, %get3A_6] : memref<16x128xf32, #tpu.memory_space<vmem>>, vector<16x128xf32>
    %get3A_8 = arith.constant 0 : index
    %get3A_9 = arith.constant 0 : index
    %get3A_10 = vector.load %arg6[%get3A_8, %get3A_9] : memref<16x128xf32, #tpu.memory_space<vmem>>, vector<16x128xf32>
    %get3A_11 = arith.constant 0 : index
    %get3A_12 = arith.constant 0 : index
    %get3A_13 = vector.load %arg7[%get3A_11, %get3A_12] : memref<1x128xf32, #tpu.memory_space<vmem>>, vector<1x128xf32>
    %get3A_14 = arith.constant 0 : index
    %get3A_15 = arith.constant 0 : index
    %get3A_16 = vector.load %arg8[%get3A_14, %get3A_15] : memref<1x128xf32, #tpu.memory_space<vmem>>, vector<1x128xf32>
    %get3A_17 = arith.constant 0 : index
    %get3A_18 = arith.constant 0 : index
    %get3A_19 = vector.load %arg4[%get3A_17, %get3A_18] : memref<16x2560xf32, #tpu.memory_space<vmem>>, vector<16x2560xf32>
    %slice3A = vector.extract_strided_slice %get3A_1 {offsets = [0, 64], sizes = [2560, 8], strides = [1, 1]} : vector<2560x128xi32> to vector<2560x8xi32>
    %slice3A_20 = vector.extract_strided_slice %get3A_4 {offsets = [0, 64], sizes = [2560, 8], strides = [1, 1]} : vector<2560x128xi32> to vector<2560x8xi32>
    %shift_left3A = arith.constant 16 : i32
    %shift_left3A_21 = vector.broadcast %shift_left3A : i32 to vector<2560x8xi32>
    %shift_left3A_22 = arith.shli %slice3A, %shift_left3A_21 : vector<2560x8xi32>
    %bitcast_convert_type3A = tpu.bitcast %shift_left3A_22 : vector<2560x8xi32> -> vector<2560x8xf32>
    %shift_left3A_23 = arith.constant 16 : i32
    %shift_left3A_24 = vector.broadcast %shift_left3A_23 : i32 to vector<2560x8xi32>
    %shift_left3A_25 = arith.shli %slice3A_20, %shift_left3A_24 : vector<2560x8xi32>
    %bitcast_convert_type3A_26 = tpu.bitcast %shift_left3A_25 : vector<2560x8xi32> -> vector<2560x8xf32>
    %mul3A = arith.mulf %bitcast_convert_type3A, %bitcast_convert_type3A_26 : vector<2560x8xf32>
    %and3A = arith.constant -65536 : i32
    %and3A_27 = vector.broadcast %and3A : i32 to vector<2560x8xi32>
    %and3A_28 = arith.andi %slice3A, %and3A_27 : vector<2560x8xi32>
    %bitcast_convert_type3A_29 = tpu.bitcast %and3A_28 : vector<2560x8xi32> -> vector<2560x8xf32>
    %and3A_30 = arith.constant -65536 : i32
    %and3A_31 = vector.broadcast %and3A_30 : i32 to vector<2560x8xi32>
    %and3A_32 = arith.andi %slice3A_20, %and3A_31 : vector<2560x8xi32>
    %bitcast_convert_type3A_33 = tpu.bitcast %and3A_32 : vector<2560x8xi32> -> vector<2560x8xf32>
    %mul3A_34 = arith.mulf %bitcast_convert_type3A_29, %bitcast_convert_type3A_33 : vector<2560x8xf32>
    %slice3A_35 = vector.extract_strided_slice %get3A_1 {offsets = [0, 72], sizes = [2560, 32], strides = [1, 1]} : vector<2560x128xi32> to vector<2560x32xi32>
    %slice3A_36 = vector.extract_strided_slice %get3A_4 {offsets = [0, 72], sizes = [2560, 32], strides = [1, 1]} : vector<2560x128xi32> to vector<2560x32xi32>
    %shift_right_logical3A = arith.constant 0 : i32
    %shift_right_logical3A_37 = vector.broadcast %shift_right_logical3A : i32 to vector<2560x32xi32>
    %shift_right_logical3A_38 = arith.shrui %slice3A_35, %shift_right_logical3A_37 : vector<2560x32xi32>
    %and3A_39 = arith.constant 255 : i32
    %and3A_40 = vector.broadcast %and3A_39 : i32 to vector<2560x32xi32>
    %and3A_41 = arith.andi %shift_right_logical3A_38, %and3A_40 : vector<2560x32xi32>
    %convert_element_type3A = arith.trunci %and3A_41 : vector<2560x32xi32> to vector<2560x32xi8>
    %bitcast_convert_type3A_42 = tpu.bitcast %convert_element_type3A : vector<2560x32xi8> -> vector<2560x32xf8E4M3FN>
    %convert_element_type3A_43 = arith.extf %bitcast_convert_type3A_42 : vector<2560x32xf8E4M3FN> to vector<2560x32xf32>
    %shift_right_logical3A_44 = arith.constant 0 : i32
    %shift_right_logical3A_45 = vector.broadcast %shift_right_logical3A_44 : i32 to vector<2560x32xi32>
    %shift_right_logical3A_46 = arith.shrui %slice3A_36, %shift_right_logical3A_45 : vector<2560x32xi32>
    %and3A_47 = arith.constant 255 : i32
    %and3A_48 = vector.broadcast %and3A_47 : i32 to vector<2560x32xi32>
    %and3A_49 = arith.andi %shift_right_logical3A_46, %and3A_48 : vector<2560x32xi32>
    %convert_element_type3A_50 = arith.trunci %and3A_49 : vector<2560x32xi32> to vector<2560x32xi8>
    %bitcast_convert_type3A_51 = tpu.bitcast %convert_element_type3A_50 : vector<2560x32xi8> -> vector<2560x32xf8E4M3FN>
    %convert_element_type3A_52 = arith.extf %bitcast_convert_type3A_51 : vector<2560x32xf8E4M3FN> to vector<2560x32xf32>
    %mul3A_53 = arith.mulf %convert_element_type3A_43, %convert_element_type3A_52 : vector<2560x32xf32>
    %shift_right_logical3A_54 = arith.constant 8 : i32
    %shift_right_logical3A_55 = vector.broadcast %shift_right_logical3A_54 : i32 to vector<2560x32xi32>
    %shift_right_logical3A_56 = arith.shrui %slice3A_35, %shift_right_logical3A_55 : vector<2560x32xi32>
    %and3A_57 = arith.constant 255 : i32
    %and3A_58 = vector.broadcast %and3A_57 : i32 to vector<2560x32xi32>
    %and3A_59 = arith.andi %shift_right_logical3A_56, %and3A_58 : vector<2560x32xi32>
    %convert_element_type3A_60 = arith.trunci %and3A_59 : vector<2560x32xi32> to vector<2560x32xi8>
    %bitcast_convert_type3A_61 = tpu.bitcast %convert_element_type3A_60 : vector<2560x32xi8> -> vector<2560x32xf8E4M3FN>
    %convert_element_type3A_62 = arith.extf %bitcast_convert_type3A_61 : vector<2560x32xf8E4M3FN> to vector<2560x32xf32>
    %shift_right_logical3A_63 = arith.constant 8 : i32
    %shift_right_logical3A_64 = vector.broadcast %shift_right_logical3A_63 : i32 to vector<2560x32xi32>
    %shift_right_logical3A_65 = arith.shrui %slice3A_36, %shift_right_logical3A_64 : vector<2560x32xi32>
    %and3A_66 = arith.constant 255 : i32
    %and3A_67 = vector.broadcast %and3A_66 : i32 to vector<2560x32xi32>
    %and3A_68 = arith.andi %shift_right_logical3A_65, %and3A_67 : vector<2560x32xi32>
    %convert_element_type3A_69 = arith.trunci %and3A_68 : vector<2560x32xi32> to vector<2560x32xi8>
    %bitcast_convert_type3A_70 = tpu.bitcast %convert_element_type3A_69 : vector<2560x32xi8> -> vector<2560x32xf8E4M3FN>
    %convert_element_type3A_71 = arith.extf %bitcast_convert_type3A_70 : vector<2560x32xf8E4M3FN> to vector<2560x32xf32>
    %mul3A_72 = arith.mulf %convert_element_type3A_62, %convert_element_type3A_71 : vector<2560x32xf32>
    %shift_right_logical3A_73 = arith.constant 16 : i32
    %shift_right_logical3A_74 = vector.broadcast %shift_right_logical3A_73 : i32 to vector<2560x32xi32>
    %shift_right_logical3A_75 = arith.shrui %slice3A_35, %shift_right_logical3A_74 : vector<2560x32xi32>
    %and3A_76 = arith.constant 255 : i32
    %and3A_77 = vector.broadcast %and3A_76 : i32 to vector<2560x32xi32>
    %and3A_78 = arith.andi %shift_right_logical3A_75, %and3A_77 : vector<2560x32xi32>
    %convert_element_type3A_79 = arith.trunci %and3A_78 : vector<2560x32xi32> to vector<2560x32xi8>
    %bitcast_convert_type3A_80 = tpu.bitcast %convert_element_type3A_79 : vector<2560x32xi8> -> vector<2560x32xf8E4M3FN>
    %convert_element_type3A_81 = arith.extf %bitcast_convert_type3A_80 : vector<2560x32xf8E4M3FN> to vector<2560x32xf32>
    %shift_right_logical3A_82 = arith.constant 16 : i32
    %shift_right_logical3A_83 = vector.broadcast %shift_right_logical3A_82 : i32 to vector<2560x32xi32>
    %shift_right_logical3A_84 = arith.shrui %slice3A_36, %shift_right_logical3A_83 : vector<2560x32xi32>
    %and3A_85 = arith.constant 255 : i32
    %and3A_86 = vector.broadcast %and3A_85 : i32 to vector<2560x32xi32>
    %and3A_87 = arith.andi %shift_right_logical3A_84, %and3A_86 : vector<2560x32xi32>
    %convert_element_type3A_88 = arith.trunci %and3A_87 : vector<2560x32xi32> to vector<2560x32xi8>
    %bitcast_convert_type3A_89 = tpu.bitcast %convert_element_type3A_88 : vector<2560x32xi8> -> vector<2560x32xf8E4M3FN>
    %convert_element_type3A_90 = arith.extf %bitcast_convert_type3A_89 : vector<2560x32xf8E4M3FN> to vector<2560x32xf32>
    %mul3A_91 = arith.mulf %convert_element_type3A_81, %convert_element_type3A_90 : vector<2560x32xf32>
    %shift_right_logical3A_92 = arith.constant 24 : i32
    %shift_right_logical3A_93 = vector.broadcast %shift_right_logical3A_92 : i32 to vector<2560x32xi32>
    %shift_right_logical3A_94 = arith.shrui %slice3A_35, %shift_right_logical3A_93 : vector<2560x32xi32>
    %and3A_95 = arith.constant 255 : i32
    %and3A_96 = vector.broadcast %and3A_95 : i32 to vector<2560x32xi32>
    %and3A_97 = arith.andi %shift_right_logical3A_94, %and3A_96 : vector<2560x32xi32>
    %convert_element_type3A_98 = arith.trunci %and3A_97 : vector<2560x32xi32> to vector<2560x32xi8>
    %bitcast_convert_type3A_99 = tpu.bitcast %convert_element_type3A_98 : vector<2560x32xi8> -> vector<2560x32xf8E4M3FN>
    %convert_element_type3A_100 = arith.extf %bitcast_convert_type3A_99 : vector<2560x32xf8E4M3FN> to vector<2560x32xf32>
    %shift_right_logical3A_101 = arith.constant 24 : i32
    %shift_right_logical3A_102 = vector.broadcast %shift_right_logical3A_101 : i32 to vector<2560x32xi32>
    %shift_right_logical3A_103 = arith.shrui %slice3A_36, %shift_right_logical3A_102 : vector<2560x32xi32>
    %and3A_104 = arith.constant 255 : i32
    %and3A_105 = vector.broadcast %and3A_104 : i32 to vector<2560x32xi32>
    %and3A_106 = arith.andi %shift_right_logical3A_103, %and3A_105 : vector<2560x32xi32>
    %convert_element_type3A_107 = arith.trunci %and3A_106 : vector<2560x32xi32> to vector<2560x32xi8>
    %bitcast_convert_type3A_108 = tpu.bitcast %convert_element_type3A_107 : vector<2560x32xi8> -> vector<2560x32xf8E4M3FN>
    %convert_element_type3A_109 = arith.extf %bitcast_convert_type3A_108 : vector<2560x32xf8E4M3FN> to vector<2560x32xf32>
    %mul3A_110 = arith.mulf %convert_element_type3A_100, %convert_element_type3A_109 : vector<2560x32xf32>
    %add3A = arith.addf %mul3A_53, %mul3A_72 : vector<2560x32xf32>
    %add3A_111 = arith.addf %mul3A_91, %mul3A_110 : vector<2560x32xf32>
    %add3A_112 = arith.addf %add3A, %add3A_111 : vector<2560x32xf32>
    %slice3A_113 = vector.extract_strided_slice %get3A_1 {offsets = [0, 0], sizes = [2560, 64], strides = [1, 1]} : vector<2560x128xi32> to vector<2560x64xi32>
    %shift_left3A_114 = arith.constant 16 : i32
    %shift_left3A_115 = vector.broadcast %shift_left3A_114 : i32 to vector<2560x64xi32>
    %shift_left3A_116 = arith.shli %slice3A_113, %shift_left3A_115 : vector<2560x64xi32>
    %bitcast_convert_type3A_117 = tpu.bitcast %shift_left3A_116 : vector<2560x64xi32> -> vector<2560x64xf32>
    %slice3A_118 = vector.extract_strided_slice %get3A_4 {offsets = [0, 0], sizes = [2560, 64], strides = [1, 1]} : vector<2560x128xi32> to vector<2560x64xi32>
    %shift_left3A_119 = arith.constant 16 : i32
    %shift_left3A_120 = vector.broadcast %shift_left3A_119 : i32 to vector<2560x64xi32>
    %shift_left3A_121 = arith.shli %slice3A_118, %shift_left3A_120 : vector<2560x64xi32>
    %bitcast_convert_type3A_122 = tpu.bitcast %shift_left3A_121 : vector<2560x64xi32> -> vector<2560x64xf32>
    %add3A_123 = arith.addf %bitcast_convert_type3A_117, %bitcast_convert_type3A_122 : vector<2560x64xf32>
    %slice3A_124 = vector.extract_strided_slice %get3A_16 {offsets = [0, 0], sizes = [1, 64], strides = [1, 1]} : vector<1x128xf32> to vector<1x64xf32>
    %add3A_125 = vector.broadcast %slice3A_124 : vector<1x64xf32> to vector<2560x64xf32>
    %add3A_126 = arith.addf %add3A_123, %add3A_125 : vector<2560x64xf32>
    %slice3A_127 = vector.extract_strided_slice %get3A_7 {offsets = [0, 0], sizes = [8, 64], strides = [1, 1]} : vector<16x128xf32> to vector<8x64xf32>
    %dot_general3A = arith.constant dense<0.000000e+00> : vector<2560x64xf32>
    %dot_general3A_128 = tpu.matmul %mul3A, %slice3A_127, %dot_general3A {dimension_numbers = #tpu.dot_dimension_numbers<[1], [0], [0], [1], [0, 0, 1, 1], [], []>, transpose_lhs_hint = false} : vector<2560x8xf32>, vector<8x64xf32>, vector<2560x64xf32> -> vector<2560x64xf32>
    %add3A_129 = arith.addf %add3A_126, %dot_general3A_128 : vector<2560x64xf32>
    %slice3A_130 = vector.extract_strided_slice %get3A_7 {offsets = [8, 0], sizes = [8, 64], strides = [1, 1]} : vector<16x128xf32> to vector<8x64xf32>
    %dot_general3A_131 = arith.constant dense<0.000000e+00> : vector<2560x64xf32>
    %dot_general3A_132 = tpu.matmul %mul3A_34, %slice3A_130, %dot_general3A_131 {dimension_numbers = #tpu.dot_dimension_numbers<[1], [0], [0], [1], [0, 0, 1, 1], [], []>, transpose_lhs_hint = false} : vector<2560x8xf32>, vector<8x64xf32>, vector<2560x64xf32> -> vector<2560x64xf32>
    %add3A_133 = arith.addf %add3A_129, %dot_general3A_132 : vector<2560x64xf32>
    %slice3A_134 = vector.extract_strided_slice %get3A_10 {offsets = [0, 0], sizes = [16, 64], strides = [1, 1]} : vector<16x128xf32> to vector<16x64xf32>
    %dot_general3A_135 = arith.constant dense<0.000000e+00> : vector<2560x64xf32>
    %dot_general3A_136 = tpu.matmul %get3A_19, %slice3A_134, %dot_general3A_135 {dimension_numbers = #tpu.dot_dimension_numbers<[0], [0], [1], [1], [0, 1, 1, 1], [], []>, transpose_lhs_hint = false} : vector<16x2560xf32>, vector<16x64xf32>, vector<2560x64xf32> -> vector<2560x64xf32>
    %add3A_137 = arith.addf %add3A_133, %dot_general3A_136 : vector<2560x64xf32>
    %slice3A_138 = vector.extract_strided_slice %get3A_13 {offsets = [0, 0], sizes = [1, 64], strides = [1, 1]} : vector<1x128xf32> to vector<1x64xf32>
    %broadcast_in_dim3A = vector.shape_cast %slice3A_138 : vector<1x64xf32> to vector<1x64xf32>
    %broadcast_in_dim3A_139 = vector.broadcast %broadcast_in_dim3A : vector<1x64xf32> to vector<32x64xf32>
    %dot_general3A_140 = arith.constant dense<0.000000e+00> : vector<2560x64xf32>
    %dot_general3A_141 = tpu.matmul %add3A_112, %broadcast_in_dim3A_139, %dot_general3A_140 {dimension_numbers = #tpu.dot_dimension_numbers<[1], [0], [0], [1], [0, 0, 1, 1], [], []>, transpose_lhs_hint = false} : vector<2560x32xf32>, vector<32x64xf32>, vector<2560x64xf32> -> vector<2560x64xf32>
    %add3A_142 = arith.addf %add3A_137, %dot_general3A_141 : vector<2560x64xf32>
    %max3A = arith.constant 0.000000e+00 : f32
    %max3A_143 = vector.broadcast %max3A : f32 to vector<2560x64xf32>
    %max3A_144 = arith.maximumf %add3A_142, %max3A_143 : vector<2560x64xf32>
    %swap3A = arith.constant 0 : index
    %swap3A_145 = arith.constant 0 : index
    %swap3A_146 = vector.load %arg9[%swap3A, %swap3A_145] : memref<2560x128xf32, #tpu.memory_space<vmem>>, vector<2560x64xf32>
    tpu.vector_store %arg9[%swap3A, %swap3A_145], %max3A_144 {strides = array<i32>} : memref<2560x128xf32, #tpu.memory_space<vmem>>, vector<2560x64xf32>,
    %slice3A_147 = vector.extract_strided_slice %get3A_1 {offsets = [0, 0], sizes = [2560, 64], strides = [1, 1]} : vector<2560x128xi32> to vector<2560x64xi32>
    %and3A_148 = arith.constant -65536 : i32
    %and3A_149 = vector.broadcast %and3A_148 : i32 to vector<2560x64xi32>
    %and3A_150 = arith.andi %slice3A_147, %and3A_149 : vector<2560x64xi32>
    %bitcast_convert_type3A_151 = tpu.bitcast %and3A_150 : vector<2560x64xi32> -> vector<2560x64xf32>
    %slice3A_152 = vector.extract_strided_slice %get3A_4 {offsets = [0, 0], sizes = [2560, 64], strides = [1, 1]} : vector<2560x128xi32> to vector<2560x64xi32>
    %and3A_153 = arith.constant -65536 : i32
    %and3A_154 = vector.broadcast %and3A_153 : i32 to vector<2560x64xi32>
    %and3A_155 = arith.andi %slice3A_152, %and3A_154 : vector<2560x64xi32>
    %bitcast_convert_type3A_156 = tpu.bitcast %and3A_155 : vector<2560x64xi32> -> vector<2560x64xf32>
    %add3A_157 = arith.addf %bitcast_convert_type3A_151, %bitcast_convert_type3A_156 : vector<2560x64xf32>
    %slice3A_158 = vector.extract_strided_slice %get3A_16 {offsets = [0, 64], sizes = [1, 64], strides = [1, 1]} : vector<1x128xf32> to vector<1x64xf32>
    %add3A_159 = vector.broadcast %slice3A_158 : vector<1x64xf32> to vector<2560x64xf32>
    %add3A_160 = arith.addf %add3A_157, %add3A_159 : vector<2560x64xf32>
    %slice3A_161 = vector.extract_strided_slice %get3A_7 {offsets = [0, 64], sizes = [8, 64], strides = [1, 1]} : vector<16x128xf32> to vector<8x64xf32>
    %dot_general3A_162 = arith.constant dense<0.000000e+00> : vector<2560x64xf32>
    %dot_general3A_163 = tpu.matmul %mul3A, %slice3A_161, %dot_general3A_162 {dimension_numbers = #tpu.dot_dimension_numbers<[1], [0], [0], [1], [0, 0, 1, 1], [], []>, transpose_lhs_hint = false} : vector<2560x8xf32>, vector<8x64xf32>, vector<2560x64xf32> -> vector<2560x64xf32>
    %add3A_164 = arith.addf %add3A_160, %dot_general3A_163 : vector<2560x64xf32>
    %slice3A_165 = vector.extract_strided_slice %get3A_7 {offsets = [8, 64], sizes = [8, 64], strides = [1, 1]} : vector<16x128xf32> to vector<8x64xf32>
    %dot_general3A_166 = arith.constant dense<0.000000e+00> : vector<2560x64xf32>
    %dot_general3A_167 = tpu.matmul %mul3A_34, %slice3A_165, %dot_general3A_166 {dimension_numbers = #tpu.dot_dimension_numbers<[1], [0], [0], [1], [0, 0, 1, 1], [], []>, transpose_lhs_hint = false} : vector<2560x8xf32>, vector<8x64xf32>, vector<2560x64xf32> -> vector<2560x64xf32>
    %add3A_168 = arith.addf %add3A_164, %dot_general3A_167 : vector<2560x64xf32>
    %slice3A_169 = vector.extract_strided_slice %get3A_10 {offsets = [0, 64], sizes = [16, 64], strides = [1, 1]} : vector<16x128xf32> to vector<16x64xf32>
    %dot_general3A_170 = arith.constant dense<0.000000e+00> : vector<2560x64xf32>
    %dot_general3A_171 = tpu.matmul %get3A_19, %slice3A_169, %dot_general3A_170 {dimension_numbers = #tpu.dot_dimension_numbers<[0], [0], [1], [1], [0, 1, 1, 1], [], []>, transpose_lhs_hint = false} : vector<16x2560xf32>, vector<16x64xf32>, vector<2560x64xf32> -> vector<2560x64xf32>
    %add3A_172 = arith.addf %add3A_168, %dot_general3A_171 : vector<2560x64xf32>
    %slice3A_173 = vector.extract_strided_slice %get3A_13 {offsets = [0, 64], sizes = [1, 64], strides = [1, 1]} : vector<1x128xf32> to vector<1x64xf32>
    %broadcast_in_dim3A_174 = vector.shape_cast %slice3A_173 : vector<1x64xf32> to vector<1x64xf32>
    %broadcast_in_dim3A_175 = vector.broadcast %broadcast_in_dim3A_174 : vector<1x64xf32> to vector<32x64xf32>
    %dot_general3A_176 = arith.constant dense<0.000000e+00> : vector<2560x64xf32>
    %dot_general3A_177 = tpu.matmul %add3A_112, %broadcast_in_dim3A_175, %dot_general3A_176 {dimension_numbers = #tpu.dot_dimension_numbers<[1], [0], [0], [1], [0, 0, 1, 1], [], []>, transpose_lhs_hint = false} : vector<2560x32xf32>, vector<32x64xf32>, vector<2560x64xf32> -> vector<2560x64xf32>
    %add3A_178 = arith.addf %add3A_172, %dot_general3A_177 : vector<2560x64xf32>
    %max3A_179 = arith.constant 0.000000e+00 : f32
    %max3A_180 = vector.broadcast %max3A_179 : f32 to vector<2560x64xf32>
    %max3A_181 = arith.maximumf %add3A_178, %max3A_180 : vector<2560x64xf32>
    %swap3A_182 = arith.constant 0 : index
    %swap3A_183 = arith.constant 64 : index
    %swap3A_184 = vector.load %arg9[%swap3A_182, %swap3A_183] : memref<2560x128xf32, #tpu.memory_space<vmem>>, vector<2560x64xf32>
    tpu.vector_store %arg9[%swap3A_182, %swap3A_183], %max3A_181 {strides = array<i32>} : memref<2560x128xf32, #tpu.memory_space<vmem>>, vector<2560x64xf32>,
    return
  }
  func.func @transform_0(%arg0: i32) -> (i32, i32) {
    %c0_i32 = arith.constant 0 : i32
    %c0_i32_0 = arith.constant 0 : i32
    %c0_i32_1 = arith.constant 0 : i32
    return %c0_i32, %c0_i32_0 : i32, i32
  }
  func.func @transform_1(%arg0: i32) -> (i32, i32) {
    %c0_i32 = arith.constant 0 : i32
    %c0_i32_0 = arith.constant 0 : i32
    return %arg0, %c0_i32 : i32, i32
  }
  func.func @transform_2(%arg0: i32) -> (i32, i32) {
    %c0_i32 = arith.constant 0 : i32
    %c0_i32_0 = arith.constant 0 : i32
    return %arg0, %c0_i32 : i32, i32
  }
  func.func @transform_3(%arg0: i32) -> (i32, i32) {
    %add3A = arith.constant 13 : i32
    %add3A_0 = arith.addi %arg0, %add3A : i32
    %c0_i32 = arith.constant 0 : i32
    %c0_i32_1 = arith.constant 0 : i32
    return %c0_i32, %add3A_0 : i32, i32
  }
  func.func @transform_4(%arg0: i32) -> (i32, i32) {
    %c0_i32 = arith.constant 0 : i32
    %c0_i32_0 = arith.constant 0 : i32
    %c0_i32_1 = arith.constant 0 : i32
    return %c0_i32, %c0_i32_0 : i32, i32
  }
  func.func @transform_5(%arg0: i32) -> (i32, i32) {
    %c0_i32 = arith.constant 0 : i32
    %c0_i32_0 = arith.constant 0 : i32
    %c0_i32_1 = arith.constant 0 : i32
    return %c0_i32, %c0_i32_0 : i32, i32
  }
  func.func @transform_6(%arg0: i32) -> (i32, i32) {
    %c0_i32 = arith.constant 0 : i32
    %c0_i32_0 = arith.constant 0 : i32
    %c0_i32_1 = arith.constant 0 : i32
    return %c0_i32, %c0_i32_0 : i32, i32
  }
  func.func @transform_7(%arg0: i32) -> (i32, i32) {
    %c0_i32 = arith.constant 0 : i32
    %c0_i32_0 = arith.constant 0 : i32
    %c0_i32_1 = arith.constant 0 : i32
    return %c0_i32, %c0_i32_0 : i32, i32
  }
  func.func @transform_8(%arg0: i32) -> (i32, i32) {
    %add3A = arith.constant 13 : i32
    %add3A_0 = arith.addi %arg0, %add3A : i32
    %c0_i32 = arith.constant 0 : i32
    %c0_i32_1 = arith.constant 0 : i32
    return %add3A_0, %c0_i32 : i32, i32
  }
}

module attributes {stable_mosaic.version = 14 : i64} {
  func.func @_final_body(%arg0: i32, %arg1: memref<8x128xf32, #tpu.memory_space<vmem>>, %arg2: memref<2560x128xi32, #tpu.memory_space<vmem>>, %arg3: memref<2560x128xi32, #tpu.memory_space<vmem>>, %arg4: memref<16x2560xf32, #tpu.memory_space<vmem>>, %arg5: memref<16x128xf32, #tpu.memory_space<vmem>>, %arg6: memref<16x128xf32, #tpu.memory_space<vmem>>, %arg7: memref<1x128xf32, #tpu.memory_space<vmem>>, %arg8: memref<1x128xf32, #tpu.memory_space<vmem>>, %arg9: memref<2560x128xf32, #tpu.memory_space<vmem>>) attributes {dimension_semantics = [#tpu.dimension_semantics<arbitrary>], iteration_bounds = array<i64: 28>, scalar_prefetch = 0 : i64, scratch_operands = 0 : i64, tpu.core_type = #tpu.core_type<tc>, window_params = [{transform_indices = @transform_0, window_bounds = array<i64: 8, 128>}, {transform_indices = @transform_1, window_bounds = array<i64: 2560, 128>}, {transform_indices = @transform_2, window_bounds = array<i64: 2560, 128>}, {transform_indices = @transform_3, window_bounds = array<i64: 16, 2560>}, {pipeline_mode = #tpu.pipeline_mode<synchronous>, transform_indices = @transform_4, window_bounds = array<i64: 16, 128>}, {pipeline_mode = #tpu.pipeline_mode<synchronous>, transform_indices = @transform_5, window_bounds = array<i64: 16, 128>}, {pipeline_mode = #tpu.pipeline_mode<synchronous>, transform_indices = @transform_6, window_bounds = array<i64: 1, 128>}, {pipeline_mode = #tpu.pipeline_mode<synchronous>, transform_indices = @transform_7, window_bounds = array<i64: 1, 128>}, {transform_indices = @transform_8, window_bounds = array<i64: 2560, 128>}]} {
    %get3A = arith.constant 0 : index
    %get3A_0 = arith.constant 0 : index
    %get3A_1 = vector.load %arg2[%get3A, %get3A_0] : memref<2560x128xi32, #tpu.memory_space<vmem>>, vector<2560x128xi32>
    %get3A_2 = arith.constant 0 : index
    %get3A_3 = arith.constant 0 : index
    %get3A_4 = vector.load %arg3[%get3A_2, %get3A_3] : memref<2560x128xi32, #tpu.memory_space<vmem>>, vector<2560x128xi32>
    %get3A_5 = arith.constant 0 : index
    %get3A_6 = arith.constant 0 : index
    %get3A_7 = vector.load %arg5[%get3A_5, %get3A_6] : memref<16x128xf32, #tpu.memory_space<vmem>>, vector<16x128xf32>
    %get3A_8 = arith.constant 0 : index
    %get3A_9 = arith.constant 0 : index
    %get3A_10 = vector.load %arg6[%get3A_8, %get3A_9] : memref<16x128xf32, #tpu.memory_space<vmem>>, vector<16x128xf32>
    %get3A_11 = arith.constant 0 : index
    %get3A_12 = arith.constant 0 : index
    %get3A_13 = vector.load %arg7[%get3A_11, %get3A_12] : memref<1x128xf32, #tpu.memory_space<vmem>>, vector<1x128xf32>
    %get3A_14 = arith.constant 0 : index
    %get3A_15 = arith.constant 0 : index
    %get3A_16 = vector.load %arg8[%get3A_14, %get3A_15] : memref<1x128xf32, #tpu.memory_space<vmem>>, vector<1x128xf32>
    %get3A_17 = arith.constant 0 : index
    %get3A_18 = arith.constant 0 : index
    %get3A_19 = vector.load %arg4[%get3A_17, %get3A_18] : memref<16x2560xf32, #tpu.memory_space<vmem>>, vector<16x2560xf32>
    %slice3A = vector.extract_strided_slice %get3A_1 {offsets = [0, 64], sizes = [2560, 8], strides = [1, 1]} : vector<2560x128xi32> to vector<2560x8xi32>
    %slice3A_20 = vector.extract_strided_slice %get3A_4 {offsets = [0, 64], sizes = [2560, 8], strides = [1, 1]} : vector<2560x128xi32> to vector<2560x8xi32>
    %shift_left3A = arith.constant 16 : i32
    %shift_left3A_21 = vector.broadcast %shift_left3A : i32 to vector<2560x8xi32>
    %shift_left3A_22 = arith.shli %slice3A, %shift_left3A_21 : vector<2560x8xi32>
    %bitcast_convert_type3A = tpu.bitcast %shift_left3A_22 : vector<2560x8xi32> -> vector<2560x8xf32>
    %shift_left3A_23 = arith.constant 16 : i32
    %shift_left3A_24 = vector.broadcast %shift_left3A_23 : i32 to vector<2560x8xi32>
    %shift_left3A_25 = arith.shli %slice3A_20, %shift_left3A_24 : vector<2560x8xi32>
    %bitcast_convert_type3A_26 = tpu.bitcast %shift_left3A_25 : vector<2560x8xi32> -> vector<2560x8xf32>
    %mul3A = arith.mulf %bitcast_convert_type3A, %bitcast_convert_type3A_26 : vector<2560x8xf32>
    %and3A = arith.constant -65536 : i32
    %and3A_27 = vector.broadcast %and3A : i32 to vector<2560x8xi32>
    %and3A_28 = arith.andi %slice3A, %and3A_27 : vector<2560x8xi32>
    %bitcast_convert_type3A_29 = tpu.bitcast %and3A_28 : vector<2560x8xi32> -> vector<2560x8xf32>
    %and3A_30 = arith.constant -65536 : i32
    %and3A_31 = vector.broadcast %and3A_30 : i32 to vector<2560x8xi32>
    %and3A_32 = arith.andi %slice3A_20, %and3A_31 : vector<2560x8xi32>
    %bitcast_convert_type3A_33 = tpu.bitcast %and3A_32 : vector<2560x8xi32> -> vector<2560x8xf32>
    %mul3A_34 = arith.mulf %bitcast_convert_type3A_29, %bitcast_convert_type3A_33 : vector<2560x8xf32>
    %slice3A_35 = vector.extract_strided_slice %get3A_1 {offsets = [0, 72], sizes = [2560, 32], strides = [1, 1]} : vector<2560x128xi32> to vector<2560x32xi32>
    %slice3A_36 = vector.extract_strided_slice %get3A_4 {offsets = [0, 72], sizes = [2560, 32], strides = [1, 1]} : vector<2560x128xi32> to vector<2560x32xi32>
    %shift_right_logical3A = arith.constant 0 : i32
    %shift_right_logical3A_37 = vector.broadcast %shift_right_logical3A : i32 to vector<2560x32xi32>
    %shift_right_logical3A_38 = arith.shrui %slice3A_35, %shift_right_logical3A_37 : vector<2560x32xi32>
    %and3A_39 = arith.constant 255 : i32
    %and3A_40 = vector.broadcast %and3A_39 : i32 to vector<2560x32xi32>
    %and3A_41 = arith.andi %shift_right_logical3A_38, %and3A_40 : vector<2560x32xi32>
    %convert_element_type3A = arith.trunci %and3A_41 : vector<2560x32xi32> to vector<2560x32xi8>
    %bitcast_convert_type3A_42 = tpu.bitcast %convert_element_type3A : vector<2560x32xi8> -> vector<2560x32xf8E4M3FN>
    %convert_element_type3A_43 = arith.extf %bitcast_convert_type3A_42 : vector<2560x32xf8E4M3FN> to vector<2560x32xf32>
    %shift_right_logical3A_44 = arith.constant 0 : i32
    %shift_right_logical3A_45 = vector.broadcast %shift_right_logical3A_44 : i32 to vector<2560x32xi32>
    %shift_right_logical3A_46 = arith.shrui %slice3A_36, %shift_right_logical3A_45 : vector<2560x32xi32>
    %and3A_47 = arith.constant 255 : i32
    %and3A_48 = vector.broadcast %and3A_47 : i32 to vector<2560x32xi32>
    %and3A_49 = arith.andi %shift_right_logical3A_46, %and3A_48 : vector<2560x32xi32>
    %convert_element_type3A_50 = arith.trunci %and3A_49 : vector<2560x32xi32> to vector<2560x32xi8>
    %bitcast_convert_type3A_51 = tpu.bitcast %convert_element_type3A_50 : vector<2560x32xi8> -> vector<2560x32xf8E4M3FN>
    %convert_element_type3A_52 = arith.extf %bitcast_convert_type3A_51 : vector<2560x32xf8E4M3FN> to vector<2560x32xf32>
    %mul3A_53 = arith.mulf %convert_element_type3A_43, %convert_element_type3A_52 : vector<2560x32xf32>
    %shift_right_logical3A_54 = arith.constant 8 : i32
    %shift_right_logical3A_55 = vector.broadcast %shift_right_logical3A_54 : i32 to vector<2560x32xi32>
    %shift_right_logical3A_56 = arith.shrui %slice3A_35, %shift_right_logical3A_55 : vector<2560x32xi32>
    %and3A_57 = arith.constant 255 : i32
    %and3A_58 = vector.broadcast %and3A_57 : i32 to vector<2560x32xi32>
    %and3A_59 = arith.andi %shift_right_logical3A_56, %and3A_58 : vector<2560x32xi32>
    %convert_element_type3A_60 = arith.trunci %and3A_59 : vector<2560x32xi32> to vector<2560x32xi8>
    %bitcast_convert_type3A_61 = tpu.bitcast %convert_element_type3A_60 : vector<2560x32xi8> -> vector<2560x32xf8E4M3FN>
    %convert_element_type3A_62 = arith.extf %bitcast_convert_type3A_61 : vector<2560x32xf8E4M3FN> to vector<2560x32xf32>
    %shift_right_logical3A_63 = arith.constant 8 : i32
    %shift_right_logical3A_64 = vector.broadcast %shift_right_logical3A_63 : i32 to vector<2560x32xi32>
    %shift_right_logical3A_65 = arith.shrui %slice3A_36, %shift_right_logical3A_64 : vector<2560x32xi32>
    %and3A_66 = arith.constant 255 : i32
    %and3A_67 = vector.broadcast %and3A_66 : i32 to vector<2560x32xi32>
    %and3A_68 = arith.andi %shift_right_logical3A_65, %and3A_67 : vector<2560x32xi32>
    %convert_element_type3A_69 = arith.trunci %and3A_68 : vector<2560x32xi32> to vector<2560x32xi8>
    %bitcast_convert_type3A_70 = tpu.bitcast %convert_element_type3A_69 : vector<2560x32xi8> -> vector<2560x32xf8E4M3FN>
    %convert_element_type3A_71 = arith.extf %bitcast_convert_type3A_70 : vector<2560x32xf8E4M3FN> to vector<2560x32xf32>
    %mul3A_72 = arith.mulf %convert_element_type3A_62, %convert_element_type3A_71 : vector<2560x32xf32>
    %shift_right_logical3A_73 = arith.constant 16 : i32
    %shift_right_logical3A_74 = vector.broadcast %shift_right_logical3A_73 : i32 to vector<2560x32xi32>
    %shift_right_logical3A_75 = arith.shrui %slice3A_35, %shift_right_logical3A_74 : vector<2560x32xi32>
    %and3A_76 = arith.constant 255 : i32
    %and3A_77 = vector.broadcast %and3A_76 : i32 to vector<2560x32xi32>
    %and3A_78 = arith.andi %shift_right_logical3A_75, %and3A_77 : vector<2560x32xi32>
    %convert_element_type3A_79 = arith.trunci %and3A_78 : vector<2560x32xi32> to vector<2560x32xi8>
    %bitcast_convert_type3A_80 = tpu.bitcast %convert_element_type3A_79 : vector<2560x32xi8> -> vector<2560x32xf8E4M3FN>
    %convert_element_type3A_81 = arith.extf %bitcast_convert_type3A_80 : vector<2560x32xf8E4M3FN> to vector<2560x32xf32>
    %shift_right_logical3A_82 = arith.constant 16 : i32
    %shift_right_logical3A_83 = vector.broadcast %shift_right_logical3A_82 : i32 to vector<2560x32xi32>
    %shift_right_logical3A_84 = arith.shrui %slice3A_36, %shift_right_logical3A_83 : vector<2560x32xi32>
    %and3A_85 = arith.constant 255 : i32
    %and3A_86 = vector.broadcast %and3A_85 : i32 to vector<2560x32xi32>
    %and3A_87 = arith.andi %shift_right_logical3A_84, %and3A_86 : vector<2560x32xi32>
    %convert_element_type3A_88 = arith.trunci %and3A_87 : vector<2560x32xi32> to vector<2560x32xi8>
    %bitcast_convert_type3A_89 = tpu.bitcast %convert_element_type3A_88 : vector<2560x32xi8> -> vector<2560x32xf8E4M3FN>
    %convert_element_type3A_90 = arith.extf %bitcast_convert_type3A_89 : vector<2560x32xf8E4M3FN> to vector<2560x32xf32>
    %mul3A_91 = arith.mulf %convert_element_type3A_81, %convert_element_type3A_90 : vector<2560x32xf32>
    %shift_right_logical3A_92 = arith.constant 24 : i32
    %shift_right_logical3A_93 = vector.broadcast %shift_right_logical3A_92 : i32 to vector<2560x32xi32>
    %shift_right_logical3A_94 = arith.shrui %slice3A_35, %shift_right_logical3A_93 : vector<2560x32xi32>
    %and3A_95 = arith.constant 255 : i32
    %and3A_96 = vector.broadcast %and3A_95 : i32 to vector<2560x32xi32>
    %and3A_97 = arith.andi %shift_right_logical3A_94, %and3A_96 : vector<2560x32xi32>
    %convert_element_type3A_98 = arith.trunci %and3A_97 : vector<2560x32xi32> to vector<2560x32xi8>
    %bitcast_convert_type3A_99 = tpu.bitcast %convert_element_type3A_98 : vector<2560x32xi8> -> vector<2560x32xf8E4M3FN>
    %convert_element_type3A_100 = arith.extf %bitcast_convert_type3A_99 : vector<2560x32xf8E4M3FN> to vector<2560x32xf32>
    %shift_right_logical3A_101 = arith.constant 24 : i32
    %shift_right_logical3A_102 = vector.broadcast %shift_right_logical3A_101 : i32 to vector<2560x32xi32>
    %shift_right_logical3A_103 = arith.shrui %slice3A_36, %shift_right_logical3A_102 : vector<2560x32xi32>
    %and3A_104 = arith.constant 255 : i32
    %and3A_105 = vector.broadcast %and3A_104 : i32 to vector<2560x32xi32>
    %and3A_106 = arith.andi %shift_right_logical3A_103, %and3A_105 : vector<2560x32xi32>
    %convert_element_type3A_107 = arith.trunci %and3A_106 : vector<2560x32xi32> to vector<2560x32xi8>
    %bitcast_convert_type3A_108 = tpu.bitcast %convert_element_type3A_107 : vector<2560x32xi8> -> vector<2560x32xf8E4M3FN>
    %convert_element_type3A_109 = arith.extf %bitcast_convert_type3A_108 : vector<2560x32xf8E4M3FN> to vector<2560x32xf32>
    %mul3A_110 = arith.mulf %convert_element_type3A_100, %convert_element_type3A_109 : vector<2560x32xf32>
    %add3A = arith.addf %mul3A_53, %mul3A_72 : vector<2560x32xf32>
    %add3A_111 = arith.addf %mul3A_91, %mul3A_110 : vector<2560x32xf32>
    %add3A_112 = arith.addf %add3A, %add3A_111 : vector<2560x32xf32>
    %slice3A_113 = vector.extract_strided_slice %get3A_1 {offsets = [0, 0], sizes = [2560, 64], strides = [1, 1]} : vector<2560x128xi32> to vector<2560x64xi32>
    %shift_left3A_114 = arith.constant 16 : i32
    %shift_left3A_115 = vector.broadcast %shift_left3A_114 : i32 to vector<2560x64xi32>
    %shift_left3A_116 = arith.shli %slice3A_113, %shift_left3A_115 : vector<2560x64xi32>
    %bitcast_convert_type3A_117 = tpu.bitcast %shift_left3A_116 : vector<2560x64xi32> -> vector<2560x64xf32>
    %slice3A_118 = vector.extract_strided_slice %get3A_4 {offsets = [0, 0], sizes = [2560, 64], strides = [1, 1]} : vector<2560x128xi32> to vector<2560x64xi32>
    %shift_left3A_119 = arith.constant 16 : i32
    %shift_left3A_120 = vector.broadcast %shift_left3A_119 : i32 to vector<2560x64xi32>
    %shift_left3A_121 = arith.shli %slice3A_118, %shift_left3A_120 : vector<2560x64xi32>
    %bitcast_convert_type3A_122 = tpu.bitcast %shift_left3A_121 : vector<2560x64xi32> -> vector<2560x64xf32>
    %add3A_123 = arith.addf %bitcast_convert_type3A_117, %bitcast_convert_type3A_122 : vector<2560x64xf32>
    %slice3A_124 = vector.extract_strided_slice %get3A_16 {offsets = [0, 0], sizes = [1, 64], strides = [1, 1]} : vector<1x128xf32> to vector<1x64xf32>
    %add3A_125 = vector.broadcast %slice3A_124 : vector<1x64xf32> to vector<2560x64xf32>
    %add3A_126 = arith.addf %add3A_123, %add3A_125 : vector<2560x64xf32>
    %slice3A_127 = vector.extract_strided_slice %get3A_7 {offsets = [0, 0], sizes = [8, 64], strides = [1, 1]} : vector<16x128xf32> to vector<8x64xf32>
    %dot_general3A = arith.constant dense<0.000000e+00> : vector<2560x64xf32>
    %dot_general3A_128 = tpu.matmul %mul3A, %slice3A_127, %dot_general3A {dimension_numbers = #tpu.dot_dimension_numbers<[1], [0], [0], [1], [0, 0, 1, 1], [], []>, transpose_lhs_hint = false} : vector<2560x8xf32>, vector<8x64xf32>, vector<2560x64xf32> -> vector<2560x64xf32>
    %add3A_129 = arith.addf %add3A_126, %dot_general3A_128 : vector<2560x64xf32>
    %slice3A_130 = vector.extract_strided_slice %get3A_7 {offsets = [8, 0], sizes = [8, 64], strides = [1, 1]} : vector<16x128xf32> to vector<8x64xf32>
    %dot_general3A_131 = arith.constant dense<0.000000e+00> : vector<2560x64xf32>
    %dot_general3A_132 = tpu.matmul %mul3A_34, %slice3A_130, %dot_general3A_131 {dimension_numbers = #tpu.dot_dimension_numbers<[1], [0], [0], [1], [0, 0, 1, 1], [], []>, transpose_lhs_hint = false} : vector<2560x8xf32>, vector<8x64xf32>, vector<2560x64xf32> -> vector<2560x64xf32>
    %add3A_133 = arith.addf %add3A_129, %dot_general3A_132 : vector<2560x64xf32>
    %slice3A_134 = vector.extract_strided_slice %get3A_10 {offsets = [0, 0], sizes = [16, 64], strides = [1, 1]} : vector<16x128xf32> to vector<16x64xf32>
    %dot_general3A_135 = arith.constant dense<0.000000e+00> : vector<2560x64xf32>
    %dot_general3A_136 = tpu.matmul %get3A_19, %slice3A_134, %dot_general3A_135 {dimension_numbers = #tpu.dot_dimension_numbers<[0], [0], [1], [1], [0, 1, 1, 1], [], []>, transpose_lhs_hint = false} : vector<16x2560xf32>, vector<16x64xf32>, vector<2560x64xf32> -> vector<2560x64xf32>
    %add3A_137 = arith.addf %add3A_133, %dot_general3A_136 : vector<2560x64xf32>
    %slice3A_138 = vector.extract_strided_slice %get3A_13 {offsets = [0, 0], sizes = [1, 64], strides = [1, 1]} : vector<1x128xf32> to vector<1x64xf32>
    %broadcast_in_dim3A = vector.shape_cast %slice3A_138 : vector<1x64xf32> to vector<1x64xf32>
    %broadcast_in_dim3A_139 = vector.broadcast %broadcast_in_dim3A : vector<1x64xf32> to vector<32x64xf32>
    %dot_general3A_140 = arith.constant dense<0.000000e+00> : vector<2560x64xf32>
    %dot_general3A_141 = tpu.matmul %add3A_112, %broadcast_in_dim3A_139, %dot_general3A_140 {dimension_numbers = #tpu.dot_dimension_numbers<[1], [0], [0], [1], [0, 0, 1, 1], [], []>, transpose_lhs_hint = false} : vector<2560x32xf32>, vector<32x64xf32>, vector<2560x64xf32> -> vector<2560x64xf32>
    %add3A_142 = arith.addf %add3A_137, %dot_general3A_141 : vector<2560x64xf32>
    %max3A = arith.constant 0.000000e+00 : f32
    %max3A_143 = vector.broadcast %max3A : f32 to vector<2560x64xf32>
    %max3A_144 = arith.maximumf %add3A_142, %max3A_143 : vector<2560x64xf32>
    %swap3A = arith.constant 0 : index
    %swap3A_145 = arith.constant 0 : index
    %swap3A_146 = vector.load %arg9[%swap3A, %swap3A_145] : memref<2560x128xf32, #tpu.memory_space<vmem>>, vector<2560x64xf32>
    tpu.vector_store %arg9[%swap3A, %swap3A_145], %max3A_144 {strides = array<i32>} : memref<2560x128xf32, #tpu.memory_space<vmem>>, vector<2560x64xf32>,
    %slice3A_147 = vector.extract_strided_slice %get3A_1 {offsets = [0, 0], sizes = [2560, 64], strides = [1, 1]} : vector<2560x128xi32> to vector<2560x64xi32>
    %and3A_148 = arith.constant -65536 : i32
    %and3A_149 = vector.broadcast %and3A_148 : i32 to vector<2560x64xi32>
    %and3A_150 = arith.andi %slice3A_147, %and3A_149 : vector<2560x64xi32>
    %bitcast_convert_type3A_151 = tpu.bitcast %and3A_150 : vector<2560x64xi32> -> vector<2560x64xf32>
    %slice3A_152 = vector.extract_strided_slice %get3A_4 {offsets = [0, 0], sizes = [2560, 64], strides = [1, 1]} : vector<2560x128xi32> to vector<2560x64xi32>
    %and3A_153 = arith.constant -65536 : i32
    %and3A_154 = vector.broadcast %and3A_153 : i32 to vector<2560x64xi32>
    %and3A_155 = arith.andi %slice3A_152, %and3A_154 : vector<2560x64xi32>
    %bitcast_convert_type3A_156 = tpu.bitcast %and3A_155 : vector<2560x64xi32> -> vector<2560x64xf32>
    %add3A_157 = arith.addf %bitcast_convert_type3A_151, %bitcast_convert_type3A_156 : vector<2560x64xf32>
    %slice3A_158 = vector.extract_strided_slice %get3A_16 {offsets = [0, 64], sizes = [1, 64], strides = [1, 1]} : vector<1x128xf32> to vector<1x64xf32>
    %add3A_159 = vector.broadcast %slice3A_158 : vector<1x64xf32> to vector<2560x64xf32>
    %add3A_160 = arith.addf %add3A_157, %add3A_159 : vector<2560x64xf32>
    %slice3A_161 = vector.extract_strided_slice %get3A_7 {offsets = [0, 64], sizes = [8, 64], strides = [1, 1]} : vector<16x128xf32> to vector<8x64xf32>
    %dot_general3A_162 = arith.constant dense<0.000000e+00> : vector<2560x64xf32>
    %dot_general3A_163 = tpu.matmul %mul3A, %slice3A_161, %dot_general3A_162 {dimension_numbers = #tpu.dot_dimension_numbers<[1], [0], [0], [1], [0, 0, 1, 1], [], []>, transpose_lhs_hint = false} : vector<2560x8xf32>, vector<8x64xf32>, vector<2560x64xf32> -> vector<2560x64xf32>
    %add3A_164 = arith.addf %add3A_160, %dot_general3A_163 : vector<2560x64xf32>
    %slice3A_165 = vector.extract_strided_slice %get3A_7 {offsets = [8, 64], sizes = [8, 64], strides = [1, 1]} : vector<16x128xf32> to vector<8x64xf32>
    %dot_general3A_166 = arith.constant dense<0.000000e+00> : vector<2560x64xf32>
    %dot_general3A_167 = tpu.matmul %mul3A_34, %slice3A_165, %dot_general3A_166 {dimension_numbers = #tpu.dot_dimension_numbers<[1], [0], [0], [1], [0, 0, 1, 1], [], []>, transpose_lhs_hint = false} : vector<2560x8xf32>, vector<8x64xf32>, vector<2560x64xf32> -> vector<2560x64xf32>
    %add3A_168 = arith.addf %add3A_164, %dot_general3A_167 : vector<2560x64xf32>
    %slice3A_169 = vector.extract_strided_slice %get3A_10 {offsets = [0, 64], sizes = [16, 64], strides = [1, 1]} : vector<16x128xf32> to vector<16x64xf32>
    %dot_general3A_170 = arith.constant dense<0.000000e+00> : vector<2560x64xf32>
    %dot_general3A_171 = tpu.matmul %get3A_19, %slice3A_169, %dot_general3A_170 {dimension_numbers = #tpu.dot_dimension_numbers<[0], [0], [1], [1], [0, 1, 1, 1], [], []>, transpose_lhs_hint = false} : vector<16x2560xf32>, vector<16x64xf32>, vector<2560x64xf32> -> vector<2560x64xf32>
    %add3A_172 = arith.addf %add3A_168, %dot_general3A_171 : vector<2560x64xf32>
    %slice3A_173 = vector.extract_strided_slice %get3A_13 {offsets = [0, 64], sizes = [1, 64], strides = [1, 1]} : vector<1x128xf32> to vector<1x64xf32>
    %broadcast_in_dim3A_174 = vector.shape_cast %slice3A_173 : vector<1x64xf32> to vector<1x64xf32>
    %broadcast_in_dim3A_175 = vector.broadcast %broadcast_in_dim3A_174 : vector<1x64xf32> to vector<32x64xf32>
    %dot_general3A_176 = arith.constant dense<0.000000e+00> : vector<2560x64xf32>
    %dot_general3A_177 = tpu.matmul %add3A_112, %broadcast_in_dim3A_175, %dot_general3A_176 {dimension_numbers = #tpu.dot_dimension_numbers<[1], [0], [0], [1], [0, 0, 1, 1], [], []>, transpose_lhs_hint = false} : vector<2560x32xf32>, vector<32x64xf32>, vector<2560x64xf32> -> vector<2560x64xf32>
    %add3A_178 = arith.addf %add3A_172, %dot_general3A_177 : vector<2560x64xf32>
    %max3A_179 = arith.constant 0.000000e+00 : f32
    %max3A_180 = vector.broadcast %max3A_179 : f32 to vector<2560x64xf32>
    %max3A_181 = arith.maximumf %add3A_178, %max3A_180 : vector<2560x64xf32>
    %swap3A_182 = arith.constant 0 : index
    %swap3A_183 = arith.constant 64 : index
    %swap3A_184 = vector.load %arg9[%swap3A_182, %swap3A_183] : memref<2560x128xf32, #tpu.memory_space<vmem>>, vector<2560x64xf32>
    tpu.vector_store %arg9[%swap3A_182, %swap3A_183], %max3A_181 {strides = array<i32>} : memref<2560x128xf32, #tpu.memory_space<vmem>>, vector<2560x64xf32>,
    return
  }
  func.func @transform_0(%arg0: i32) -> (i32, i32) {
    %c0_i32 = arith.constant 0 : i32
    %c0_i32_0 = arith.constant 0 : i32
    %c0_i32_1 = arith.constant 0 : i32
    return %c0_i32, %c0_i32_0 : i32, i32
  }
  func.func @transform_1(%arg0: i32) -> (i32, i32) {
    %c0_i32 = arith.constant 0 : i32
    %c0_i32_0 = arith.constant 0 : i32
    return %arg0, %c0_i32 : i32, i32
  }
  func.func @transform_2(%arg0: i32) -> (i32, i32) {
    %c0_i32 = arith.constant 0 : i32
    %c0_i32_0 = arith.constant 0 : i32
    return %arg0, %c0_i32 : i32, i32
  }
  func.func @transform_3(%arg0: i32) -> (i32, i32) {
    %add3A = arith.constant 41 : i32
    %add3A_0 = arith.addi %arg0, %add3A : i32
    %c0_i32 = arith.constant 0 : i32
    %c0_i32_1 = arith.constant 0 : i32
    return %c0_i32, %add3A_0 : i32, i32
  }
  func.func @transform_4(%arg0: i32) -> (i32, i32) {
    %c0_i32 = arith.constant 0 : i32
    %c0_i32_0 = arith.constant 0 : i32
    %c0_i32_1 = arith.constant 0 : i32
    return %c0_i32, %c0_i32_0 : i32, i32
  }
  func.func @transform_5(%arg0: i32) -> (i32, i32) {
    %c0_i32 = arith.constant 0 : i32
    %c0_i32_0 = arith.constant 0 : i32
    %c0_i32_1 = arith.constant 0 : i32
    return %c0_i32, %c0_i32_0 : i32, i32
  }
  func.func @transform_6(%arg0: i32) -> (i32, i32) {
    %c0_i32 = arith.constant 0 : i32
    %c0_i32_0 = arith.constant 0 : i32
    %c0_i32_1 = arith.constant 0 : i32
    return %c0_i32, %c0_i32_0 : i32, i32
  }
  func.func @transform_7(%arg0: i32) -> (i32, i32) {
    %c0_i32 = arith.constant 0 : i32
    %c0_i32_0 = arith.constant 0 : i32
    %c0_i32_1 = arith.constant 0 : i32
    return %c0_i32, %c0_i32_0 : i32, i32
  }
  func.func @transform_8(%arg0: i32) -> (i32, i32) {
    %add3A = arith.constant 41 : i32
    %add3A_0 = arith.addi %arg0, %add3A : i32
    %c0_i32 = arith.constant 0 : i32
    %c0_i32_1 = arith.constant 0 : i32
    return %add3A_0, %c0_i32 : i32, i32
  }
}

module attributes {stable_mosaic.version = 14 : i64} {
  func.func @_final_body(%arg0: i32, %arg1: memref<8x128xf32, #tpu.memory_space<vmem>>, %arg2: memref<2560x128xi32, #tpu.memory_space<vmem>>, %arg3: memref<2560x128xi32, #tpu.memory_space<vmem>>, %arg4: memref<16x2560xf32, #tpu.memory_space<vmem>>, %arg5: memref<16x128xf32, #tpu.memory_space<vmem>>, %arg6: memref<16x128xf32, #tpu.memory_space<vmem>>, %arg7: memref<1x128xf32, #tpu.memory_space<vmem>>, %arg8: memref<1x128xf32, #tpu.memory_space<vmem>>, %arg9: memref<2560x128xf32, #tpu.memory_space<vmem>>) attributes {dimension_semantics = [#tpu.dimension_semantics<arbitrary>], iteration_bounds = array<i64: 28>, scalar_prefetch = 0 : i64, scratch_operands = 0 : i64, tpu.core_type = #tpu.core_type<tc>, window_params = [{transform_indices = @transform_0, window_bounds = array<i64: 8, 128>}, {transform_indices = @transform_1, window_bounds = array<i64: 2560, 128>}, {transform_indices = @transform_2, window_bounds = array<i64: 2560, 128>}, {transform_indices = @transform_3, window_bounds = array<i64: 16, 2560>}, {pipeline_mode = #tpu.pipeline_mode<synchronous>, transform_indices = @transform_4, window_bounds = array<i64: 16, 128>}, {pipeline_mode = #tpu.pipeline_mode<synchronous>, transform_indices = @transform_5, window_bounds = array<i64: 16, 128>}, {pipeline_mode = #tpu.pipeline_mode<synchronous>, transform_indices = @transform_6, window_bounds = array<i64: 1, 128>}, {pipeline_mode = #tpu.pipeline_mode<synchronous>, transform_indices = @transform_7, window_bounds = array<i64: 1, 128>}, {transform_indices = @transform_8, window_bounds = array<i64: 2560, 128>}]} {
    %get3A = arith.constant 0 : index
    %get3A_0 = arith.constant 0 : index
    %get3A_1 = vector.load %arg2[%get3A, %get3A_0] : memref<2560x128xi32, #tpu.memory_space<vmem>>, vector<2560x128xi32>
    %get3A_2 = arith.constant 0 : index
    %get3A_3 = arith.constant 0 : index
    %get3A_4 = vector.load %arg3[%get3A_2, %get3A_3] : memref<2560x128xi32, #tpu.memory_space<vmem>>, vector<2560x128xi32>
    %get3A_5 = arith.constant 0 : index
    %get3A_6 = arith.constant 0 : index
    %get3A_7 = vector.load %arg5[%get3A_5, %get3A_6] : memref<16x128xf32, #tpu.memory_space<vmem>>, vector<16x128xf32>
    %get3A_8 = arith.constant 0 : index
    %get3A_9 = arith.constant 0 : index
    %get3A_10 = vector.load %arg6[%get3A_8, %get3A_9] : memref<16x128xf32, #tpu.memory_space<vmem>>, vector<16x128xf32>
    %get3A_11 = arith.constant 0 : index
    %get3A_12 = arith.constant 0 : index
    %get3A_13 = vector.load %arg7[%get3A_11, %get3A_12] : memref<1x128xf32, #tpu.memory_space<vmem>>, vector<1x128xf32>
    %get3A_14 = arith.constant 0 : index
    %get3A_15 = arith.constant 0 : index
    %get3A_16 = vector.load %arg8[%get3A_14, %get3A_15] : memref<1x128xf32, #tpu.memory_space<vmem>>, vector<1x128xf32>
    %get3A_17 = arith.constant 0 : index
    %get3A_18 = arith.constant 0 : index
    %get3A_19 = vector.load %arg4[%get3A_17, %get3A_18] : memref<16x2560xf32, #tpu.memory_space<vmem>>, vector<16x2560xf32>
    %slice3A = vector.extract_strided_slice %get3A_1 {offsets = [0, 64], sizes = [2560, 8], strides = [1, 1]} : vector<2560x128xi32> to vector<2560x8xi32>
    %slice3A_20 = vector.extract_strided_slice %get3A_4 {offsets = [0, 64], sizes = [2560, 8], strides = [1, 1]} : vector<2560x128xi32> to vector<2560x8xi32>
    %shift_left3A = arith.constant 16 : i32
    %shift_left3A_21 = vector.broadcast %shift_left3A : i32 to vector<2560x8xi32>
    %shift_left3A_22 = arith.shli %slice3A, %shift_left3A_21 : vector<2560x8xi32>
    %bitcast_convert_type3A = tpu.bitcast %shift_left3A_22 : vector<2560x8xi32> -> vector<2560x8xf32>
    %shift_left3A_23 = arith.constant 16 : i32
    %shift_left3A_24 = vector.broadcast %shift_left3A_23 : i32 to vector<2560x8xi32>
    %shift_left3A_25 = arith.shli %slice3A_20, %shift_left3A_24 : vector<2560x8xi32>
    %bitcast_convert_type3A_26 = tpu.bitcast %shift_left3A_25 : vector<2560x8xi32> -> vector<2560x8xf32>
    %mul3A = arith.mulf %bitcast_convert_type3A, %bitcast_convert_type3A_26 : vector<2560x8xf32>
    %and3A = arith.constant -65536 : i32
    %and3A_27 = vector.broadcast %and3A : i32 to vector<2560x8xi32>
    %and3A_28 = arith.andi %slice3A, %and3A_27 : vector<2560x8xi32>
    %bitcast_convert_type3A_29 = tpu.bitcast %and3A_28 : vector<2560x8xi32> -> vector<2560x8xf32>
    %and3A_30 = arith.constant -65536 : i32
    %and3A_31 = vector.broadcast %and3A_30 : i32 to vector<2560x8xi32>
    %and3A_32 = arith.andi %slice3A_20, %and3A_31 : vector<2560x8xi32>
    %bitcast_convert_type3A_33 = tpu.bitcast %and3A_32 : vector<2560x8xi32> -> vector<2560x8xf32>
    %mul3A_34 = arith.mulf %bitcast_convert_type3A_29, %bitcast_convert_type3A_33 : vector<2560x8xf32>
    %slice3A_35 = vector.extract_strided_slice %get3A_1 {offsets = [0, 72], sizes = [2560, 32], strides = [1, 1]} : vector<2560x128xi32> to vector<2560x32xi32>
    %slice3A_36 = vector.extract_strided_slice %get3A_4 {offsets = [0, 72], sizes = [2560, 32], strides = [1, 1]} : vector<2560x128xi32> to vector<2560x32xi32>
    %shift_right_logical3A = arith.constant 0 : i32
    %shift_right_logical3A_37 = vector.broadcast %shift_right_logical3A : i32 to vector<2560x32xi32>
    %shift_right_logical3A_38 = arith.shrui %slice3A_35, %shift_right_logical3A_37 : vector<2560x32xi32>
    %and3A_39 = arith.constant 255 : i32
    %and3A_40 = vector.broadcast %and3A_39 : i32 to vector<2560x32xi32>
    %and3A_41 = arith.andi %shift_right_logical3A_38, %and3A_40 : vector<2560x32xi32>
    %convert_element_type3A = arith.trunci %and3A_41 : vector<2560x32xi32> to vector<2560x32xi8>
    %bitcast_convert_type3A_42 = tpu.bitcast %convert_element_type3A : vector<2560x32xi8> -> vector<2560x32xf8E4M3FN>
    %convert_element_type3A_43 = arith.extf %bitcast_convert_type3A_42 : vector<2560x32xf8E4M3FN> to vector<2560x32xf32>
    %shift_right_logical3A_44 = arith.constant 0 : i32
    %shift_right_logical3A_45 = vector.broadcast %shift_right_logical3A_44 : i32 to vector<2560x32xi32>
    %shift_right_logical3A_46 = arith.shrui %slice3A_36, %shift_right_logical3A_45 : vector<2560x32xi32>
    %and3A_47 = arith.constant 255 : i32
    %and3A_48 = vector.broadcast %and3A_47 : i32 to vector<2560x32xi32>
    %and3A_49 = arith.andi %shift_right_logical3A_46, %and3A_48 : vector<2560x32xi32>
    %convert_element_type3A_50 = arith.trunci %and3A_49 : vector<2560x32xi32> to vector<2560x32xi8>
    %bitcast_convert_type3A_51 = tpu.bitcast %convert_element_type3A_50 : vector<2560x32xi8> -> vector<2560x32xf8E4M3FN>
    %convert_element_type3A_52 = arith.extf %bitcast_convert_type3A_51 : vector<2560x32xf8E4M3FN> to vector<2560x32xf32>
    %mul3A_53 = arith.mulf %convert_element_type3A_43, %convert_element_type3A_52 : vector<2560x32xf32>
    %shift_right_logical3A_54 = arith.constant 8 : i32
    %shift_right_logical3A_55 = vector.broadcast %shift_right_logical3A_54 : i32 to vector<2560x32xi32>
    %shift_right_logical3A_56 = arith.shrui %slice3A_35, %shift_right_logical3A_55 : vector<2560x32xi32>
    %and3A_57 = arith.constant 255 : i32
    %and3A_58 = vector.broadcast %and3A_57 : i32 to vector<2560x32xi32>
    %and3A_59 = arith.andi %shift_right_logical3A_56, %and3A_58 : vector<2560x32xi32>
    %convert_element_type3A_60 = arith.trunci %and3A_59 : vector<2560x32xi32> to vector<2560x32xi8>
    %bitcast_convert_type3A_61 = tpu.bitcast %convert_element_type3A_60 : vector<2560x32xi8> -> vector<2560x32xf8E4M3FN>
    %convert_element_type3A_62 = arith.extf %bitcast_convert_type3A_61 : vector<2560x32xf8E4M3FN> to vector<2560x32xf32>
    %shift_right_logical3A_63 = arith.constant 8 : i32
    %shift_right_logical3A_64 = vector.broadcast %shift_right_logical3A_63 : i32 to vector<2560x32xi32>
    %shift_right_logical3A_65 = arith.shrui %slice3A_36, %shift_right_logical3A_64 : vector<2560x32xi32>
    %and3A_66 = arith.constant 255 : i32
    %and3A_67 = vector.broadcast %and3A_66 : i32 to vector<2560x32xi32>
    %and3A_68 = arith.andi %shift_right_logical3A_65, %and3A_67 : vector<2560x32xi32>
    %convert_element_type3A_69 = arith.trunci %and3A_68 : vector<2560x32xi32> to vector<2560x32xi8>
    %bitcast_convert_type3A_70 = tpu.bitcast %convert_element_type3A_69 : vector<2560x32xi8> -> vector<2560x32xf8E4M3FN>
    %convert_element_type3A_71 = arith.extf %bitcast_convert_type3A_70 : vector<2560x32xf8E4M3FN> to vector<2560x32xf32>
    %mul3A_72 = arith.mulf %convert_element_type3A_62, %convert_element_type3A_71 : vector<2560x32xf32>
    %shift_right_logical3A_73 = arith.constant 16 : i32
    %shift_right_logical3A_74 = vector.broadcast %shift_right_logical3A_73 : i32 to vector<2560x32xi32>
    %shift_right_logical3A_75 = arith.shrui %slice3A_35, %shift_right_logical3A_74 : vector<2560x32xi32>
    %and3A_76 = arith.constant 255 : i32
    %and3A_77 = vector.broadcast %and3A_76 : i32 to vector<2560x32xi32>
    %and3A_78 = arith.andi %shift_right_logical3A_75, %and3A_77 : vector<2560x32xi32>
    %convert_element_type3A_79 = arith.trunci %and3A_78 : vector<2560x32xi32> to vector<2560x32xi8>
    %bitcast_convert_type3A_80 = tpu.bitcast %convert_element_type3A_79 : vector<2560x32xi8> -> vector<2560x32xf8E4M3FN>
    %convert_element_type3A_81 = arith.extf %bitcast_convert_type3A_80 : vector<2560x32xf8E4M3FN> to vector<2560x32xf32>
    %shift_right_logical3A_82 = arith.constant 16 : i32
    %shift_right_logical3A_83 = vector.broadcast %shift_right_logical3A_82 : i32 to vector<2560x32xi32>
    %shift_right_logical3A_84 = arith.shrui %slice3A_36, %shift_right_logical3A_83 : vector<2560x32xi32>
    %and3A_85 = arith.constant 255 : i32
    %and3A_86 = vector.broadcast %and3A_85 : i32 to vector<2560x32xi32>
    %and3A_87 = arith.andi %shift_right_logical3A_84, %and3A_86 : vector<2560x32xi32>
    %convert_element_type3A_88 = arith.trunci %and3A_87 : vector<2560x32xi32> to vector<2560x32xi8>
    %bitcast_convert_type3A_89 = tpu.bitcast %convert_element_type3A_88 : vector<2560x32xi8> -> vector<2560x32xf8E4M3FN>
    %convert_element_type3A_90 = arith.extf %bitcast_convert_type3A_89 : vector<2560x32xf8E4M3FN> to vector<2560x32xf32>
    %mul3A_91 = arith.mulf %convert_element_type3A_81, %convert_element_type3A_90 : vector<2560x32xf32>
    %shift_right_logical3A_92 = arith.constant 24 : i32
    %shift_right_logical3A_93 = vector.broadcast %shift_right_logical3A_92 : i32 to vector<2560x32xi32>
    %shift_right_logical3A_94 = arith.shrui %slice3A_35, %shift_right_logical3A_93 : vector<2560x32xi32>
    %and3A_95 = arith.constant 255 : i32
    %and3A_96 = vector.broadcast %and3A_95 : i32 to vector<2560x32xi32>
    %and3A_97 = arith.andi %shift_right_logical3A_94, %and3A_96 : vector<2560x32xi32>
    %convert_element_type3A_98 = arith.trunci %and3A_97 : vector<2560x32xi32> to vector<2560x32xi8>
    %bitcast_convert_type3A_99 = tpu.bitcast %convert_element_type3A_98 : vector<2560x32xi8> -> vector<2560x32xf8E4M3FN>
    %convert_element_type3A_100 = arith.extf %bitcast_convert_type3A_99 : vector<2560x32xf8E4M3FN> to vector<2560x32xf32>
    %shift_right_logical3A_101 = arith.constant 24 : i32
    %shift_right_logical3A_102 = vector.broadcast %shift_right_logical3A_101 : i32 to vector<2560x32xi32>
    %shift_right_logical3A_103 = arith.shrui %slice3A_36, %shift_right_logical3A_102 : vector<2560x32xi32>
    %and3A_104 = arith.constant 255 : i32
    %and3A_105 = vector.broadcast %and3A_104 : i32 to vector<2560x32xi32>
    %and3A_106 = arith.andi %shift_right_logical3A_103, %and3A_105 : vector<2560x32xi32>
    %convert_element_type3A_107 = arith.trunci %and3A_106 : vector<2560x32xi32> to vector<2560x32xi8>
    %bitcast_convert_type3A_108 = tpu.bitcast %convert_element_type3A_107 : vector<2560x32xi8> -> vector<2560x32xf8E4M3FN>
    %convert_element_type3A_109 = arith.extf %bitcast_convert_type3A_108 : vector<2560x32xf8E4M3FN> to vector<2560x32xf32>
    %mul3A_110 = arith.mulf %convert_element_type3A_100, %convert_element_type3A_109 : vector<2560x32xf32>
    %add3A = arith.addf %mul3A_53, %mul3A_72 : vector<2560x32xf32>
    %add3A_111 = arith.addf %mul3A_91, %mul3A_110 : vector<2560x32xf32>
    %add3A_112 = arith.addf %add3A, %add3A_111 : vector<2560x32xf32>
    %slice3A_113 = vector.extract_strided_slice %get3A_1 {offsets = [0, 0], sizes = [2560, 64], strides = [1, 1]} : vector<2560x128xi32> to vector<2560x64xi32>
    %shift_left3A_114 = arith.constant 16 : i32
    %shift_left3A_115 = vector.broadcast %shift_left3A_114 : i32 to vector<2560x64xi32>
    %shift_left3A_116 = arith.shli %slice3A_113, %shift_left3A_115 : vector<2560x64xi32>
    %bitcast_convert_type3A_117 = tpu.bitcast %shift_left3A_116 : vector<2560x64xi32> -> vector<2560x64xf32>
    %slice3A_118 = vector.extract_strided_slice %get3A_4 {offsets = [0, 0], sizes = [2560, 64], strides = [1, 1]} : vector<2560x128xi32> to vector<2560x64xi32>
    %shift_left3A_119 = arith.constant 16 : i32
    %shift_left3A_120 = vector.broadcast %shift_left3A_119 : i32 to vector<2560x64xi32>
    %shift_left3A_121 = arith.shli %slice3A_118, %shift_left3A_120 : vector<2560x64xi32>
    %bitcast_convert_type3A_122 = tpu.bitcast %shift_left3A_121 : vector<2560x64xi32> -> vector<2560x64xf32>
    %add3A_123 = arith.addf %bitcast_convert_type3A_117, %bitcast_convert_type3A_122 : vector<2560x64xf32>
    %slice3A_124 = vector.extract_strided_slice %get3A_16 {offsets = [0, 0], sizes = [1, 64], strides = [1, 1]} : vector<1x128xf32> to vector<1x64xf32>
    %add3A_125 = vector.broadcast %slice3A_124 : vector<1x64xf32> to vector<2560x64xf32>
    %add3A_126 = arith.addf %add3A_123, %add3A_125 : vector<2560x64xf32>
    %slice3A_127 = vector.extract_strided_slice %get3A_7 {offsets = [0, 0], sizes = [8, 64], strides = [1, 1]} : vector<16x128xf32> to vector<8x64xf32>
    %dot_general3A = arith.constant dense<0.000000e+00> : vector<2560x64xf32>
    %dot_general3A_128 = tpu.matmul %mul3A, %slice3A_127, %dot_general3A {dimension_numbers = #tpu.dot_dimension_numbers<[1], [0], [0], [1], [0, 0, 1, 1], [], []>, transpose_lhs_hint = false} : vector<2560x8xf32>, vector<8x64xf32>, vector<2560x64xf32> -> vector<2560x64xf32>
    %add3A_129 = arith.addf %add3A_126, %dot_general3A_128 : vector<2560x64xf32>
    %slice3A_130 = vector.extract_strided_slice %get3A_7 {offsets = [8, 0], sizes = [8, 64], strides = [1, 1]} : vector<16x128xf32> to vector<8x64xf32>
    %dot_general3A_131 = arith.constant dense<0.000000e+00> : vector<2560x64xf32>
    %dot_general3A_132 = tpu.matmul %mul3A_34, %slice3A_130, %dot_general3A_131 {dimension_numbers = #tpu.dot_dimension_numbers<[1], [0], [0], [1], [0, 0, 1, 1], [], []>, transpose_lhs_hint = false} : vector<2560x8xf32>, vector<8x64xf32>, vector<2560x64xf32> -> vector<2560x64xf32>
    %add3A_133 = arith.addf %add3A_129, %dot_general3A_132 : vector<2560x64xf32>
    %slice3A_134 = vector.extract_strided_slice %get3A_10 {offsets = [0, 0], sizes = [16, 64], strides = [1, 1]} : vector<16x128xf32> to vector<16x64xf32>
    %dot_general3A_135 = arith.constant dense<0.000000e+00> : vector<2560x64xf32>
    %dot_general3A_136 = tpu.matmul %get3A_19, %slice3A_134, %dot_general3A_135 {dimension_numbers = #tpu.dot_dimension_numbers<[0], [0], [1], [1], [0, 1, 1, 1], [], []>, transpose_lhs_hint = false} : vector<16x2560xf32>, vector<16x64xf32>, vector<2560x64xf32> -> vector<2560x64xf32>
    %add3A_137 = arith.addf %add3A_133, %dot_general3A_136 : vector<2560x64xf32>
    %slice3A_138 = vector.extract_strided_slice %get3A_13 {offsets = [0, 0], sizes = [1, 64], strides = [1, 1]} : vector<1x128xf32> to vector<1x64xf32>
    %broadcast_in_dim3A = vector.shape_cast %slice3A_138 : vector<1x64xf32> to vector<1x64xf32>
    %broadcast_in_dim3A_139 = vector.broadcast %broadcast_in_dim3A : vector<1x64xf32> to vector<32x64xf32>
    %dot_general3A_140 = arith.constant dense<0.000000e+00> : vector<2560x64xf32>
    %dot_general3A_141 = tpu.matmul %add3A_112, %broadcast_in_dim3A_139, %dot_general3A_140 {dimension_numbers = #tpu.dot_dimension_numbers<[1], [0], [0], [1], [0, 0, 1, 1], [], []>, transpose_lhs_hint = false} : vector<2560x32xf32>, vector<32x64xf32>, vector<2560x64xf32> -> vector<2560x64xf32>
    %add3A_142 = arith.addf %add3A_137, %dot_general3A_141 : vector<2560x64xf32>
    %max3A = arith.constant 0.000000e+00 : f32
    %max3A_143 = vector.broadcast %max3A : f32 to vector<2560x64xf32>
    %max3A_144 = arith.maximumf %add3A_142, %max3A_143 : vector<2560x64xf32>
    %swap3A = arith.constant 0 : index
    %swap3A_145 = arith.constant 0 : index
    %swap3A_146 = vector.load %arg9[%swap3A, %swap3A_145] : memref<2560x128xf32, #tpu.memory_space<vmem>>, vector<2560x64xf32>
    tpu.vector_store %arg9[%swap3A, %swap3A_145], %max3A_144 {strides = array<i32>} : memref<2560x128xf32, #tpu.memory_space<vmem>>, vector<2560x64xf32>,
    %slice3A_147 = vector.extract_strided_slice %get3A_1 {offsets = [0, 0], sizes = [2560, 64], strides = [1, 1]} : vector<2560x128xi32> to vector<2560x64xi32>
    %and3A_148 = arith.constant -65536 : i32
    %and3A_149 = vector.broadcast %and3A_148 : i32 to vector<2560x64xi32>
    %and3A_150 = arith.andi %slice3A_147, %and3A_149 : vector<2560x64xi32>
    %bitcast_convert_type3A_151 = tpu.bitcast %and3A_150 : vector<2560x64xi32> -> vector<2560x64xf32>
    %slice3A_152 = vector.extract_strided_slice %get3A_4 {offsets = [0, 0], sizes = [2560, 64], strides = [1, 1]} : vector<2560x128xi32> to vector<2560x64xi32>
    %and3A_153 = arith.constant -65536 : i32
    %and3A_154 = vector.broadcast %and3A_153 : i32 to vector<2560x64xi32>
    %and3A_155 = arith.andi %slice3A_152, %and3A_154 : vector<2560x64xi32>
    %bitcast_convert_type3A_156 = tpu.bitcast %and3A_155 : vector<2560x64xi32> -> vector<2560x64xf32>
    %add3A_157 = arith.addf %bitcast_convert_type3A_151, %bitcast_convert_type3A_156 : vector<2560x64xf32>
    %slice3A_158 = vector.extract_strided_slice %get3A_16 {offsets = [0, 64], sizes = [1, 64], strides = [1, 1]} : vector<1x128xf32> to vector<1x64xf32>
    %add3A_159 = vector.broadcast %slice3A_158 : vector<1x64xf32> to vector<2560x64xf32>
    %add3A_160 = arith.addf %add3A_157, %add3A_159 : vector<2560x64xf32>
    %slice3A_161 = vector.extract_strided_slice %get3A_7 {offsets = [0, 64], sizes = [8, 64], strides = [1, 1]} : vector<16x128xf32> to vector<8x64xf32>
    %dot_general3A_162 = arith.constant dense<0.000000e+00> : vector<2560x64xf32>
    %dot_general3A_163 = tpu.matmul %mul3A, %slice3A_161, %dot_general3A_162 {dimension_numbers = #tpu.dot_dimension_numbers<[1], [0], [0], [1], [0, 0, 1, 1], [], []>, transpose_lhs_hint = false} : vector<2560x8xf32>, vector<8x64xf32>, vector<2560x64xf32> -> vector<2560x64xf32>
    %add3A_164 = arith.addf %add3A_160, %dot_general3A_163 : vector<2560x64xf32>
    %slice3A_165 = vector.extract_strided_slice %get3A_7 {offsets = [8, 64], sizes = [8, 64], strides = [1, 1]} : vector<16x128xf32> to vector<8x64xf32>
    %dot_general3A_166 = arith.constant dense<0.000000e+00> : vector<2560x64xf32>
    %dot_general3A_167 = tpu.matmul %mul3A_34, %slice3A_165, %dot_general3A_166 {dimension_numbers = #tpu.dot_dimension_numbers<[1], [0], [0], [1], [0, 0, 1, 1], [], []>, transpose_lhs_hint = false} : vector<2560x8xf32>, vector<8x64xf32>, vector<2560x64xf32> -> vector<2560x64xf32>
    %add3A_168 = arith.addf %add3A_164, %dot_general3A_167 : vector<2560x64xf32>
    %slice3A_169 = vector.extract_strided_slice %get3A_10 {offsets = [0, 64], sizes = [16, 64], strides = [1, 1]} : vector<16x128xf32> to vector<16x64xf32>
    %dot_general3A_170 = arith.constant dense<0.000000e+00> : vector<2560x64xf32>
    %dot_general3A_171 = tpu.matmul %get3A_19, %slice3A_169, %dot_general3A_170 {dimension_numbers = #tpu.dot_dimension_numbers<[0], [0], [1], [1], [0, 1, 1, 1], [], []>, transpose_lhs_hint = false} : vector<16x2560xf32>, vector<16x64xf32>, vector<2560x64xf32> -> vector<2560x64xf32>
    %add3A_172 = arith.addf %add3A_168, %dot_general3A_171 : vector<2560x64xf32>
    %slice3A_173 = vector.extract_strided_slice %get3A_13 {offsets = [0, 64], sizes = [1, 64], strides = [1, 1]} : vector<1x128xf32> to vector<1x64xf32>
    %broadcast_in_dim3A_174 = vector.shape_cast %slice3A_173 : vector<1x64xf32> to vector<1x64xf32>
    %broadcast_in_dim3A_175 = vector.broadcast %broadcast_in_dim3A_174 : vector<1x64xf32> to vector<32x64xf32>
    %dot_general3A_176 = arith.constant dense<0.000000e+00> : vector<2560x64xf32>
    %dot_general3A_177 = tpu.matmul %add3A_112, %broadcast_in_dim3A_175, %dot_general3A_176 {dimension_numbers = #tpu.dot_dimension_numbers<[1], [0], [0], [1], [0, 0, 1, 1], [], []>, transpose_lhs_hint = false} : vector<2560x32xf32>, vector<32x64xf32>, vector<2560x64xf32> -> vector<2560x64xf32>
    %add3A_178 = arith.addf %add3A_172, %dot_general3A_177 : vector<2560x64xf32>
    %max3A_179 = arith.constant 0.000000e+00 : f32
    %max3A_180 = vector.broadcast %max3A_179 : f32 to vector<2560x64xf32>
    %max3A_181 = arith.maximumf %add3A_178, %max3A_180 : vector<2560x64xf32>
    %swap3A_182 = arith.constant 0 : index
    %swap3A_183 = arith.constant 64 : index
    %swap3A_184 = vector.load %arg9[%swap3A_182, %swap3A_183] : memref<2560x128xf32, #tpu.memory_space<vmem>>, vector<2560x64xf32>
    tpu.vector_store %arg9[%swap3A_182, %swap3A_183], %max3A_181 {strides = array<i32>} : memref<2560x128xf32, #tpu.memory_space<vmem>>, vector<2560x64xf32>,
    return
  }
  func.func @transform_0(%arg0: i32) -> (i32, i32) {
    %c0_i32 = arith.constant 0 : i32
    %c0_i32_0 = arith.constant 0 : i32
    %c0_i32_1 = arith.constant 0 : i32
    return %c0_i32, %c0_i32_0 : i32, i32
  }
  func.func @transform_1(%arg0: i32) -> (i32, i32) {
    %c0_i32 = arith.constant 0 : i32
    %c0_i32_0 = arith.constant 0 : i32
    return %arg0, %c0_i32 : i32, i32
  }
  func.func @transform_2(%arg0: i32) -> (i32, i32) {
    %c0_i32 = arith.constant 0 : i32
    %c0_i32_0 = arith.constant 0 : i32
    return %arg0, %c0_i32 : i32, i32
  }
  func.func @transform_3(%arg0: i32) -> (i32, i32) {
    %add3A = arith.constant 69 : i32
    %add3A_0 = arith.addi %arg0, %add3A : i32
    %c0_i32 = arith.constant 0 : i32
    %c0_i32_1 = arith.constant 0 : i32
    return %c0_i32, %add3A_0 : i32, i32
  }
  func.func @transform_4(%arg0: i32) -> (i32, i32) {
    %c0_i32 = arith.constant 0 : i32
    %c0_i32_0 = arith.constant 0 : i32
    %c0_i32_1 = arith.constant 0 : i32
    return %c0_i32, %c0_i32_0 : i32, i32
  }
  func.func @transform_5(%arg0: i32) -> (i32, i32) {
    %c0_i32 = arith.constant 0 : i32
    %c0_i32_0 = arith.constant 0 : i32
    %c0_i32_1 = arith.constant 0 : i32
    return %c0_i32, %c0_i32_0 : i32, i32
  }
  func.func @transform_6(%arg0: i32) -> (i32, i32) {
    %c0_i32 = arith.constant 0 : i32
    %c0_i32_0 = arith.constant 0 : i32
    %c0_i32_1 = arith.constant 0 : i32
    return %c0_i32, %c0_i32_0 : i32, i32
  }
  func.func @transform_7(%arg0: i32) -> (i32, i32) {
    %c0_i32 = arith.constant 0 : i32
    %c0_i32_0 = arith.constant 0 : i32
    %c0_i32_1 = arith.constant 0 : i32
    return %c0_i32, %c0_i32_0 : i32, i32
  }
  func.func @transform_8(%arg0: i32) -> (i32, i32) {
    %add3A = arith.constant 69 : i32
    %add3A_0 = arith.addi %arg0, %add3A : i32
    %c0_i32 = arith.constant 0 : i32
    %c0_i32_1 = arith.constant 0 : i32
    return %add3A_0, %c0_i32 : i32, i32
  }
}

module attributes {stable_mosaic.version = 14 : i64} {
  func.func @_final_body(%arg0: i32, %arg1: memref<8x128xf32, #tpu.memory_space<vmem>>, %arg2: memref<2560x128xi32, #tpu.memory_space<vmem>>, %arg3: memref<2560x128xi32, #tpu.memory_space<vmem>>, %arg4: memref<16x2560xf32, #tpu.memory_space<vmem>>, %arg5: memref<16x128xf32, #tpu.memory_space<vmem>>, %arg6: memref<16x128xf32, #tpu.memory_space<vmem>>, %arg7: memref<1x128xf32, #tpu.memory_space<vmem>>, %arg8: memref<1x128xf32, #tpu.memory_space<vmem>>, %arg9: memref<2560x128xf32, #tpu.memory_space<vmem>>) attributes {dimension_semantics = [#tpu.dimension_semantics<arbitrary>], iteration_bounds = array<i64: 28>, scalar_prefetch = 0 : i64, scratch_operands = 0 : i64, tpu.core_type = #tpu.core_type<tc>, window_params = [{transform_indices = @transform_0, window_bounds = array<i64: 8, 128>}, {transform_indices = @transform_1, window_bounds = array<i64: 2560, 128>}, {transform_indices = @transform_2, window_bounds = array<i64: 2560, 128>}, {transform_indices = @transform_3, window_bounds = array<i64: 16, 2560>}, {pipeline_mode = #tpu.pipeline_mode<synchronous>, transform_indices = @transform_4, window_bounds = array<i64: 16, 128>}, {pipeline_mode = #tpu.pipeline_mode<synchronous>, transform_indices = @transform_5, window_bounds = array<i64: 16, 128>}, {pipeline_mode = #tpu.pipeline_mode<synchronous>, transform_indices = @transform_6, window_bounds = array<i64: 1, 128>}, {pipeline_mode = #tpu.pipeline_mode<synchronous>, transform_indices = @transform_7, window_bounds = array<i64: 1, 128>}, {transform_indices = @transform_8, window_bounds = array<i64: 2560, 128>}]} {
    %get3A = arith.constant 0 : index
    %get3A_0 = arith.constant 0 : index
    %get3A_1 = vector.load %arg2[%get3A, %get3A_0] : memref<2560x128xi32, #tpu.memory_space<vmem>>, vector<2560x128xi32>
    %get3A_2 = arith.constant 0 : index
    %get3A_3 = arith.constant 0 : index
    %get3A_4 = vector.load %arg3[%get3A_2, %get3A_3] : memref<2560x128xi32, #tpu.memory_space<vmem>>, vector<2560x128xi32>
    %get3A_5 = arith.constant 0 : index
    %get3A_6 = arith.constant 0 : index
    %get3A_7 = vector.load %arg5[%get3A_5, %get3A_6] : memref<16x128xf32, #tpu.memory_space<vmem>>, vector<16x128xf32>
    %get3A_8 = arith.constant 0 : index
    %get3A_9 = arith.constant 0 : index
    %get3A_10 = vector.load %arg6[%get3A_8, %get3A_9] : memref<16x128xf32, #tpu.memory_space<vmem>>, vector<16x128xf32>
    %get3A_11 = arith.constant 0 : index
    %get3A_12 = arith.constant 0 : index
    %get3A_13 = vector.load %arg7[%get3A_11, %get3A_12] : memref<1x128xf32, #tpu.memory_space<vmem>>, vector<1x128xf32>
    %get3A_14 = arith.constant 0 : index
    %get3A_15 = arith.constant 0 : index
    %get3A_16 = vector.load %arg8[%get3A_14, %get3A_15] : memref<1x128xf32, #tpu.memory_space<vmem>>, vector<1x128xf32>
    %get3A_17 = arith.constant 0 : index
    %get3A_18 = arith.constant 0 : index
    %get3A_19 = vector.load %arg4[%get3A_17, %get3A_18] : memref<16x2560xf32, #tpu.memory_space<vmem>>, vector<16x2560xf32>
    %slice3A = vector.extract_strided_slice %get3A_1 {offsets = [0, 64], sizes = [2560, 8], strides = [1, 1]} : vector<2560x128xi32> to vector<2560x8xi32>
    %slice3A_20 = vector.extract_strided_slice %get3A_4 {offsets = [0, 64], sizes = [2560, 8], strides = [1, 1]} : vector<2560x128xi32> to vector<2560x8xi32>
    %shift_left3A = arith.constant 16 : i32
    %shift_left3A_21 = vector.broadcast %shift_left3A : i32 to vector<2560x8xi32>
    %shift_left3A_22 = arith.shli %slice3A, %shift_left3A_21 : vector<2560x8xi32>
    %bitcast_convert_type3A = tpu.bitcast %shift_left3A_22 : vector<2560x8xi32> -> vector<2560x8xf32>
    %shift_left3A_23 = arith.constant 16 : i32
    %shift_left3A_24 = vector.broadcast %shift_left3A_23 : i32 to vector<2560x8xi32>
    %shift_left3A_25 = arith.shli %slice3A_20, %shift_left3A_24 : vector<2560x8xi32>
    %bitcast_convert_type3A_26 = tpu.bitcast %shift_left3A_25 : vector<2560x8xi32> -> vector<2560x8xf32>
    %mul3A = arith.mulf %bitcast_convert_type3A, %bitcast_convert_type3A_26 : vector<2560x8xf32>
    %and3A = arith.constant -65536 : i32
    %and3A_27 = vector.broadcast %and3A : i32 to vector<2560x8xi32>
    %and3A_28 = arith.andi %slice3A, %and3A_27 : vector<2560x8xi32>
    %bitcast_convert_type3A_29 = tpu.bitcast %and3A_28 : vector<2560x8xi32> -> vector<2560x8xf32>
    %and3A_30 = arith.constant -65536 : i32
    %and3A_31 = vector.broadcast %and3A_30 : i32 to vector<2560x8xi32>
    %and3A_32 = arith.andi %slice3A_20, %and3A_31 : vector<2560x8xi32>
    %bitcast_convert_type3A_33 = tpu.bitcast %and3A_32 : vector<2560x8xi32> -> vector<2560x8xf32>
    %mul3A_34 = arith.mulf %bitcast_convert_type3A_29, %bitcast_convert_type3A_33 : vector<2560x8xf32>
    %slice3A_35 = vector.extract_strided_slice %get3A_1 {offsets = [0, 72], sizes = [2560, 32], strides = [1, 1]} : vector<2560x128xi32> to vector<2560x32xi32>
    %slice3A_36 = vector.extract_strided_slice %get3A_4 {offsets = [0, 72], sizes = [2560, 32], strides = [1, 1]} : vector<2560x128xi32> to vector<2560x32xi32>
    %shift_right_logical3A = arith.constant 0 : i32
    %shift_right_logical3A_37 = vector.broadcast %shift_right_logical3A : i32 to vector<2560x32xi32>
    %shift_right_logical3A_38 = arith.shrui %slice3A_35, %shift_right_logical3A_37 : vector<2560x32xi32>
    %and3A_39 = arith.constant 255 : i32
    %and3A_40 = vector.broadcast %and3A_39 : i32 to vector<2560x32xi32>
    %and3A_41 = arith.andi %shift_right_logical3A_38, %and3A_40 : vector<2560x32xi32>
    %convert_element_type3A = arith.trunci %and3A_41 : vector<2560x32xi32> to vector<2560x32xi8>
    %bitcast_convert_type3A_42 = tpu.bitcast %convert_element_type3A : vector<2560x32xi8> -> vector<2560x32xf8E4M3FN>
    %convert_element_type3A_43 = arith.extf %bitcast_convert_type3A_42 : vector<2560x32xf8E4M3FN> to vector<2560x32xf32>
    %shift_right_logical3A_44 = arith.constant 0 : i32
    %shift_right_logical3A_45 = vector.broadcast %shift_right_logical3A_44 : i32 to vector<2560x32xi32>
    %shift_right_logical3A_46 = arith.shrui %slice3A_36, %shift_right_logical3A_45 : vector<2560x32xi32>
    %and3A_47 = arith.constant 255 : i32
    %and3A_48 = vector.broadcast %and3A_47 : i32 to vector<2560x32xi32>
    %and3A_49 = arith.andi %shift_right_logical3A_46, %and3A_48 : vector<2560x32xi32>
    %convert_element_type3A_50 = arith.trunci %and3A_49 : vector<2560x32xi32> to vector<2560x32xi8>
    %bitcast_convert_type3A_51 = tpu.bitcast %convert_element_type3A_50 : vector<2560x32xi8> -> vector<2560x32xf8E4M3FN>
    %convert_element_type3A_52 = arith.extf %bitcast_convert_type3A_51 : vector<2560x32xf8E4M3FN> to vector<2560x32xf32>
    %mul3A_53 = arith.mulf %convert_element_type3A_43, %convert_element_type3A_52 : vector<2560x32xf32>
    %shift_right_logical3A_54 = arith.constant 8 : i32
    %shift_right_logical3A_55 = vector.broadcast %shift_right_logical3A_54 : i32 to vector<2560x32xi32>
    %shift_right_logical3A_56 = arith.shrui %slice3A_35, %shift_right_logical3A_55 : vector<2560x32xi32>
    %and3A_57 = arith.constant 255 : i32
    %and3A_58 = vector.broadcast %and3A_57 : i32 to vector<2560x32xi32>
    %and3A_59 = arith.andi %shift_right_logical3A_56, %and3A_58 : vector<2560x32xi32>
    %convert_element_type3A_60 = arith.trunci %and3A_59 : vector<2560x32xi32> to vector<2560x32xi8>
    %bitcast_convert_type3A_61 = tpu.bitcast %convert_element_type3A_60 : vector<2560x32xi8> -> vector<2560x32xf8E4M3FN>
    %convert_element_type3A_62 = arith.extf %bitcast_convert_type3A_61 : vector<2560x32xf8E4M3FN> to vector<2560x32xf32>
    %shift_right_logical3A_63 = arith.constant 8 : i32
    %shift_right_logical3A_64 = vector.broadcast %shift_right_logical3A_63 : i32 to vector<2560x32xi32>
    %shift_right_logical3A_65 = arith.shrui %slice3A_36, %shift_right_logical3A_64 : vector<2560x32xi32>
    %and3A_66 = arith.constant 255 : i32
    %and3A_67 = vector.broadcast %and3A_66 : i32 to vector<2560x32xi32>
    %and3A_68 = arith.andi %shift_right_logical3A_65, %and3A_67 : vector<2560x32xi32>
    %convert_element_type3A_69 = arith.trunci %and3A_68 : vector<2560x32xi32> to vector<2560x32xi8>
    %bitcast_convert_type3A_70 = tpu.bitcast %convert_element_type3A_69 : vector<2560x32xi8> -> vector<2560x32xf8E4M3FN>
    %convert_element_type3A_71 = arith.extf %bitcast_convert_type3A_70 : vector<2560x32xf8E4M3FN> to vector<2560x32xf32>
    %mul3A_72 = arith.mulf %convert_element_type3A_62, %convert_element_type3A_71 : vector<2560x32xf32>
    %shift_right_logical3A_73 = arith.constant 16 : i32
    %shift_right_logical3A_74 = vector.broadcast %shift_right_logical3A_73 : i32 to vector<2560x32xi32>
    %shift_right_logical3A_75 = arith.shrui %slice3A_35, %shift_right_logical3A_74 : vector<2560x32xi32>
    %and3A_76 = arith.constant 255 : i32
    %and3A_77 = vector.broadcast %and3A_76 : i32 to vector<2560x32xi32>
    %and3A_78 = arith.andi %shift_right_logical3A_75, %and3A_77 : vector<2560x32xi32>
    %convert_element_type3A_79 = arith.trunci %and3A_78 : vector<2560x32xi32> to vector<2560x32xi8>
    %bitcast_convert_type3A_80 = tpu.bitcast %convert_element_type3A_79 : vector<2560x32xi8> -> vector<2560x32xf8E4M3FN>
    %convert_element_type3A_81 = arith.extf %bitcast_convert_type3A_80 : vector<2560x32xf8E4M3FN> to vector<2560x32xf32>
    %shift_right_logical3A_82 = arith.constant 16 : i32
    %shift_right_logical3A_83 = vector.broadcast %shift_right_logical3A_82 : i32 to vector<2560x32xi32>
    %shift_right_logical3A_84 = arith.shrui %slice3A_36, %shift_right_logical3A_83 : vector<2560x32xi32>
    %and3A_85 = arith.constant 255 : i32
    %and3A_86 = vector.broadcast %and3A_85 : i32 to vector<2560x32xi32>
    %and3A_87 = arith.andi %shift_right_logical3A_84, %and3A_86 : vector<2560x32xi32>
    %convert_element_type3A_88 = arith.trunci %and3A_87 : vector<2560x32xi32> to vector<2560x32xi8>
    %bitcast_convert_type3A_89 = tpu.bitcast %convert_element_type3A_88 : vector<2560x32xi8> -> vector<2560x32xf8E4M3FN>
    %convert_element_type3A_90 = arith.extf %bitcast_convert_type3A_89 : vector<2560x32xf8E4M3FN> to vector<2560x32xf32>
    %mul3A_91 = arith.mulf %convert_element_type3A_81, %convert_element_type3A_90 : vector<2560x32xf32>
    %shift_right_logical3A_92 = arith.constant 24 : i32
    %shift_right_logical3A_93 = vector.broadcast %shift_right_logical3A_92 : i32 to vector<2560x32xi32>
    %shift_right_logical3A_94 = arith.shrui %slice3A_35, %shift_right_logical3A_93 : vector<2560x32xi32>
    %and3A_95 = arith.constant 255 : i32
    %and3A_96 = vector.broadcast %and3A_95 : i32 to vector<2560x32xi32>
    %and3A_97 = arith.andi %shift_right_logical3A_94, %and3A_96 : vector<2560x32xi32>
    %convert_element_type3A_98 = arith.trunci %and3A_97 : vector<2560x32xi32> to vector<2560x32xi8>
    %bitcast_convert_type3A_99 = tpu.bitcast %convert_element_type3A_98 : vector<2560x32xi8> -> vector<2560x32xf8E4M3FN>
    %convert_element_type3A_100 = arith.extf %bitcast_convert_type3A_99 : vector<2560x32xf8E4M3FN> to vector<2560x32xf32>
    %shift_right_logical3A_101 = arith.constant 24 : i32
    %shift_right_logical3A_102 = vector.broadcast %shift_right_logical3A_101 : i32 to vector<2560x32xi32>
    %shift_right_logical3A_103 = arith.shrui %slice3A_36, %shift_right_logical3A_102 : vector<2560x32xi32>
    %and3A_104 = arith.constant 255 : i32
    %and3A_105 = vector.broadcast %and3A_104 : i32 to vector<2560x32xi32>
    %and3A_106 = arith.andi %shift_right_logical3A_103, %and3A_105 : vector<2560x32xi32>
    %convert_element_type3A_107 = arith.trunci %and3A_106 : vector<2560x32xi32> to vector<2560x32xi8>
    %bitcast_convert_type3A_108 = tpu.bitcast %convert_element_type3A_107 : vector<2560x32xi8> -> vector<2560x32xf8E4M3FN>
    %convert_element_type3A_109 = arith.extf %bitcast_convert_type3A_108 : vector<2560x32xf8E4M3FN> to vector<2560x32xf32>
    %mul3A_110 = arith.mulf %convert_element_type3A_100, %convert_element_type3A_109 : vector<2560x32xf32>
    %add3A = arith.addf %mul3A_53, %mul3A_72 : vector<2560x32xf32>
    %add3A_111 = arith.addf %mul3A_91, %mul3A_110 : vector<2560x32xf32>
    %add3A_112 = arith.addf %add3A, %add3A_111 : vector<2560x32xf32>
    %slice3A_113 = vector.extract_strided_slice %get3A_1 {offsets = [0, 0], sizes = [2560, 64], strides = [1, 1]} : vector<2560x128xi32> to vector<2560x64xi32>
    %shift_left3A_114 = arith.constant 16 : i32
    %shift_left3A_115 = vector.broadcast %shift_left3A_114 : i32 to vector<2560x64xi32>
    %shift_left3A_116 = arith.shli %slice3A_113, %shift_left3A_115 : vector<2560x64xi32>
    %bitcast_convert_type3A_117 = tpu.bitcast %shift_left3A_116 : vector<2560x64xi32> -> vector<2560x64xf32>
    %slice3A_118 = vector.extract_strided_slice %get3A_4 {offsets = [0, 0], sizes = [2560, 64], strides = [1, 1]} : vector<2560x128xi32> to vector<2560x64xi32>
    %shift_left3A_119 = arith.constant 16 : i32
    %shift_left3A_120 = vector.broadcast %shift_left3A_119 : i32 to vector<2560x64xi32>
    %shift_left3A_121 = arith.shli %slice3A_118, %shift_left3A_120 : vector<2560x64xi32>
    %bitcast_convert_type3A_122 = tpu.bitcast %shift_left3A_121 : vector<2560x64xi32> -> vector<2560x64xf32>
    %add3A_123 = arith.addf %bitcast_convert_type3A_117, %bitcast_convert_type3A_122 : vector<2560x64xf32>
    %slice3A_124 = vector.extract_strided_slice %get3A_16 {offsets = [0, 0], sizes = [1, 64], strides = [1, 1]} : vector<1x128xf32> to vector<1x64xf32>
    %add3A_125 = vector.broadcast %slice3A_124 : vector<1x64xf32> to vector<2560x64xf32>
    %add3A_126 = arith.addf %add3A_123, %add3A_125 : vector<2560x64xf32>
    %slice3A_127 = vector.extract_strided_slice %get3A_7 {offsets = [0, 0], sizes = [8, 64], strides = [1, 1]} : vector<16x128xf32> to vector<8x64xf32>
    %dot_general3A = arith.constant dense<0.000000e+00> : vector<2560x64xf32>
    %dot_general3A_128 = tpu.matmul %mul3A, %slice3A_127, %dot_general3A {dimension_numbers = #tpu.dot_dimension_numbers<[1], [0], [0], [1], [0, 0, 1, 1], [], []>, transpose_lhs_hint = false} : vector<2560x8xf32>, vector<8x64xf32>, vector<2560x64xf32> -> vector<2560x64xf32>
    %add3A_129 = arith.addf %add3A_126, %dot_general3A_128 : vector<2560x64xf32>
    %slice3A_130 = vector.extract_strided_slice %get3A_7 {offsets = [8, 0], sizes = [8, 64], strides = [1, 1]} : vector<16x128xf32> to vector<8x64xf32>
    %dot_general3A_131 = arith.constant dense<0.000000e+00> : vector<2560x64xf32>
    %dot_general3A_132 = tpu.matmul %mul3A_34, %slice3A_130, %dot_general3A_131 {dimension_numbers = #tpu.dot_dimension_numbers<[1], [0], [0], [1], [0, 0, 1, 1], [], []>, transpose_lhs_hint = false} : vector<2560x8xf32>, vector<8x64xf32>, vector<2560x64xf32> -> vector<2560x64xf32>
    %add3A_133 = arith.addf %add3A_129, %dot_general3A_132 : vector<2560x64xf32>
    %slice3A_134 = vector.extract_strided_slice %get3A_10 {offsets = [0, 0], sizes = [16, 64], strides = [1, 1]} : vector<16x128xf32> to vector<16x64xf32>
    %dot_general3A_135 = arith.constant dense<0.000000e+00> : vector<2560x64xf32>
    %dot_general3A_136 = tpu.matmul %get3A_19, %slice3A_134, %dot_general3A_135 {dimension_numbers = #tpu.dot_dimension_numbers<[0], [0], [1], [1], [0, 1, 1, 1], [], []>, transpose_lhs_hint = false} : vector<16x2560xf32>, vector<16x64xf32>, vector<2560x64xf32> -> vector<2560x64xf32>
    %add3A_137 = arith.addf %add3A_133, %dot_general3A_136 : vector<2560x64xf32>
    %slice3A_138 = vector.extract_strided_slice %get3A_13 {offsets = [0, 0], sizes = [1, 64], strides = [1, 1]} : vector<1x128xf32> to vector<1x64xf32>
    %broadcast_in_dim3A = vector.shape_cast %slice3A_138 : vector<1x64xf32> to vector<1x64xf32>
    %broadcast_in_dim3A_139 = vector.broadcast %broadcast_in_dim3A : vector<1x64xf32> to vector<32x64xf32>
    %dot_general3A_140 = arith.constant dense<0.000000e+00> : vector<2560x64xf32>
    %dot_general3A_141 = tpu.matmul %add3A_112, %broadcast_in_dim3A_139, %dot_general3A_140 {dimension_numbers = #tpu.dot_dimension_numbers<[1], [0], [0], [1], [0, 0, 1, 1], [], []>, transpose_lhs_hint = false} : vector<2560x32xf32>, vector<32x64xf32>, vector<2560x64xf32> -> vector<2560x64xf32>
    %add3A_142 = arith.addf %add3A_137, %dot_general3A_141 : vector<2560x64xf32>
    %max3A = arith.constant 0.000000e+00 : f32
    %max3A_143 = vector.broadcast %max3A : f32 to vector<2560x64xf32>
    %max3A_144 = arith.maximumf %add3A_142, %max3A_143 : vector<2560x64xf32>
    %swap3A = arith.constant 0 : index
    %swap3A_145 = arith.constant 0 : index
    %swap3A_146 = vector.load %arg9[%swap3A, %swap3A_145] : memref<2560x128xf32, #tpu.memory_space<vmem>>, vector<2560x64xf32>
    tpu.vector_store %arg9[%swap3A, %swap3A_145], %max3A_144 {strides = array<i32>} : memref<2560x128xf32, #tpu.memory_space<vmem>>, vector<2560x64xf32>,
    %slice3A_147 = vector.extract_strided_slice %get3A_1 {offsets = [0, 0], sizes = [2560, 64], strides = [1, 1]} : vector<2560x128xi32> to vector<2560x64xi32>
    %and3A_148 = arith.constant -65536 : i32
    %and3A_149 = vector.broadcast %and3A_148 : i32 to vector<2560x64xi32>
    %and3A_150 = arith.andi %slice3A_147, %and3A_149 : vector<2560x64xi32>
    %bitcast_convert_type3A_151 = tpu.bitcast %and3A_150 : vector<2560x64xi32> -> vector<2560x64xf32>
    %slice3A_152 = vector.extract_strided_slice %get3A_4 {offsets = [0, 0], sizes = [2560, 64], strides = [1, 1]} : vector<2560x128xi32> to vector<2560x64xi32>
    %and3A_153 = arith.constant -65536 : i32
    %and3A_154 = vector.broadcast %and3A_153 : i32 to vector<2560x64xi32>
    %and3A_155 = arith.andi %slice3A_152, %and3A_154 : vector<2560x64xi32>
    %bitcast_convert_type3A_156 = tpu.bitcast %and3A_155 : vector<2560x64xi32> -> vector<2560x64xf32>
    %add3A_157 = arith.addf %bitcast_convert_type3A_151, %bitcast_convert_type3A_156 : vector<2560x64xf32>
    %slice3A_158 = vector.extract_strided_slice %get3A_16 {offsets = [0, 64], sizes = [1, 64], strides = [1, 1]} : vector<1x128xf32> to vector<1x64xf32>
    %add3A_159 = vector.broadcast %slice3A_158 : vector<1x64xf32> to vector<2560x64xf32>
    %add3A_160 = arith.addf %add3A_157, %add3A_159 : vector<2560x64xf32>
    %slice3A_161 = vector.extract_strided_slice %get3A_7 {offsets = [0, 64], sizes = [8, 64], strides = [1, 1]} : vector<16x128xf32> to vector<8x64xf32>
    %dot_general3A_162 = arith.constant dense<0.000000e+00> : vector<2560x64xf32>
    %dot_general3A_163 = tpu.matmul %mul3A, %slice3A_161, %dot_general3A_162 {dimension_numbers = #tpu.dot_dimension_numbers<[1], [0], [0], [1], [0, 0, 1, 1], [], []>, transpose_lhs_hint = false} : vector<2560x8xf32>, vector<8x64xf32>, vector<2560x64xf32> -> vector<2560x64xf32>
    %add3A_164 = arith.addf %add3A_160, %dot_general3A_163 : vector<2560x64xf32>
    %slice3A_165 = vector.extract_strided_slice %get3A_7 {offsets = [8, 64], sizes = [8, 64], strides = [1, 1]} : vector<16x128xf32> to vector<8x64xf32>
    %dot_general3A_166 = arith.constant dense<0.000000e+00> : vector<2560x64xf32>
    %dot_general3A_167 = tpu.matmul %mul3A_34, %slice3A_165, %dot_general3A_166 {dimension_numbers = #tpu.dot_dimension_numbers<[1], [0], [0], [1], [0, 0, 1, 1], [], []>, transpose_lhs_hint = false} : vector<2560x8xf32>, vector<8x64xf32>, vector<2560x64xf32> -> vector<2560x64xf32>
    %add3A_168 = arith.addf %add3A_164, %dot_general3A_167 : vector<2560x64xf32>
    %slice3A_169 = vector.extract_strided_slice %get3A_10 {offsets = [0, 64], sizes = [16, 64], strides = [1, 1]} : vector<16x128xf32> to vector<16x64xf32>
    %dot_general3A_170 = arith.constant dense<0.000000e+00> : vector<2560x64xf32>
    %dot_general3A_171 = tpu.matmul %get3A_19, %slice3A_169, %dot_general3A_170 {dimension_numbers = #tpu.dot_dimension_numbers<[0], [0], [1], [1], [0, 1, 1, 1], [], []>, transpose_lhs_hint = false} : vector<16x2560xf32>, vector<16x64xf32>, vector<2560x64xf32> -> vector<2560x64xf32>
    %add3A_172 = arith.addf %add3A_168, %dot_general3A_171 : vector<2560x64xf32>
    %slice3A_173 = vector.extract_strided_slice %get3A_13 {offsets = [0, 64], sizes = [1, 64], strides = [1, 1]} : vector<1x128xf32> to vector<1x64xf32>
    %broadcast_in_dim3A_174 = vector.shape_cast %slice3A_173 : vector<1x64xf32> to vector<1x64xf32>
    %broadcast_in_dim3A_175 = vector.broadcast %broadcast_in_dim3A_174 : vector<1x64xf32> to vector<32x64xf32>
    %dot_general3A_176 = arith.constant dense<0.000000e+00> : vector<2560x64xf32>
    %dot_general3A_177 = tpu.matmul %add3A_112, %broadcast_in_dim3A_175, %dot_general3A_176 {dimension_numbers = #tpu.dot_dimension_numbers<[1], [0], [0], [1], [0, 0, 1, 1], [], []>, transpose_lhs_hint = false} : vector<2560x32xf32>, vector<32x64xf32>, vector<2560x64xf32> -> vector<2560x64xf32>
    %add3A_178 = arith.addf %add3A_172, %dot_general3A_177 : vector<2560x64xf32>
    %max3A_179 = arith.constant 0.000000e+00 : f32
    %max3A_180 = vector.broadcast %max3A_179 : f32 to vector<2560x64xf32>
    %max3A_181 = arith.maximumf %add3A_178, %max3A_180 : vector<2560x64xf32>
    %swap3A_182 = arith.constant 0 : index
    %swap3A_183 = arith.constant 64 : index
    %swap3A_184 = vector.load %arg9[%swap3A_182, %swap3A_183] : memref<2560x128xf32, #tpu.memory_space<vmem>>, vector<2560x64xf32>
    tpu.vector_store %arg9[%swap3A_182, %swap3A_183], %max3A_181 {strides = array<i32>} : memref<2560x128xf32, #tpu.memory_space<vmem>>, vector<2560x64xf32>,
    return
  }
  func.func @transform_0(%arg0: i32) -> (i32, i32) {
    %c0_i32 = arith.constant 0 : i32
    %c0_i32_0 = arith.constant 0 : i32
    %c0_i32_1 = arith.constant 0 : i32
    return %c0_i32, %c0_i32_0 : i32, i32
  }
  func.func @transform_1(%arg0: i32) -> (i32, i32) {
    %c0_i32 = arith.constant 0 : i32
    %c0_i32_0 = arith.constant 0 : i32
    return %arg0, %c0_i32 : i32, i32
  }
  func.func @transform_2(%arg0: i32) -> (i32, i32) {
    %c0_i32 = arith.constant 0 : i32
    %c0_i32_0 = arith.constant 0 : i32
    return %arg0, %c0_i32 : i32, i32
  }
  func.func @transform_3(%arg0: i32) -> (i32, i32) {
    %add3A = arith.constant 97 : i32
    %add3A_0 = arith.addi %arg0, %add3A : i32
    %c0_i32 = arith.constant 0 : i32
    %c0_i32_1 = arith.constant 0 : i32
    return %c0_i32, %add3A_0 : i32, i32
  }
  func.func @transform_4(%arg0: i32) -> (i32, i32) {
    %c0_i32 = arith.constant 0 : i32
    %c0_i32_0 = arith.constant 0 : i32
    %c0_i32_1 = arith.constant 0 : i32
    return %c0_i32, %c0_i32_0 : i32, i32
  }
  func.func @transform_5(%arg0: i32) -> (i32, i32) {
    %c0_i32 = arith.constant 0 : i32
    %c0_i32_0 = arith.constant 0 : i32
    %c0_i32_1 = arith.constant 0 : i32
    return %c0_i32, %c0_i32_0 : i32, i32
  }
  func.func @transform_6(%arg0: i32) -> (i32, i32) {
    %c0_i32 = arith.constant 0 : i32
    %c0_i32_0 = arith.constant 0 : i32
    %c0_i32_1 = arith.constant 0 : i32
    return %c0_i32, %c0_i32_0 : i32, i32
  }
  func.func @transform_7(%arg0: i32) -> (i32, i32) {
    %c0_i32 = arith.constant 0 : i32
    %c0_i32_0 = arith.constant 0 : i32
    %c0_i32_1 = arith.constant 0 : i32
    return %c0_i32, %c0_i32_0 : i32, i32
  }
  func.func @transform_8(%arg0: i32) -> (i32, i32) {
    %add3A = arith.constant 97 : i32
    %add3A_0 = arith.addi %arg0, %add3A : i32
    %c0_i32 = arith.constant 0 : i32
    %c0_i32_1 = arith.constant 0 : i32
    return %add3A_0, %c0_i32 : i32, i32
  }
}

</mosaic_0001>

<sc_bundles>
// kernel: kernel.13.cloned.1.call-start
scs
__scs_entry_jumppad:
0x0: {  	(pc) =	sbr.rel $0x88, $3  }
0x1: {  	(tag) =	ssettag $0x0;
	lr =	simm.s32 $0x1  }
0x2: {  	[smem:$0x3F94] =	sst lr;
	_ =	strace $0xD0000000  }
0x3: {  	_ = 	snop  }
0x4: {  	_ = 	snop  }
0x5: {  	_ = 	snop  }
0x6: {  	_ = 	snop  }
0x7: {  	_ = 	snop  }
__scs_overlays_trampoline_lowered:
0x8: {  	[smem:$0x3FA3] =	sst s0  }
0x9: {  	[smem:$0x3FA4] =	sst s1  }
0xa: {  	[smem:$0x3FA5] =	sst s2  }
0xb: {  	[smem:$0x3FA6] =	sst s3  }
0xc: {  	[smem:$0x3FA7] =	sst s4  }
0xd: {  	[smem:$0x3FA8] =	sst s5  }
0xe: {  	[smem:$0x3FA9] =	sst s6  }
0xf: {  	[smem:$0x3FAA] =	sst s7  }
0x10: {  	[smem:$0x3FAB] =	sst s8  }
0x11: {  	[smem:$0x3FAC] =	sst s9;
	s0 =	simm.s32 @!p0 $0x0  }
0x12: {  	s1 =	sld [smem:$0x3F92];
	s0 =	simm.s32 @p0 $0x1  }
0x13: {  	[smem:$0x3FAD] =	sst s0;
	s0 =	simm.s32 @!p1 $0x0  }
0x14: {  	s2 =	sld [smem:$0x3F91];
	s0 =	simm.s32 @p1 $0x1  }
0x15: {  	[smem:$0x3FAE] =	sst s0;
	s0 =	simm.s32 @!p2 $0x0  }
0x16: {  	s3 =	sld [smem:$0x3FDB];
	s0 =	simm.s32 @p2 $0x1  }
0x17: {  	s4 =	simm.s32 $0x1BF5;
	[smem:$0x3FB0] =	sst s0  }
0x18: {  	s0 =	sld [smem:$0x3F93];
	_ =	swait.ge [sflag:s4], $0x0  }
0x19: {  	s7 =	sld [smem:$0x3F94]  }
0x1a: {  	s8 =	sadd.s32 $0xFFFFE003, lr  }
0x1b: {  	s9 =	sadd.s32 $0xFFFFFEF7, lr;
	s5 =	simm.s32 $0xFFFFFFFF;
	p2 =	slt.u32 s8, $0xFFFFF086  }
0x1c: {  	p1 =	slt.u32 s9, $0xF7A;
	s5 =	simm.s32 @!p2 $0x0  }
0x1d: {  	s5 =	simm.s32 @p1 $0x1;
	p0 =	seq.s32 s7, s2  }
0x1e: {  	s7 =	smul.u32 @!p0 $0xF7A, s2;
	p2 =	seq.s32 @!p0 s5, $0x0  }
0x1f: {  	s9 =	smul.u32 $0xF7A, s1;
	s8 =	simm.s32 @!p0 $0x1BF5;
	p2 =	por !p2, p0  }
0x20: {  	[sflag:s8] =	ssyncset.s32 @!p0 $0xFFFFF086;
	s6 =	sadd.s32 @!p0 s3, s7;
	s7 =	simm.s32 @!p0 $0x108  }
0x21: {  	s3 =	sadd.s32 s3, s9;
	s6 =	sadd.s32 @!p0 $0x88, s6;
	s7 =	simm.s32 @p2 $0x1082  }
0x22: {  	[simem:s7], [sflag:s8] =	dma.local @!p0 [hbm:s6], $0xF7A  }
0x23: {  	s9 =	sor.u32 $0xD0000000, s2;
	s6 =	simm.s32 $0x108;
	_ =	swait.ge @!p0 [sflag:s8], $0x0  }
0x24: {  	s3 =	sadd.s32 $0x88, s3;
	s6 =	simm.s32 @!p1 $0x1082;
	[sflag:s4] =	ssyncset.s32 $0xFFFFF086  }
0x25: {  	[simem:s6], [sflag:s4] =	dma.local [hbm:s3], $0xF7A  }
0x26: {  	[smem:$0x3F94] =	sst s1;
	(tag) =	ssettag s2;
	_ =	strace s9  }
0x27: {  	s1 =	sld [smem:$0x3FA4]  }
0x28: {  	s2 =	sld [smem:$0x3FA5]  }
0x29: {  	s4 =	sld [smem:$0x3FA7]  }
0x2a: {  	p0 =	seq.s32 s5, $0x0;
	s5 =	sld [smem:$0x3FA8]  }
0x2b: {  	s6 =	sld [smem:$0x3FA9]  }
0x2c: {  	s7 =	sld [smem:$0x3FAA]  }
0x2d: {  	s3 =	simm.s32 $0x108;
	s8 =	sld [smem:$0x3FAB]  }
0x2e: {  	s3 =	simm.s32 @!p0 $0x1082;
	s9 =	sld [smem:$0x3FAC]  }
0x2f: {  	lr =	sadd.s32 s0, s3;
	s0 =	sld [smem:$0x3FA3]  }
0x30: {  	s3 =	sld [smem:$0x3FA6]  }
0x31: {  	[smem:$0x3FAF] =	sst s10  }
0x32: {  	s10 =	sld [smem:$0x3FAD];
	_ =	sdelay $0x3  }
0x33: {  	p0 =	seq.s32 s10, $0x1;
	s10 =	sld [smem:$0x3FAF];
	_ =	sdelay $0x3  }
0x34: {  	[smem:$0x3FAF] =	sst s10  }
0x35: {  	s10 =	sld [smem:$0x3FAE];
	_ =	sdelay $0x3  }
0x36: {  	p1 =	seq.s32 s10, $0x1;
	s10 =	sld [smem:$0x3FAF];
	_ =	sdelay $0x3  }
0x37: {  	[smem:$0x3FAF] =	sst s10  }
0x38: {  	s10 =	sld [smem:$0x3FB0]  }
0x39: {  	_ = 	snop;
	(pc) =	sbr.ind lr, $3  }
0x3a: {  	_ = 	snop  }
0x3b: {  	_ = 	snop  }
0x3c: {  	p2 =	seq.s32 s10, $0x1;
	s10 =	sld [smem:$0x3FAF]  }
0x3d: {  	_ =	shalt  }
0x3e: {  	_ =	shalt  }
0x3f: {  	_ =	shalt  }
0x40: {  	_ =	shalt  }
0x41: {  	_ =	shalt  }
0x42: {  	_ =	shalt  }
0x43: {  	_ =	shalt  }
0x44: {  	_ =	shalt  }
0x45: {  	_ =	shalt  }
0x46: {  	_ =	shalt  }
0x47: {  	_ =	shalt  }
0x48: {  	_ =	shalt  }
0x49: {  	_ =	shalt  }
0x4a: {  	_ =	shalt  }
0x4b: {  	_ =	shalt  }
0x4c: {  	_ =	shalt  }
0x4d: {  	_ =	shalt  }
0x4e: {  	_ =	shalt  }
0x4f: {  	_ =	shalt  }
0x50: {  	_ =	shalt  }
0x51: {  	_ =	shalt  }
0x52: {  	_ =	shalt  }
0x53: {  	_ =	shalt  }
0x54: {  	_ =	shalt  }
0x55: {  	_ =	shalt  }
0x56: {  	_ =	shalt  }
0x57: {  	_ =	shalt  }
0x58: {  	_ =	shalt  }
0x59: {  	_ =	shalt  }
0x5a: {  	_ =	shalt  }
0x5b: {  	_ =	shalt  }
0x5c: {  	_ =	shalt  }
0x5d: {  	_ =	shalt  }
0x5e: {  	_ =	shalt  }
0x5f: {  	_ =	shalt  }
0x60: {  	_ =	shalt  }
0x61: {  	_ =	shalt  }
0x62: {  	_ =	shalt  }
0x63: {  	_ =	shalt  }
0x64: {  	_ =	shalt  }
0x65: {  	_ =	shalt  }
0x66: {  	_ =	shalt  }
0x67: {  	_ =	shalt  }
0x68: {  	_ =	shalt  }
0x69: {  	_ =	shalt  }
0x6a: {  	_ =	shalt  }
0x6b: {  	_ =	shalt  }
0x6c: {  	_ =	shalt  }
0x6d: {  	_ =	shalt  }
0x6e: {  	_ =	shalt  }
0x6f: {  	_ =	shalt  }
0x70: {  	_ =	shalt  }
0x71: {  	_ =	shalt  }
0x72: {  	_ =	shalt  }
0x73: {  	_ =	shalt  }
0x74: {  	_ =	shalt  }
0x75: {  	_ =	shalt  }
0x76: {  	_ =	shalt  }
0x77: {  	_ =	shalt  }
0x78: {  	_ =	shalt  }
0x79: {  	_ =	shalt  }
0x7a: {  	_ =	shalt  }
0x7b: {  	_ =	shalt  }
0x7c: {  	_ =	shalt  }
0x7d: {  	_ =	shalt  }
0x7e: {  	_ =	shalt  }
0x7f: {  	_ =	shalt  }
0x80: {  	_ =	shalt  }
0x81: {  	_ =	shalt  }
0x82: {  	_ =	shalt  }
0x83: {  	_ =	shalt  }
0x84: {  	_ =	shalt  }
0x85: {  	_ =	shalt  }
0x86: {  	_ =	shalt  }
0x87: {  	_ =	shalt  }
.Lfunc_end0:
.L_simem_size_0:
called_computation_lowered:
.L_overlay_start_0:
0x88: {  	s2 =	sld [smem:$0x3FD9]  }
0x89: {  	s3 =	sld [smem:$0x3FFE];
	_ =	sdelay $0x1  }
0x8a: {  	s1 =	srdreg.scid  }
0x8b: {  	s0 =	sand.u32 $0x1, s1  }
0x8c: {  	s17 =	sshll.u32 s0, $0xA;
	s2 =	sadd.s32 s3, s2  }
0x8d: {  	s2 =	sadd.s32 s2, s17  }
0x8e: {  	[smem:$0x3FBB] =	sst s2  }
0x8f: {  	_ = 	snop  }
0x90: {  	s2 =	sld [smem:$0x3FD0];
	(tm) =	ssettm $0x1  }
0x91: {  	s18 =	sld [smem:$0x3FFB];
	_ =	sdelay $0x3  }
0x92: {  	_ =	strace s18  }
0x93: {  	s3 =	sld [smem:$0x3FFC];
	_ =	sdelay $0x3  }
0x94: {  	_ =	strace s3  }
0x95: {  	s3 =	sld [smem:$0x3FFD];
	_ =	sdelay $0x3  }
0x96: {  	_ =	strace s3  }
0x97: {  	_ =	strace $0x8FFFFFFF  }
0x98: {  	s19 =	sld [smem:$0x3FDB];
	_ =	sdelay $0x1  }
0x99: {  	s4 =	simm.s32 $_scs_section_size  }
0x9a: {  	s5 =	simm.s32 $_size__tile_overlayer_lowered;
	s6 =	simm.s32 $_tile_overlayer_lowered  }
0x9b: {  	s22 =	simm.s32 $0x1BFF;
	s21 =	sshll.u32 s6, $0x1;
	s3 =	sadd.s32 s4, s19  }
0x9c: {  	s7 =	simm.s32 $0x0;
	s20 =	sshll.u32 s5, $0x1;
	s5 =	sadd.s32 s21, s3  }
0x9d: {  	[timem:s7], [sflag:s22] =	dma.local [hbm:s5], s20  }
0x9e: {  	_ =	swait.ge [sflag:s22], s20  }
0x9f: {  	s4 =	ssub.s32 $0x0, s20;
	[sflag:s22] =	ssyncset.done $0x0  }
0xa0: {  	[sflag:s22] =	ssyncadd.s32 s4;
	_ =	sdelay $0x1  }
0xa1: {  	s23 =	simm.s32 $0x1B8B  }
0xa2: {  	_ =	swait.ge [sflag:s23], $0x1  }
0xa3: {  	[sflag:s23] =	ssyncset.done $0x0  }
0xa4: {  	s25 =	simm.s32 $0x1B8E;
	s24 =	sld [smem:$0x3FFE];
	[sflag:s23] =	ssyncadd.s32 $0xFFFFFFFF  }
0xa5: {  	s26 =	simm.s32 $execute0_lowered;
	[smem:$0x3FD2] =	sst s25  }
0xa6: {  	s5 =	sshll.u32 s26, $0x1;
	_ =	strace $0x80000046;
	[dreg:$0x1] =	wrdreg $0xFFFFFFFF  }
0xa7: {  	s28 =	simm.s32 $_size_execute0_lowered;
	s3 =	sadd.s32 s3, s5;
	[dreg:$0x0] =	wrdreg $0x0  }
0xa8: {  	s5 =	sshll.u32 s28, $0x1;
	[dreg:$0x2] =	wrdreg s3  }
0xa9: {  	[dreg:$0x3] =	wrdreg s5  }
0xaa: {  	[dreg:$0x4] =	wrdreg $0xC0  }
0xab: {  	_ =	task [dreg:s7], $0x5FFFF  }
0xac: {  	[dreg:$0x1] =	wrdreg $0xFFFFFFFF  }
0xad: {  	[dreg:$0x0] =	wrdreg $0x60  }
0xae: {  	[dreg:$0x2] =	wrdreg s24  }
0xaf: {  	[dreg:$0x3] =	wrdreg s2  }
0xb0: {  	[dreg:$0x4] =	wrdreg $0x9  }
0xb1: {  	_ =	task.clear_ibuf [dreg:s7], $0x5FFFF;
	_ =	strace $0x90000046  }
0xb2: {  	s29 =	simm.s32 $0x9;
	_ =	strace $0x80000048  }
0xb3: {  	_ =	swait.ge [sflag:s29], $0x1  }
0xb4: {  	[sflag:s29] =	ssyncadd.s32 $0xFFFFFFFF  }
0xb5: {  	_ =	strace $0x90000048  }
0xb6: {  	_ =	sfence  }
0xb7: {  	s30 =	sld [smem:$0x0];
	_ =	sdelay $0x2  }
0xb8: {  	s31 =	sshll.u32 s1, $0xD;
	s1 =	sshrl.u32 s1, $0x2  }
0xb9: {  	s3 =	sand.u32 $0x4000, s31;
	s1 =	sadd.s32 s1, s30  }
0xba: {  	s0 =	sor.u32 s3, s0;
	s1 =	sshll.u32 s1, $0x11  }
0xbb: {  	s0 =	sor.u32 s1, s0  }
0xbc: {  	s0 =	sadd.s32 $0x8F2B, s0  }
0xbd: {  	[sflag:s0] =	ssyncadd.remote.s32 $0x1  }
0xbe: {  	_ =	sfence.sel $0xFFFF  }
0xbf: {  	[dreg:$0x0] =	wrdreg $0xFFFFFFFF;
	(pc) =	sbr.abs _section_cstart, $3  }
0xc0: {  	[dreg:$0x1] =	wrdreg $0xFFFFFFFF  }
0xc1: {  	_ =	task.clear_ibuf [dreg:s7], $0x2FFFF;
	_ =	strace $0x9FFFFFFF  }
0xc2: {  	(tm) =	ssettm $0x7FFFFFFF  }
0xc3: {  	_ =	shalt  }
tec
execute0_lowered:
.L_overlay_start_1:
0x0: {  	(tag) =	ssettag $0x1  }
0x1: {  	s5 =	rddreg [dreg:$0x0]  }
0x2: {  	s6 =	rddreg [dreg:$0x1]  }
0x3: {  	s0 =	rddreg [dreg:$0x2]  }
0x4: {  	s3 =	srdreg.scid;
	s1 =	stileid.u32;
	s2 =	simm.s32 $0x0  }
0x5: {  	s12 =	simm.s32 $0x50;
	s13 =	simm.s32 $0x100;
	s14 =	simm.s32 $0x2900  }
0x6: {  	s15 =	simm.s32 $0x1;
	s7 =	sand.u32 $0x1, s3;
	s8 =	smul.u32 $0x820, s1  }
0x7: {  	s16 =	simm.s32 $0x0;
	[smem:$0x7FF] =	sst s2;
	s9 =	smul.u32 $0x410, s7  }
0x8: {  	s3 =	sadd.s32 $0x4E00, s5;
	s4 =	sadd.s32 $0x2C000, s5;
	s29 =	smul.u32 $0x8200, s1  }
0x9: {  	s10 =	ssub.s32 $0x2, s7;
	s7 =	smul.u32 $0x4100, s7;
	s8 =	sadd.s32 s9, s8  }
0xa: {  	_ =	strace $0x80000047;
	s6 =	sadd.s32 s29, s6;
	s8 =	sshrl.u32 s8, $0x3  }
0xb: {  	s30 =	sshrl.u32 s10, $0x1;
	s6 =	sadd.s32 s7, s6;
	s11 =	sadd.s32 s8, s5  }
0xc: {  	s5 =	sadd.s32 s29, s5;
	s8 =	ssub.s32 s10, s30;
	s10 =	simm.s32 $0x2  }
0xd: {  	s31 =	sadd.s32 s7, s5;
	s5 =	smax.u32 s8, $0x1;
	s8 =	sadd.s32 $0x2A00, s11  }
0xe: {  	s9 =	sadd.s32 $0x3C00, s11;
	s11 =	simm.s32 $0x80;
	s7 =	sadd.s32 $0x53200, s31  }
.LBB2_1:
0xf: {  	s17 =	sadd.s32 $0x0, s9  }
0x10: {  	[tilespmem:s2], [sflag:$0x2] =	stream.linear.gather [hbm4b:s17+s2], $0x50, $0x38;
	[tilespmem:$0x5100] =	vst v63  }
0x11: {  	_ =	swait.ge [sflag:s10], $0x50  }
0x12: {  	[sflag:s10] =	ssyncset.done $0x0  }
0x13: {  	s31 =	sadd.s32 $0x0, s8;
	[sflag:s10] =	ssyncadd.s32 $0xFFFFFFB0  }
0x14: {  	[tilespmem:s11], [sflag:$0x2] =	stream.linear.gather [hbm4b:s31+s2], $0x50, $0x38;
	[tilespmem:$0x5100] =	vst v63  }
0x15: {  	_ =	swait.ge [sflag:s10], $0x50  }
0x16: {  	[sflag:s10] =	ssyncset.done $0x0  }
0x17: {  	[sflag:s10] =	ssyncadd.s32 $0xFFFFFFB0  }
0x18: {  	[tilespmem:s13], [sflag:$0x1] =	stream.indirect.gather [hbm4b:s3+s12], $0x80, s2, s12, $0xb8;
	[tilespmem:$0x5100] =	vst v63  }
0x19: {  	_ = 	snop  }
0x1a: {  	[tilespmem:s14], [sflag:$0x1] =	stream.indirect.gather [hbm4b:s4+s12], $0x80, s11, s12, $0xb8;
	[tilespmem:$0x5100] =	vst v63  }
0x1b: {  	_ =	swait.ge [sflag:s15], $0x2800  }
0x1c: {  	[sflag:s15] =	ssyncset.done $0x0  }
0x1d: {  	[sflag:s15] =	ssyncadd.s32 $0xFFFFD800  }
0x1e: {  	_ =	swait.ge [sflag:s15], $0x2800  }
0x1f: {  	[sflag:s15] =	ssyncset.done $0x0  }
0x20: {  	[sflag:s15] =	ssyncadd.s32 $0xFFFFD800  }
0x21: {  	[hbm4b:s6+s2] =	stream.linear.scatter [tilespmem:s13], [sflag:$0x2], $0x2800, $0x38;
	[tilespmem:$0x5100] =	vst v63  }
0x22: {  	_ =	swait.ge [sflag:s10], $0x2800  }
0x23: {  	[sflag:s10] =	ssyncset.done $0x0  }
0x24: {  	[sflag:s10] =	ssyncadd.s32 $0xFFFFD800  }
0x25: {  	[hbm4b:s7+s2] =	stream.linear.scatter [tilespmem:s14], [sflag:$0x2], $0x2800, $0x38;
	[tilespmem:$0x5100] =	vst v63  }
0x26: {  	s19 =	simm.s32 $0xA;
	s20 =	simm.s32 $0x14;
	_ =	swait.ge [sflag:s10], $0x2800  }
0x27: {  	s18 =	sadd.s32 $0x500, s6;
	s17 =	sadd.s32 $0x500, s7;
	[sflag:s10] =	ssyncset.done $0x0  }
.LBB2_2:
0x28: {  	s21 =	sadd.s32 s19, s9  }
0x29: {  	[sflag:s10] =	ssyncadd.s32 $0xFFFFD800;
	s22 =	smov.u32 s20;
	s23 =	sadd.s32 $0xA, s20  }
0x2a: {  	[tilespmem:s2], [sflag:$0x2] =	stream.linear.gather [hbm4b:s21+s2], $0x50, $0x38;
	[tilespmem:$0x5100] =	vst v63  }
0x2b: {  	p0 =	sne.s32 s20, $0x78;
	_ =	swait.ge [sflag:s10], $0x50  }
0x2c: {  	[sflag:s10] =	ssyncset.done $0x0  }
0x2d: {  	s20 =	sadd.s32 s19, s8;
	s19 =	smov.u32 s22;
	[sflag:s10] =	ssyncadd.s32 $0xFFFFFFB0  }
0x2e: {  	[tilespmem:s11], [sflag:$0x2] =	stream.linear.gather [hbm4b:s20+s2], $0x50, $0x38;
	[tilespmem:$0x5100] =	vst v63  }
0x2f: {  	_ =	swait.ge [sflag:s10], $0x50  }
0x30: {  	[sflag:s10] =	ssyncset.done $0x0  }
0x31: {  	[sflag:s10] =	ssyncadd.s32 $0xFFFFFFB0  }
0x32: {  	[tilespmem:s13], [sflag:$0x1] =	stream.indirect.gather [hbm4b:s3+s12], $0x80, s2, s12, $0xb8;
	[tilespmem:$0x5100] =	vst v63  }
0x33: {  	_ = 	snop  }
0x34: {  	[tilespmem:s14], [sflag:$0x1] =	stream.indirect.gather [hbm4b:s4+s12], $0x80, s11, s12, $0xb8;
	[tilespmem:$0x5100] =	vst v63  }
0x35: {  	_ =	swait.ge [sflag:s15], $0x2800  }
0x36: {  	[sflag:s15] =	ssyncset.done $0x0  }
0x37: {  	[sflag:s15] =	ssyncadd.s32 $0xFFFFD800  }
0x38: {  	_ =	swait.ge [sflag:s15], $0x2800  }
0x39: {  	[sflag:s15] =	ssyncset.done $0x0  }
0x3a: {  	[sflag:s15] =	ssyncadd.s32 $0xFFFFD800  }
0x3b: {  	[hbm4b:s18+s2] =	stream.linear.scatter [tilespmem:s13], [sflag:$0x2], $0x2800, $0x38;
	[tilespmem:$0x5100] =	vst v63  }
0x3c: {  	_ =	swait.ge [sflag:s10], $0x2800  }
.Ltmp0:
0x3d: {  	[sflag:s10] =	ssyncset.done $0x0;
	(pc) =	sbr.rel @p0 .LBB2_2-.Ltmp0, $4  }
0x3e: {  	[sflag:s10] =	ssyncadd.s32 $0xFFFFD800  }
0x3f: {  	[hbm4b:s17+s2] =	stream.linear.scatter [tilespmem:s14], [sflag:$0x2], $0x2800, $0x38;
	[tilespmem:$0x5100] =	vst v63  }
0x40: {  	s20 =	smov.u32 s23;
	_ =	swait.ge [sflag:s10], $0x2800  }
0x41: {  	s18 =	sadd.s32 $0x500, s18;
	s17 =	sadd.s32 $0x500, s17;
	[sflag:s10] =	ssyncset.done $0x0  }
0x42: {  	s20 =	sadd.s32 s19, s9;
	[sflag:s10] =	ssyncadd.s32 $0xFFFFD800  }
0x43: {  	[tilespmem:s2], [sflag:$0x2] =	stream.linear.gather [hbm4b:s20+s2], $0x50, $0x38;
	[tilespmem:$0x5100] =	vst v63  }
0x44: {  	_ =	swait.ge [sflag:s10], $0x50  }
0x45: {  	[sflag:s10] =	ssyncset.done $0x0  }
0x46: {  	s31 =	sadd.s32 s19, s8;
	[sflag:s10] =	ssyncadd.s32 $0xFFFFFFB0  }
0x47: {  	[tilespmem:s11], [sflag:$0x2] =	stream.linear.gather [hbm4b:s31+s2], $0x50, $0x38;
	[tilespmem:$0x5100] =	vst v63  }
0x48: {  	_ =	swait.ge [sflag:s10], $0x50  }
0x49: {  	[sflag:s10] =	ssyncset.done $0x0  }
0x4a: {  	[sflag:s10] =	ssyncadd.s32 $0xFFFFFFB0  }
0x4b: {  	[tilespmem:s13], [sflag:$0x1] =	stream.indirect.gather [hbm4b:s3+s12], $0x80, s2, s12, $0xb8;
	[tilespmem:$0x5100] =	vst v63  }
0x4c: {  	_ = 	snop  }
0x4d: {  	[tilespmem:s14], [sflag:$0x1] =	stream.indirect.gather [hbm4b:s4+s12], $0x80, s11, s12, $0xb8;
	[tilespmem:$0x5100] =	vst v63  }
0x4e: {  	_ =	swait.ge [sflag:s15], $0x2800  }
0x4f: {  	[sflag:s15] =	ssyncset.done $0x0  }
0x50: {  	[sflag:s15] =	ssyncadd.s32 $0xFFFFD800  }
0x51: {  	_ =	swait.ge [sflag:s15], $0x2800  }
0x52: {  	[sflag:s15] =	ssyncset.done $0x0  }
0x53: {  	[sflag:s15] =	ssyncadd.s32 $0xFFFFD800  }
0x54: {  	[hbm4b:s18+s2] =	stream.linear.scatter [tilespmem:s13], [sflag:$0x2], $0x2800, $0x38;
	[tilespmem:$0x5100] =	vst v63  }
0x55: {  	s16 =	sadd.s32 $0x1, s16;
	_ =	swait.ge [sflag:s10], $0x2800  }
0x56: {  	p0 =	sne.s32 s16, s5;
	[sflag:s10] =	ssyncset.done $0x0  }
.Ltmp1:
0x57: {  	[sflag:s10] =	ssyncadd.s32 $0xFFFFD800;
	(pc) =	sbr.rel @p0 .LBB2_1-.Ltmp1, $4  }
0x58: {  	[hbm4b:s17+s2] =	stream.linear.scatter [tilespmem:s14], [sflag:$0x2], $0x2800, $0x38;
	[tilespmem:$0x5100] =	vst v63  }
0x59: {  	_ =	swait.ge [sflag:s10], $0x2800  }
0x5a: {  	[sflag:s10] =	ssyncset.done $0x0  }
0x5b: {  	[sflag:s10] =	ssyncadd.s32 $0xFFFFD800  }
0x5c: {  	_ =	sfence.sel $0x180000  }
0x5d: {  	[bflag:$0x0] =	sbarrier.arrive $0xFFFF  }
0x5e: {  	p0 =	sne.s32 s1, $0x0;
	_ =	strace $0x90000047  }
0x5f: {  	s0 =	sadd.s32 @!p0 $0x100000, s0;
	[bflag:$0x2] =	sbarrier.arrive $0xFFFF  }
0x60: {  	[sflag:s0] =	ssyncadd.tile.s32 @!p0 $0x1;
	_ =	shalt  }
.Lfunc_end2:
_tile_overlayer_lowered:
.L_overlay_start_2:
0x61: {  	(tag) =	ssettag $0x2  }
0x62: {  	s0 =	rddreg [dreg:$0x0];
	s2 =	stileid.u32  }
0x63: {  	s1 =	rddreg [dreg:$0x1];
	p0 =	sne.s32 s2, $0x0  }
0x64: {  	s3 =	rddreg [dreg:$0x2];
	[bflag:$0x3] =	sbarrier.arrive $0xFFFF;
	s2 =	simm.s32 @!p0 $0x1C02  }
0x65: {  	[timem:s3], [sflag:s2] =	dma.local @!p0 [hbm:s0], s1  }
0x66: {  	s0 =	simm.s32 @!p0 $0x2  }
0x67: {  	_ =	swait.ge @!p0 [sflag:s0], s1  }
0x68: {  	s1 =	ssub.s32 @!p0 $0x0, s1;
	[sflag:s0] =	ssyncset.done @!p0 $0x0  }
0x69: {  	[sflag:s0] =	ssyncadd.s32 @!p0 s1  }
0x6a: {  	[bflag:$0x3] =	sbarrier.arrive $0xFFFF  }
0x6b: {  	_ =	shalt  }

// kernel: kernel.16.cloned.1.call-start
scs
__scs_entry_jumppad:
0x0: {  	(pc) =	sbr.rel $0x88, $3  }
0x1: {  	(tag) =	ssettag $0x0;
	lr =	simm.s32 $0x1  }
0x2: {  	[smem:$0x3F94] =	sst lr;
	_ =	strace $0xD0000000  }
0x3: {  	_ = 	snop  }
0x4: {  	_ = 	snop  }
0x5: {  	_ = 	snop  }
0x6: {  	_ = 	snop  }
0x7: {  	_ = 	snop  }
__scs_overlays_trampoline_lowered:
0x8: {  	[smem:$0x3FA3] =	sst s0  }
0x9: {  	[smem:$0x3FA4] =	sst s1  }
0xa: {  	[smem:$0x3FA5] =	sst s2  }
0xb: {  	[smem:$0x3FA6] =	sst s3  }
0xc: {  	[smem:$0x3FA7] =	sst s4  }
0xd: {  	[smem:$0x3FA8] =	sst s5  }
0xe: {  	[smem:$0x3FA9] =	sst s6  }
0xf: {  	[smem:$0x3FAA] =	sst s7  }
0x10: {  	[smem:$0x3FAB] =	sst s8  }
0x11: {  	[smem:$0x3FAC] =	sst s9;
	s0 =	simm.s32 @!p0 $0x0  }
0x12: {  	s1 =	sld [smem:$0x3F92];
	s0 =	simm.s32 @p0 $0x1  }
0x13: {  	[smem:$0x3FAD] =	sst s0;
	s0 =	simm.s32 @!p1 $0x0  }
0x14: {  	s2 =	sld [smem:$0x3F91];
	s0 =	simm.s32 @p1 $0x1  }
0x15: {  	[smem:$0x3FAE] =	sst s0;
	s0 =	simm.s32 @!p2 $0x0  }
0x16: {  	s3 =	sld [smem:$0x3FDB];
	s0 =	simm.s32 @p2 $0x1  }
0x17: {  	s4 =	simm.s32 $0x1BF5;
	[smem:$0x3FB0] =	sst s0  }
0x18: {  	s0 =	sld [smem:$0x3F93];
	_ =	swait.ge [sflag:s4], $0x0  }
0x19: {  	s7 =	sld [smem:$0x3F94]  }
0x1a: {  	s8 =	sadd.s32 $0xFFFFE003, lr  }
0x1b: {  	s9 =	sadd.s32 $0xFFFFFEF7, lr;
	s5 =	simm.s32 $0xFFFFFFFF;
	p2 =	slt.u32 s8, $0xFFFFF086  }
0x1c: {  	p1 =	slt.u32 s9, $0xF7A;
	s5 =	simm.s32 @!p2 $0x0  }
0x1d: {  	s5 =	simm.s32 @p1 $0x1;
	p0 =	seq.s32 s7, s2  }
0x1e: {  	s7 =	smul.u32 @!p0 $0xF7A, s2;
	p2 =	seq.s32 @!p0 s5, $0x0  }
0x1f: {  	s9 =	smul.u32 $0xF7A, s1;
	s8 =	simm.s32 @!p0 $0x1BF5;
	p2 =	por !p2, p0  }
0x20: {  	[sflag:s8] =	ssyncset.s32 @!p0 $0xFFFFF086;
	s6 =	sadd.s32 @!p0 s3, s7;
	s7 =	simm.s32 @!p0 $0x108  }
0x21: {  	s3 =	sadd.s32 s3, s9;
	s6 =	sadd.s32 @!p0 $0x88, s6;
	s7 =	simm.s32 @p2 $0x1082  }
0x22: {  	[simem:s7], [sflag:s8] =	dma.local @!p0 [hbm:s6], $0xF7A  }
0x23: {  	s9 =	sor.u32 $0xD0000000, s2;
	s6 =	simm.s32 $0x108;
	_ =	swait.ge @!p0 [sflag:s8], $0x0  }
0x24: {  	s3 =	sadd.s32 $0x88, s3;
	s6 =	simm.s32 @!p1 $0x1082;
	[sflag:s4] =	ssyncset.s32 $0xFFFFF086  }
0x25: {  	[simem:s6], [sflag:s4] =	dma.local [hbm:s3], $0xF7A  }
0x26: {  	[smem:$0x3F94] =	sst s1;
	(tag) =	ssettag s2;
	_ =	strace s9  }
0x27: {  	s1 =	sld [smem:$0x3FA4]  }
0x28: {  	s2 =	sld [smem:$0x3FA5]  }
0x29: {  	s4 =	sld [smem:$0x3FA7]  }
0x2a: {  	p0 =	seq.s32 s5, $0x0;
	s5 =	sld [smem:$0x3FA8]  }
0x2b: {  	s6 =	sld [smem:$0x3FA9]  }
0x2c: {  	s7 =	sld [smem:$0x3FAA]  }
0x2d: {  	s3 =	simm.s32 $0x108;
	s8 =	sld [smem:$0x3FAB]  }
0x2e: {  	s3 =	simm.s32 @!p0 $0x1082;
	s9 =	sld [smem:$0x3FAC]  }
0x2f: {  	lr =	sadd.s32 s0, s3;
	s0 =	sld [smem:$0x3FA3]  }
0x30: {  	s3 =	sld [smem:$0x3FA6]  }
0x31: {  	[smem:$0x3FAF] =	sst s10  }
0x32: {  	s10 =	sld [smem:$0x3FAD];
	_ =	sdelay $0x3  }
0x33: {  	p0 =	seq.s32 s10, $0x1;
	s10 =	sld [smem:$0x3FAF];
	_ =	sdelay $0x3  }
0x34: {  	[smem:$0x3FAF] =	sst s10  }
0x35: {  	s10 =	sld [smem:$0x3FAE];
	_ =	sdelay $0x3  }
0x36: {  	p1 =	seq.s32 s10, $0x1;
	s10 =	sld [smem:$0x3FAF];
	_ =	sdelay $0x3  }
0x37: {  	[smem:$0x3FAF] =	sst s10  }
0x38: {  	s10 =	sld [smem:$0x3FB0]  }
0x39: {  	_ = 	snop;
	(pc) =	sbr.ind lr, $3  }
0x3a: {  	_ = 	snop  }
0x3b: {  	_ = 	snop  }
0x3c: {  	p2 =	seq.s32 s10, $0x1;
	s10 =	sld [smem:$0x3FAF]  }
0x3d: {  	_ =	shalt  }
0x3e: {  	_ =	shalt  }
0x3f: {  	_ =	shalt  }
0x40: {  	_ =	shalt  }
0x41: {  	_ =	shalt  }
0x42: {  	_ =	shalt  }
0x43: {  	_ =	shalt  }
0x44: {  	_ =	shalt  }
0x45: {  	_ =	shalt  }
0x46: {  	_ =	shalt  }
0x47: {  	_ =	shalt  }
0x48: {  	_ =	shalt  }
0x49: {  	_ =	shalt  }
0x4a: {  	_ =	shalt  }
0x4b: {  	_ =	shalt  }
0x4c: {  	_ =	shalt  }
0x4d: {  	_ =	shalt  }
0x4e: {  	_ =	shalt  }
0x4f: {  	_ =	shalt  }
0x50: {  	_ =	shalt  }
0x51: {  	_ =	shalt  }
0x52: {  	_ =	shalt  }
0x53: {  	_ =	shalt  }
0x54: {  	_ =	shalt  }
0x55: {  	_ =	shalt  }
0x56: {  	_ =	shalt  }
0x57: {  	_ =	shalt  }
0x58: {  	_ =	shalt  }
0x59: {  	_ =	shalt  }
0x5a: {  	_ =	shalt  }
0x5b: {  	_ =	shalt  }
0x5c: {  	_ =	shalt  }
0x5d: {  	_ =	shalt  }
0x5e: {  	_ =	shalt  }
0x5f: {  	_ =	shalt  }
0x60: {  	_ =	shalt  }
0x61: {  	_ =	shalt  }
0x62: {  	_ =	shalt  }
0x63: {  	_ =	shalt  }
0x64: {  	_ =	shalt  }
0x65: {  	_ =	shalt  }
0x66: {  	_ =	shalt  }
0x67: {  	_ =	shalt  }
0x68: {  	_ =	shalt  }
0x69: {  	_ =	shalt  }
0x6a: {  	_ =	shalt  }
0x6b: {  	_ =	shalt  }
0x6c: {  	_ =	shalt  }
0x6d: {  	_ =	shalt  }
0x6e: {  	_ =	shalt  }
0x6f: {  	_ =	shalt  }
0x70: {  	_ =	shalt  }
0x71: {  	_ =	shalt  }
0x72: {  	_ =	shalt  }
0x73: {  	_ =	shalt  }
0x74: {  	_ =	shalt  }
0x75: {  	_ =	shalt  }
0x76: {  	_ =	shalt  }
0x77: {  	_ =	shalt  }
0x78: {  	_ =	shalt  }
0x79: {  	_ =	shalt  }
0x7a: {  	_ =	shalt  }
0x7b: {  	_ =	shalt  }
0x7c: {  	_ =	shalt  }
0x7d: {  	_ =	shalt  }
0x7e: {  	_ =	shalt  }
0x7f: {  	_ =	shalt  }
0x80: {  	_ =	shalt  }
0x81: {  	_ =	shalt  }
0x82: {  	_ =	shalt  }
0x83: {  	_ =	shalt  }
0x84: {  	_ =	shalt  }
0x85: {  	_ =	shalt  }
0x86: {  	_ =	shalt  }
0x87: {  	_ =	shalt  }
.Lfunc_end0:
.L_simem_size_0:
called_computation.1_lowered:
.L_overlay_start_0:
0x88: {  	s2 =	sld [smem:$0x3FD9]  }
0x89: {  	s3 =	sld [smem:$0x3FFE];
	_ =	sdelay $0x1  }
0x8a: {  	s1 =	srdreg.scid  }
0x8b: {  	s0 =	sand.u32 $0x1, s1  }
0x8c: {  	s17 =	sshll.u32 s0, $0xA;
	s2 =	sadd.s32 s3, s2  }
0x8d: {  	s2 =	sadd.s32 s2, s17  }
0x8e: {  	[smem:$0x3FBB] =	sst s2  }
0x8f: {  	_ = 	snop  }
0x90: {  	(tm) =	ssettm $0x1  }
0x91: {  	s18 =	sld [smem:$0x3FFB];
	_ =	sdelay $0x3  }
0x92: {  	_ =	strace s18  }
0x93: {  	s2 =	sld [smem:$0x3FFC];
	_ =	sdelay $0x3  }
0x94: {  	_ =	strace s2  }
0x95: {  	s2 =	sld [smem:$0x3FFD];
	_ =	sdelay $0x3  }
0x96: {  	_ =	strace s2  }
0x97: {  	_ =	strace $0x8FFFFFFF  }
0x98: {  	s19 =	sld [smem:$0x3FDB];
	_ =	sdelay $0x1  }
0x99: {  	s20 =	simm.s32 $_scs_section_size  }
0x9a: {  	s4 =	simm.s32 $_size__tile_overlayer_lowered;
	s5 =	simm.s32 $_tile_overlayer_lowered  }
0x9b: {  	s6 =	simm.s32 $0x1BFF;
	s21 =	sshll.u32 s5, $0x1;
	s3 =	sadd.s32 s20, s19  }
0x9c: {  	s22 =	simm.s32 $0x0;
	s4 =	sshll.u32 s4, $0x1;
	s5 =	sadd.s32 s21, s3  }
0x9d: {  	[timem:s22], [sflag:s6] =	dma.local [hbm:s5], s4  }
0x9e: {  	_ =	swait.ge [sflag:s6], s4  }
0x9f: {  	s4 =	ssub.s32 $0x0, s4;
	[sflag:s6] =	ssyncset.done $0x0  }
0xa0: {  	[sflag:s6] =	ssyncadd.s32 s4;
	_ =	sdelay $0x1  }
0xa1: {  	s23 =	simm.s32 $0x1B8B  }
0xa2: {  	_ =	swait.ge [sflag:s23], $0x1  }
0xa3: {  	[sflag:s23] =	ssyncset.done $0x0  }
0xa4: {  	[sflag:s23] =	ssyncadd.s32 $0xFFFFFFFF  }
0xa5: {  	s4 =	sld [smem:$0x0]  }
0xa6: {  	s5 =	sand.u32 $0xFFFFFFFE, s1  }
0xa7: {  	p0 =	sne.s32 s1, s5  }
0xa8: {  	s5 =	sshll.u32 @p0 s5, $0xE  }
0xa9: {  	s5 =	sadd.s32 @p0 $0x11B8D, s5;
	s6 =	sshll.u32 @p0 s4, $0x11  }
0xaa: {  	s5 =	sor.u32 @p0 s6, s5  }
0xab: {  	[sflag:s5] =	ssyncadd.remote.s32 @p0 $0x1;
	_ =	sdelay $0x1  }
0xac: {  	s5 =	simm.s32 @p0 $0x1B8D  }
0xad: {  	_ =	swait.eq @p0 [sflag:s5], $0x1  }
0xae: {  	[sflag:s5] =	ssyncadd.s32 @p0 $0xFFFFFFFF  }
0xaf: {  	s6 =	sshll.u32 @!p0 s1, $0xE  }
0xb0: {  	s6 =	sor.u32 @!p0 $0x4000, s6;
	s5 =	simm.s32 @!p0 $0x1B8D  }
0xb1: {  	s4 =	sshll.u32 @!p0 s4, $0x11;
	s6 =	sadd.s32 @!p0 $0x11B8D, s6;
	_ =	swait.eq @!p0 [sflag:s5], $0x1  }
0xb2: {  	s4 =	sor.u32 @!p0 s4, s6;
	[sflag:s5] =	ssyncadd.s32 @!p0 $0xFFFFFFFF  }
0xb3: {  	s25 =	simm.s32 $0x1B8E;
	s24 =	sld [smem:$0x3FFE];
	[sflag:s4] =	ssyncadd.remote.s32 @!p0 $0x1  }
0xb4: {  	s26 =	simm.s32 $execute0_lowered;
	[smem:$0x3FD2] =	sst s25  }
0xb5: {  	s5 =	sshll.u32 s26, $0x1;
	_ =	strace $0x80000049;
	[dreg:$0x1] =	wrdreg $0xFFFFFFFF  }
0xb6: {  	s28 =	simm.s32 $_size_execute0_lowered;
	s3 =	sadd.s32 s3, s5;
	[dreg:$0x0] =	wrdreg $0x0  }
0xb7: {  	s5 =	sshll.u32 s28, $0x1;
	[dreg:$0x2] =	wrdreg s3  }
0xb8: {  	[dreg:$0x3] =	wrdreg s5  }
0xb9: {  	[dreg:$0x4] =	wrdreg $0xC0  }
0xba: {  	_ =	task [dreg:s22], $0x5FFFF  }
0xbb: {  	[dreg:$0x1] =	wrdreg $0xFFFFFFFF  }
0xbc: {  	[dreg:$0x0] =	wrdreg $0x60  }
0xbd: {  	[dreg:$0x2] =	wrdreg s24  }
0xbe: {  	[dreg:$0x3] =	wrdreg $0xA  }
0xbf: {  	_ =	task.clear_ibuf [dreg:s22], $0x4FFFF;
	_ =	strace $0x90000049  }
0xc0: {  	s29 =	simm.s32 $0xA;
	_ =	strace $0x8000004B  }
0xc1: {  	_ =	swait.ge [sflag:s29], $0x1  }
0xc2: {  	[sflag:s29] =	ssyncadd.s32 $0xFFFFFFFF  }
0xc3: {  	_ =	strace $0x9000004B  }
0xc4: {  	_ =	sfence  }
0xc5: {  	s30 =	sld [smem:$0x0];
	_ =	sdelay $0x2  }
0xc6: {  	s31 =	sshll.u32 s1, $0xD;
	s1 =	sshrl.u32 s1, $0x2  }
0xc7: {  	s4 =	sand.u32 $0x4000, s31;
	s1 =	sadd.s32 s1, s30  }
0xc8: {  	s0 =	sor.u32 s4, s0;
	s1 =	sshll.u32 s1, $0x11  }
0xc9: {  	s0 =	sor.u32 s1, s0  }
0xca: {  	s0 =	sadd.s32 $0x8F2B, s0  }
0xcb: {  	[sflag:s0] =	ssyncadd.remote.s32 $0x1  }
0xcc: {  	_ =	sfence.sel $0xFFFF  }
0xcd: {  	[dreg:$0x0] =	wrdreg $0xFFFFFFFF;
	(pc) =	sbr.abs _section_cstart, $3  }
0xce: {  	[dreg:$0x1] =	wrdreg $0xFFFFFFFF  }
0xcf: {  	_ =	task.clear_ibuf [dreg:s22], $0x2FFFF;
	_ =	strace $0x9FFFFFFF  }
0xd0: {  	(tm) =	ssettm $0x7FFFFFFF  }
0xd1: {  	_ =	shalt  }
tec
execute0_lowered:
.L_overlay_start_1:
0x0: {  	(tag) =	ssettag $0x1  }
0x1: {  	s5 =	rddreg [dreg:$0x0]  }
0x2: {  	s0 =	rddreg [dreg:$0x1];
	s2 =	simm.s32 $0x0;
	s3 =	srdreg.scid  }
0x3: {  	s1 =	stileid.u32;
	s12 =	simm.s32 $0x50;
	s13 =	simm.s32 $0x100  }
0x4: {  	s14 =	simm.s32 $0x2900;
	s15 =	simm.s32 $0x1;
	s7 =	smul.u32 $0x1180, s1  }
0x5: {  	s16 =	simm.s32 $0x0;
	s6 =	sand.u32 $0x1, s3;
	s9 =	smul.u32 $0x11800, s1  }
0x6: {  	[smem:$0x7FF] =	sst s2;
	s3 =	sadd.s32 $0x4E00, s5;
	s8 =	smul.u32 $0x8C0, s6  }
0x7: {  	s4 =	sadd.s32 $0x2C000, s5;
	s29 =	ssub.s32 $0x2, s6;
	s6 =	smul.u32 $0x8C00, s6  }
0x8: {  	_ =	strace $0x8000004A;
	s9 =	sadd.s32 s9, s5;
	s10 =	sshrl.u32 s29, $0x1  }
0x9: {  	s7 =	sadd.s32 s8, s7;
	s30 =	ssub.s32 s29, s10;
	s31 =	sadd.s32 s6, s9  }
0xa: {  	s10 =	simm.s32 $0x2;
	s7 =	sshrl.u32 s7, $0x3;
	s6 =	sadd.s32 $0xE7200, s31  }
0xb: {  	s11 =	sadd.s32 s7, s5;
	s5 =	smax.u32 s30, $0x1;
	s7 =	sadd.s32 $0x1FF200, s31  }
0xc: {  	s8 =	sadd.s32 $0xD5200, s11;
	s9 =	sadd.s32 $0xD7600, s11;
	s11 =	simm.s32 $0x80  }
.LBB2_1:
0xd: {  	s17 =	sadd.s32 $0x0, s9  }
0xe: {  	[tilespmem:s2], [sflag:$0x2] =	stream.linear.gather [hbm4b:s17+s2], $0x50, $0x38;
	[tilespmem:$0x5100] =	vst v63  }
0xf: {  	_ =	swait.ge [sflag:s10], $0x50  }
0x10: {  	[sflag:s10] =	ssyncset.done $0x0  }
0x11: {  	s31 =	sadd.s32 $0x0, s8;
	[sflag:s10] =	ssyncadd.s32 $0xFFFFFFB0  }
0x12: {  	[tilespmem:s11], [sflag:$0x2] =	stream.linear.gather [hbm4b:s31+s2], $0x50, $0x38;
	[tilespmem:$0x5100] =	vst v63  }
0x13: {  	_ =	swait.ge [sflag:s10], $0x50  }
0x14: {  	[sflag:s10] =	ssyncset.done $0x0  }
0x15: {  	[sflag:s10] =	ssyncadd.s32 $0xFFFFFFB0  }
0x16: {  	[tilespmem:s13], [sflag:$0x1] =	stream.indirect.gather [hbm4b:s3+s12], $0x80, s2, s12, $0xb8;
	[tilespmem:$0x5100] =	vst v63  }
0x17: {  	_ = 	snop  }
0x18: {  	[tilespmem:s14], [sflag:$0x1] =	stream.indirect.gather [hbm4b:s4+s12], $0x80, s11, s12, $0xb8;
	[tilespmem:$0x5100] =	vst v63  }
0x19: {  	_ =	swait.ge [sflag:s15], $0x2800  }
0x1a: {  	[sflag:s15] =	ssyncset.done $0x0  }
0x1b: {  	[sflag:s15] =	ssyncadd.s32 $0xFFFFD800  }
0x1c: {  	_ =	swait.ge [sflag:s15], $0x2800  }
0x1d: {  	[sflag:s15] =	ssyncset.done $0x0  }
0x1e: {  	[sflag:s15] =	ssyncadd.s32 $0xFFFFD800  }
0x1f: {  	[hbm4b:s6+s2] =	stream.linear.scatter [tilespmem:s13], [sflag:$0x2], $0x2800, $0x38;
	[tilespmem:$0x5100] =	vst v63  }
0x20: {  	_ =	swait.ge [sflag:s10], $0x2800  }
0x21: {  	[sflag:s10] =	ssyncset.done $0x0  }
0x22: {  	[sflag:s10] =	ssyncadd.s32 $0xFFFFD800  }
0x23: {  	[hbm4b:s7+s2] =	stream.linear.scatter [tilespmem:s14], [sflag:$0x2], $0x2800, $0x38;
	[tilespmem:$0x5100] =	vst v63  }
0x24: {  	s19 =	simm.s32 $0xA;
	s20 =	simm.s32 $0x14;
	_ =	swait.ge [sflag:s10], $0x2800  }
0x25: {  	s18 =	sadd.s32 $0x500, s6;
	s17 =	sadd.s32 $0x500, s7;
	[sflag:s10] =	ssyncset.done $0x0  }
.LBB2_2:
0x26: {  	s21 =	sadd.s32 s19, s9  }
0x27: {  	[sflag:s10] =	ssyncadd.s32 $0xFFFFD800;
	s22 =	smov.u32 s20;
	s23 =	sadd.s32 $0xA, s20  }
0x28: {  	[tilespmem:s2], [sflag:$0x2] =	stream.linear.gather [hbm4b:s21+s2], $0x50, $0x38;
	[tilespmem:$0x5100] =	vst v63  }
0x29: {  	p0 =	sne.s32 s20, $0x10E;
	_ =	swait.ge [sflag:s10], $0x50  }
0x2a: {  	[sflag:s10] =	ssyncset.done $0x0  }
0x2b: {  	s20 =	sadd.s32 s19, s8;
	s19 =	smov.u32 s22;
	[sflag:s10] =	ssyncadd.s32 $0xFFFFFFB0  }
0x2c: {  	[tilespmem:s11], [sflag:$0x2] =	stream.linear.gather [hbm4b:s20+s2], $0x50, $0x38;
	[tilespmem:$0x5100] =	vst v63  }
0x2d: {  	_ =	swait.ge [sflag:s10], $0x50  }
0x2e: {  	[sflag:s10] =	ssyncset.done $0x0  }
0x2f: {  	[sflag:s10] =	ssyncadd.s32 $0xFFFFFFB0  }
0x30: {  	[tilespmem:s13], [sflag:$0x1] =	stream.indirect.gather [hbm4b:s3+s12], $0x80, s2, s12, $0xb8;
	[tilespmem:$0x5100] =	vst v63  }
0x31: {  	_ = 	snop  }
0x32: {  	[tilespmem:s14], [sflag:$0x1] =	stream.indirect.gather [hbm4b:s4+s12], $0x80, s11, s12, $0xb8;
	[tilespmem:$0x5100] =	vst v63  }
0x33: {  	_ =	swait.ge [sflag:s15], $0x2800  }
0x34: {  	[sflag:s15] =	ssyncset.done $0x0  }
0x35: {  	[sflag:s15] =	ssyncadd.s32 $0xFFFFD800  }
0x36: {  	_ =	swait.ge [sflag:s15], $0x2800  }
0x37: {  	[sflag:s15] =	ssyncset.done $0x0  }
0x38: {  	[sflag:s15] =	ssyncadd.s32 $0xFFFFD800  }
0x39: {  	[hbm4b:s18+s2] =	stream.linear.scatter [tilespmem:s13], [sflag:$0x2], $0x2800, $0x38;
	[tilespmem:$0x5100] =	vst v63  }
0x3a: {  	_ =	swait.ge [sflag:s10], $0x2800  }
.Ltmp0:
0x3b: {  	[sflag:s10] =	ssyncset.done $0x0;
	(pc) =	sbr.rel @p0 .LBB2_2-.Ltmp0, $4  }
0x3c: {  	[sflag:s10] =	ssyncadd.s32 $0xFFFFD800  }
0x3d: {  	[hbm4b:s17+s2] =	stream.linear.scatter [tilespmem:s14], [sflag:$0x2], $0x2800, $0x38;
	[tilespmem:$0x5100] =	vst v63  }
0x3e: {  	s20 =	smov.u32 s23;
	_ =	swait.ge [sflag:s10], $0x2800  }
0x3f: {  	s18 =	sadd.s32 $0x500, s18;
	s17 =	sadd.s32 $0x500, s17;
	[sflag:s10] =	ssyncset.done $0x0  }
0x40: {  	s20 =	sadd.s32 s19, s9;
	[sflag:s10] =	ssyncadd.s32 $0xFFFFD800  }
0x41: {  	[tilespmem:s2], [sflag:$0x2] =	stream.linear.gather [hbm4b:s20+s2], $0x50, $0x38;
	[tilespmem:$0x5100] =	vst v63  }
0x42: {  	_ =	swait.ge [sflag:s10], $0x50  }
0x43: {  	[sflag:s10] =	ssyncset.done $0x0  }
0x44: {  	s31 =	sadd.s32 s19, s8;
	[sflag:s10] =	ssyncadd.s32 $0xFFFFFFB0  }
0x45: {  	[tilespmem:s11], [sflag:$0x2] =	stream.linear.gather [hbm4b:s31+s2], $0x50, $0x38;
	[tilespmem:$0x5100] =	vst v63  }
0x46: {  	_ =	swait.ge [sflag:s10], $0x50  }
0x47: {  	[sflag:s10] =	ssyncset.done $0x0  }
0x48: {  	[sflag:s10] =	ssyncadd.s32 $0xFFFFFFB0  }
0x49: {  	[tilespmem:s13], [sflag:$0x1] =	stream.indirect.gather [hbm4b:s3+s12], $0x80, s2, s12, $0xb8;
	[tilespmem:$0x5100] =	vst v63  }
0x4a: {  	_ = 	snop  }
0x4b: {  	[tilespmem:s14], [sflag:$0x1] =	stream.indirect.gather [hbm4b:s4+s12], $0x80, s11, s12, $0xb8;
	[tilespmem:$0x5100] =	vst v63  }
0x4c: {  	_ =	swait.ge [sflag:s15], $0x2800  }
0x4d: {  	[sflag:s15] =	ssyncset.done $0x0  }
0x4e: {  	[sflag:s15] =	ssyncadd.s32 $0xFFFFD800  }
0x4f: {  	_ =	swait.ge [sflag:s15], $0x2800  }
0x50: {  	[sflag:s15] =	ssyncset.done $0x0  }
0x51: {  	[sflag:s15] =	ssyncadd.s32 $0xFFFFD800  }
0x52: {  	[hbm4b:s18+s2] =	stream.linear.scatter [tilespmem:s13], [sflag:$0x2], $0x2800, $0x38;
	[tilespmem:$0x5100] =	vst v63  }
0x53: {  	s16 =	sadd.s32 $0x1, s16;
	_ =	swait.ge [sflag:s10], $0x2800  }
0x54: {  	p0 =	sne.s32 s16, s5;
	[sflag:s10] =	ssyncset.done $0x0  }
.Ltmp1:
0x55: {  	[sflag:s10] =	ssyncadd.s32 $0xFFFFD800;
	(pc) =	sbr.rel @p0 .LBB2_1-.Ltmp1, $4  }
0x56: {  	[hbm4b:s17+s2] =	stream.linear.scatter [tilespmem:s14], [sflag:$0x2], $0x2800, $0x38;
	[tilespmem:$0x5100] =	vst v63  }
0x57: {  	_ =	swait.ge [sflag:s10], $0x2800  }
0x58: {  	[sflag:s10] =	ssyncset.done $0x0  }
0x59: {  	[sflag:s10] =	ssyncadd.s32 $0xFFFFD800  }
0x5a: {  	_ =	sfence.sel $0x180000  }
0x5b: {  	[bflag:$0x0] =	sbarrier.arrive $0xFFFF  }
0x5c: {  	p0 =	sne.s32 s1, $0x0;
	_ =	strace $0x9000004A  }
0x5d: {  	s0 =	sadd.s32 @!p0 $0x100000, s0;
	[bflag:$0x2] =	sbarrier.arrive $0xFFFF  }
0x5e: {  	[sflag:s0] =	ssyncadd.tile.s32 @!p0 $0x1;
	_ =	shalt  }
.Lfunc_end2:
_tile_overlayer_lowered:
.L_overlay_start_2:
0x5f: {  	(tag) =	ssettag $0x2  }
0x60: {  	s0 =	rddreg [dreg:$0x0];
	s2 =	stileid.u32  }
0x61: {  	s1 =	rddreg [dreg:$0x1];
	p0 =	sne.s32 s2, $0x0  }
0x62: {  	s3 =	rddreg [dreg:$0x2];
	[bflag:$0x3] =	sbarrier.arrive $0xFFFF;
	s2 =	simm.s32 @!p0 $0x1C02  }
0x63: {  	[timem:s3], [sflag:s2] =	dma.local @!p0 [hbm:s0], s1  }
0x64: {  	s0 =	simm.s32 @!p0 $0x2  }
0x65: {  	_ =	swait.ge @!p0 [sflag:s0], s1  }
0x66: {  	s1 =	ssub.s32 @!p0 $0x0, s1;
	[sflag:s0] =	ssyncset.done @!p0 $0x0  }
0x67: {  	[sflag:s0] =	ssyncadd.s32 @!p0 s1  }
0x68: {  	[bflag:$0x3] =	sbarrier.arrive $0xFFFF  }
0x69: {  	_ =	shalt  }

// kernel: kernel.19.cloned.1.call-start
scs
__scs_entry_jumppad:
0x0: {  	(pc) =	sbr.rel $0x88, $3  }
0x1: {  	(tag) =	ssettag $0x0;
	lr =	simm.s32 $0x1  }
0x2: {  	[smem:$0x3F94] =	sst lr;
	_ =	strace $0xD0000000  }
0x3: {  	_ = 	snop  }
0x4: {  	_ = 	snop  }
0x5: {  	_ = 	snop  }
0x6: {  	_ = 	snop  }
0x7: {  	_ = 	snop  }
__scs_overlays_trampoline_lowered:
0x8: {  	[smem:$0x3FA3] =	sst s0  }
0x9: {  	[smem:$0x3FA4] =	sst s1  }
0xa: {  	[smem:$0x3FA5] =	sst s2  }
0xb: {  	[smem:$0x3FA6] =	sst s3  }
0xc: {  	[smem:$0x3FA7] =	sst s4  }
0xd: {  	[smem:$0x3FA8] =	sst s5  }
0xe: {  	[smem:$0x3FA9] =	sst s6  }
0xf: {  	[smem:$0x3FAA] =	sst s7  }
0x10: {  	[smem:$0x3FAB] =	sst s8  }
0x11: {  	[smem:$0x3FAC] =	sst s9;
	s0 =	simm.s32 @!p0 $0x0  }
0x12: {  	s1 =	sld [smem:$0x3F92];
	s0 =	simm.s32 @p0 $0x1  }
0x13: {  	[smem:$0x3FAD] =	sst s0;
	s0 =	simm.s32 @!p1 $0x0  }
0x14: {  	s2 =	sld [smem:$0x3F91];
	s0 =	simm.s32 @p1 $0x1  }
0x15: {  	[smem:$0x3FAE] =	sst s0;
	s0 =	simm.s32 @!p2 $0x0  }
0x16: {  	s3 =	sld [smem:$0x3FDB];
	s0 =	simm.s32 @p2 $0x1  }
0x17: {  	s4 =	simm.s32 $0x1BF5;
	[smem:$0x3FB0] =	sst s0  }
0x18: {  	s0 =	sld [smem:$0x3F93];
	_ =	swait.ge [sflag:s4], $0x0  }
0x19: {  	s7 =	sld [smem:$0x3F94]  }
0x1a: {  	s8 =	sadd.s32 $0xFFFFE003, lr  }
0x1b: {  	s9 =	sadd.s32 $0xFFFFFEF7, lr;
	s5 =	simm.s32 $0xFFFFFFFF;
	p2 =	slt.u32 s8, $0xFFFFF086  }
0x1c: {  	p1 =	slt.u32 s9, $0xF7A;
	s5 =	simm.s32 @!p2 $0x0  }
0x1d: {  	s5 =	simm.s32 @p1 $0x1;
	p0 =	seq.s32 s7, s2  }
0x1e: {  	s7 =	smul.u32 @!p0 $0xF7A, s2;
	p2 =	seq.s32 @!p0 s5, $0x0  }
0x1f: {  	s9 =	smul.u32 $0xF7A, s1;
	s8 =	simm.s32 @!p0 $0x1BF5;
	p2 =	por !p2, p0  }
0x20: {  	[sflag:s8] =	ssyncset.s32 @!p0 $0xFFFFF086;
	s6 =	sadd.s32 @!p0 s3, s7;
	s7 =	simm.s32 @!p0 $0x108  }
0x21: {  	s3 =	sadd.s32 s3, s9;
	s6 =	sadd.s32 @!p0 $0x88, s6;
	s7 =	simm.s32 @p2 $0x1082  }
0x22: {  	[simem:s7], [sflag:s8] =	dma.local @!p0 [hbm:s6], $0xF7A  }
0x23: {  	s9 =	sor.u32 $0xD0000000, s2;
	s6 =	simm.s32 $0x108;
	_ =	swait.ge @!p0 [sflag:s8], $0x0  }
0x24: {  	s3 =	sadd.s32 $0x88, s3;
	s6 =	simm.s32 @!p1 $0x1082;
	[sflag:s4] =	ssyncset.s32 $0xFFFFF086  }
0x25: {  	[simem:s6], [sflag:s4] =	dma.local [hbm:s3], $0xF7A  }
0x26: {  	[smem:$0x3F94] =	sst s1;
	(tag) =	ssettag s2;
	_ =	strace s9  }
0x27: {  	s1 =	sld [smem:$0x3FA4]  }
0x28: {  	s2 =	sld [smem:$0x3FA5]  }
0x29: {  	s4 =	sld [smem:$0x3FA7]  }
0x2a: {  	p0 =	seq.s32 s5, $0x0;
	s5 =	sld [smem:$0x3FA8]  }
0x2b: {  	s6 =	sld [smem:$0x3FA9]  }
0x2c: {  	s7 =	sld [smem:$0x3FAA]  }
0x2d: {  	s3 =	simm.s32 $0x108;
	s8 =	sld [smem:$0x3FAB]  }
0x2e: {  	s3 =	simm.s32 @!p0 $0x1082;
	s9 =	sld [smem:$0x3FAC]  }
0x2f: {  	lr =	sadd.s32 s0, s3;
	s0 =	sld [smem:$0x3FA3]  }
0x30: {  	s3 =	sld [smem:$0x3FA6]  }
0x31: {  	[smem:$0x3FAF] =	sst s10  }
0x32: {  	s10 =	sld [smem:$0x3FAD];
	_ =	sdelay $0x3  }
0x33: {  	p0 =	seq.s32 s10, $0x1;
	s10 =	sld [smem:$0x3FAF];
	_ =	sdelay $0x3  }
0x34: {  	[smem:$0x3FAF] =	sst s10  }
0x35: {  	s10 =	sld [smem:$0x3FAE];
	_ =	sdelay $0x3  }
0x36: {  	p1 =	seq.s32 s10, $0x1;
	s10 =	sld [smem:$0x3FAF];
	_ =	sdelay $0x3  }
0x37: {  	[smem:$0x3FAF] =	sst s10  }
0x38: {  	s10 =	sld [smem:$0x3FB0]  }
0x39: {  	_ = 	snop;
	(pc) =	sbr.ind lr, $3  }
0x3a: {  	_ = 	snop  }
0x3b: {  	_ = 	snop  }
0x3c: {  	p2 =	seq.s32 s10, $0x1;
	s10 =	sld [smem:$0x3FAF]  }
0x3d: {  	_ =	shalt  }
0x3e: {  	_ =	shalt  }
0x3f: {  	_ =	shalt  }
0x40: {  	_ =	shalt  }
0x41: {  	_ =	shalt  }
0x42: {  	_ =	shalt  }
0x43: {  	_ =	shalt  }
0x44: {  	_ =	shalt  }
0x45: {  	_ =	shalt  }
0x46: {  	_ =	shalt  }
0x47: {  	_ =	shalt  }
0x48: {  	_ =	shalt  }
0x49: {  	_ =	shalt  }
0x4a: {  	_ =	shalt  }
0x4b: {  	_ =	shalt  }
0x4c: {  	_ =	shalt  }
0x4d: {  	_ =	shalt  }
0x4e: {  	_ =	shalt  }
0x4f: {  	_ =	shalt  }
0x50: {  	_ =	shalt  }
0x51: {  	_ =	shalt  }
0x52: {  	_ =	shalt  }
0x53: {  	_ =	shalt  }
0x54: {  	_ =	shalt  }
0x55: {  	_ =	shalt  }
0x56: {  	_ =	shalt  }
0x57: {  	_ =	shalt  }
0x58: {  	_ =	shalt  }
0x59: {  	_ =	shalt  }
0x5a: {  	_ =	shalt  }
0x5b: {  	_ =	shalt  }
0x5c: {  	_ =	shalt  }
0x5d: {  	_ =	shalt  }
0x5e: {  	_ =	shalt  }
0x5f: {  	_ =	shalt  }
0x60: {  	_ =	shalt  }
0x61: {  	_ =	shalt  }
0x62: {  	_ =	shalt  }
0x63: {  	_ =	shalt  }
0x64: {  	_ =	shalt  }
0x65: {  	_ =	shalt  }
0x66: {  	_ =	shalt  }
0x67: {  	_ =	shalt  }
0x68: {  	_ =	shalt  }
0x69: {  	_ =	shalt  }
0x6a: {  	_ =	shalt  }
0x6b: {  	_ =	shalt  }
0x6c: {  	_ =	shalt  }
0x6d: {  	_ =	shalt  }
0x6e: {  	_ =	shalt  }
0x6f: {  	_ =	shalt  }
0x70: {  	_ =	shalt  }
0x71: {  	_ =	shalt  }
0x72: {  	_ =	shalt  }
0x73: {  	_ =	shalt  }
0x74: {  	_ =	shalt  }
0x75: {  	_ =	shalt  }
0x76: {  	_ =	shalt  }
0x77: {  	_ =	shalt  }
0x78: {  	_ =	shalt  }
0x79: {  	_ =	shalt  }
0x7a: {  	_ =	shalt  }
0x7b: {  	_ =	shalt  }
0x7c: {  	_ =	shalt  }
0x7d: {  	_ =	shalt  }
0x7e: {  	_ =	shalt  }
0x7f: {  	_ =	shalt  }
0x80: {  	_ =	shalt  }
0x81: {  	_ =	shalt  }
0x82: {  	_ =	shalt  }
0x83: {  	_ =	shalt  }
0x84: {  	_ =	shalt  }
0x85: {  	_ =	shalt  }
0x86: {  	_ =	shalt  }
0x87: {  	_ =	shalt  }
.Lfunc_end0:
.L_simem_size_0:
called_computation.2_lowered:
.L_overlay_start_0:
0x88: {  	s2 =	sld [smem:$0x3FD9]  }
0x89: {  	s3 =	sld [smem:$0x3FFE];
	_ =	sdelay $0x1  }
0x8a: {  	s1 =	srdreg.scid  }
0x8b: {  	s0 =	sand.u32 $0x1, s1  }
0x8c: {  	s17 =	sshll.u32 s0, $0xA;
	s2 =	sadd.s32 s3, s2  }
0x8d: {  	s2 =	sadd.s32 s2, s17  }
0x8e: {  	[smem:$0x3FBB] =	sst s2  }
0x8f: {  	_ = 	snop  }
0x90: {  	(tm) =	ssettm $0x1  }
0x91: {  	s18 =	sld [smem:$0x3FFB];
	_ =	sdelay $0x3  }
0x92: {  	_ =	strace s18  }
0x93: {  	s2 =	sld [smem:$0x3FFC];
	_ =	sdelay $0x3  }
0x94: {  	_ =	strace s2  }
0x95: {  	s2 =	sld [smem:$0x3FFD];
	_ =	sdelay $0x3  }
0x96: {  	_ =	strace s2  }
0x97: {  	_ =	strace $0x8FFFFFFF  }
0x98: {  	s19 =	sld [smem:$0x3FDB];
	_ =	sdelay $0x1  }
0x99: {  	s20 =	simm.s32 $_scs_section_size  }
0x9a: {  	s4 =	simm.s32 $_size__tile_overlayer_lowered;
	s5 =	simm.s32 $_tile_overlayer_lowered  }
0x9b: {  	s6 =	simm.s32 $0x1BFF;
	s21 =	sshll.u32 s5, $0x1;
	s3 =	sadd.s32 s20, s19  }
0x9c: {  	s22 =	simm.s32 $0x0;
	s4 =	sshll.u32 s4, $0x1;
	s5 =	sadd.s32 s21, s3  }
0x9d: {  	[timem:s22], [sflag:s6] =	dma.local [hbm:s5], s4  }
0x9e: {  	_ =	swait.ge [sflag:s6], s4  }
0x9f: {  	s4 =	ssub.s32 $0x0, s4;
	[sflag:s6] =	ssyncset.done $0x0  }
0xa0: {  	[sflag:s6] =	ssyncadd.s32 s4;
	_ =	sdelay $0x1  }
0xa1: {  	s23 =	simm.s32 $0x1B8B  }
0xa2: {  	_ =	swait.ge [sflag:s23], $0x1  }
0xa3: {  	[sflag:s23] =	ssyncset.done $0x0  }
0xa4: {  	[sflag:s23] =	ssyncadd.s32 $0xFFFFFFFF  }
0xa5: {  	s4 =	sld [smem:$0x0]  }
0xa6: {  	s5 =	sand.u32 $0xFFFFFFFE, s1  }
0xa7: {  	p0 =	sne.s32 s1, s5  }
0xa8: {  	s5 =	sshll.u32 @p0 s5, $0xE  }
0xa9: {  	s5 =	sadd.s32 @p0 $0x11B8D, s5;
	s6 =	sshll.u32 @p0 s4, $0x11  }
0xaa: {  	s5 =	sor.u32 @p0 s6, s5  }
0xab: {  	[sflag:s5] =	ssyncadd.remote.s32 @p0 $0x1;
	_ =	sdelay $0x1  }
0xac: {  	s5 =	simm.s32 @p0 $0x1B8D  }
0xad: {  	_ =	swait.eq @p0 [sflag:s5], $0x1  }
0xae: {  	[sflag:s5] =	ssyncadd.s32 @p0 $0xFFFFFFFF  }
0xaf: {  	s6 =	sshll.u32 @!p0 s1, $0xE  }
0xb0: {  	s6 =	sor.u32 @!p0 $0x4000, s6;
	s5 =	simm.s32 @!p0 $0x1B8D  }
0xb1: {  	s4 =	sshll.u32 @!p0 s4, $0x11;
	s6 =	sadd.s32 @!p0 $0x11B8D, s6;
	_ =	swait.eq @!p0 [sflag:s5], $0x1  }
0xb2: {  	s4 =	sor.u32 @!p0 s4, s6;
	[sflag:s5] =	ssyncadd.s32 @!p0 $0xFFFFFFFF  }
0xb3: {  	s25 =	simm.s32 $0x1B8E;
	s24 =	sld [smem:$0x3FFE];
	[sflag:s4] =	ssyncadd.remote.s32 @!p0 $0x1  }
0xb4: {  	s26 =	simm.s32 $execute0_lowered;
	[smem:$0x3FD2] =	sst s25  }
0xb5: {  	s5 =	sshll.u32 s26, $0x1;
	_ =	strace $0x8000004C;
	[dreg:$0x1] =	wrdreg $0xFFFFFFFF  }
0xb6: {  	s28 =	simm.s32 $_size_execute0_lowered;
	s3 =	sadd.s32 s3, s5;
	[dreg:$0x0] =	wrdreg $0x0  }
0xb7: {  	s5 =	sshll.u32 s28, $0x1;
	[dreg:$0x2] =	wrdreg s3  }
0xb8: {  	[dreg:$0x3] =	wrdreg s5  }
0xb9: {  	[dreg:$0x4] =	wrdreg $0xC0  }
0xba: {  	_ =	task [dreg:s22], $0x5FFFF  }
0xbb: {  	[dreg:$0x1] =	wrdreg $0xFFFFFFFF  }
0xbc: {  	[dreg:$0x0] =	wrdreg $0x60  }
0xbd: {  	[dreg:$0x2] =	wrdreg s24  }
0xbe: {  	[dreg:$0x3] =	wrdreg $0xB  }
0xbf: {  	_ =	task.clear_ibuf [dreg:s22], $0x4FFFF;
	_ =	strace $0x9000004C  }
0xc0: {  	s29 =	simm.s32 $0xB;
	_ =	strace $0x8000004E  }
0xc1: {  	_ =	swait.ge [sflag:s29], $0x1  }
0xc2: {  	[sflag:s29] =	ssyncadd.s32 $0xFFFFFFFF  }
0xc3: {  	_ =	strace $0x9000004E  }
0xc4: {  	_ =	sfence  }
0xc5: {  	s30 =	sld [smem:$0x0];
	_ =	sdelay $0x2  }
0xc6: {  	s31 =	sshll.u32 s1, $0xD;
	s1 =	sshrl.u32 s1, $0x2  }
0xc7: {  	s4 =	sand.u32 $0x4000, s31;
	s1 =	sadd.s32 s1, s30  }
0xc8: {  	s0 =	sor.u32 s4, s0;
	s1 =	sshll.u32 s1, $0x11  }
0xc9: {  	s0 =	sor.u32 s1, s0  }
0xca: {  	s0 =	sadd.s32 $0x8F2B, s0  }
0xcb: {  	[sflag:s0] =	ssyncadd.remote.s32 $0x1  }
0xcc: {  	_ =	sfence.sel $0xFFFF  }
0xcd: {  	[dreg:$0x0] =	wrdreg $0xFFFFFFFF;
	(pc) =	sbr.abs _section_cstart, $3  }
0xce: {  	[dreg:$0x1] =	wrdreg $0xFFFFFFFF  }
0xcf: {  	_ =	task.clear_ibuf [dreg:s22], $0x2FFFF;
	_ =	strace $0x9FFFFFFF  }
0xd0: {  	(tm) =	ssettm $0x7FFFFFFF  }
0xd1: {  	_ =	shalt  }
tec
execute0_lowered:
.L_overlay_start_1:
0x0: {  	(tag) =	ssettag $0x1  }
0x1: {  	s5 =	rddreg [dreg:$0x0]  }
0x2: {  	s0 =	rddreg [dreg:$0x1];
	s2 =	simm.s32 $0x0;
	s3 =	srdreg.scid  }
0x3: {  	s1 =	stileid.u32;
	s12 =	simm.s32 $0x50;
	s13 =	simm.s32 $0x100  }
0x4: {  	s14 =	simm.s32 $0x2900;
	s15 =	simm.s32 $0x1;
	s7 =	smul.u32 $0x1180, s1  }
0x5: {  	s16 =	simm.s32 $0x0;
	s6 =	sand.u32 $0x1, s3;
	s9 =	smul.u32 $0x11800, s1  }
0x6: {  	[smem:$0x7FF] =	sst s2;
	s3 =	sadd.s32 $0x4E00, s5;
	s8 =	smul.u32 $0x8C0, s6  }
0x7: {  	s4 =	sadd.s32 $0x2C000, s5;
	s29 =	ssub.s32 $0x2, s6;
	s6 =	smul.u32 $0x8C00, s6  }
0x8: {  	_ =	strace $0x8000004D;
	s9 =	sadd.s32 s9, s5;
	s10 =	sshrl.u32 s29, $0x1  }
0x9: {  	s7 =	sadd.s32 s8, s7;
	s30 =	ssub.s32 s29, s10;
	s31 =	sadd.s32 s6, s9  }
0xa: {  	s10 =	simm.s32 $0x2;
	s7 =	sshrl.u32 s7, $0x3;
	s6 =	sadd.s32 $0x317200, s31  }
0xb: {  	s11 =	sadd.s32 s7, s5;
	s5 =	smax.u32 s30, $0x1;
	s7 =	sadd.s32 $0x42F200, s31  }
0xc: {  	s8 =	sadd.s32 $0xD9A00, s11;
	s9 =	sadd.s32 $0xDBE00, s11;
	s11 =	simm.s32 $0x80  }
.LBB2_1:
0xd: {  	s17 =	sadd.s32 $0x0, s9  }
0xe: {  	[tilespmem:s2], [sflag:$0x2] =	stream.linear.gather [hbm4b:s17+s2], $0x50, $0x38;
	[tilespmem:$0x5100] =	vst v63  }
0xf: {  	_ =	swait.ge [sflag:s10], $0x50  }
0x10: {  	[sflag:s10] =	ssyncset.done $0x0  }
0x11: {  	s31 =	sadd.s32 $0x0, s8;
	[sflag:s10] =	ssyncadd.s32 $0xFFFFFFB0  }
0x12: {  	[tilespmem:s11], [sflag:$0x2] =	stream.linear.gather [hbm4b:s31+s2], $0x50, $0x38;
	[tilespmem:$0x5100] =	vst v63  }
0x13: {  	_ =	swait.ge [sflag:s10], $0x50  }
0x14: {  	[sflag:s10] =	ssyncset.done $0x0  }
0x15: {  	[sflag:s10] =	ssyncadd.s32 $0xFFFFFFB0  }
0x16: {  	[tilespmem:s13], [sflag:$0x1] =	stream.indirect.gather [hbm4b:s3+s12], $0x80, s2, s12, $0xb8;
	[tilespmem:$0x5100] =	vst v63  }
0x17: {  	_ = 	snop  }
0x18: {  	[tilespmem:s14], [sflag:$0x1] =	stream.indirect.gather [hbm4b:s4+s12], $0x80, s11, s12, $0xb8;
	[tilespmem:$0x5100] =	vst v63  }
0x19: {  	_ =	swait.ge [sflag:s15], $0x2800  }
0x1a: {  	[sflag:s15] =	ssyncset.done $0x0  }
0x1b: {  	[sflag:s15] =	ssyncadd.s32 $0xFFFFD800  }
0x1c: {  	_ =	swait.ge [sflag:s15], $0x2800  }
0x1d: {  	[sflag:s15] =	ssyncset.done $0x0  }
0x1e: {  	[sflag:s15] =	ssyncadd.s32 $0xFFFFD800  }
0x1f: {  	[hbm4b:s6+s2] =	stream.linear.scatter [tilespmem:s13], [sflag:$0x2], $0x2800, $0x38;
	[tilespmem:$0x5100] =	vst v63  }
0x20: {  	_ =	swait.ge [sflag:s10], $0x2800  }
0x21: {  	[sflag:s10] =	ssyncset.done $0x0  }
0x22: {  	[sflag:s10] =	ssyncadd.s32 $0xFFFFD800  }
0x23: {  	[hbm4b:s7+s2] =	stream.linear.scatter [tilespmem:s14], [sflag:$0x2], $0x2800, $0x38;
	[tilespmem:$0x5100] =	vst v63  }
0x24: {  	s19 =	simm.s32 $0xA;
	s20 =	simm.s32 $0x14;
	_ =	swait.ge [sflag:s10], $0x2800  }
0x25: {  	s18 =	sadd.s32 $0x500, s6;
	s17 =	sadd.s32 $0x500, s7;
	[sflag:s10] =	ssyncset.done $0x0  }
.LBB2_2:
0x26: {  	s21 =	sadd.s32 s19, s9  }
0x27: {  	[sflag:s10] =	ssyncadd.s32 $0xFFFFD800;
	s22 =	smov.u32 s20;
	s23 =	sadd.s32 $0xA, s20  }
0x28: {  	[tilespmem:s2], [sflag:$0x2] =	stream.linear.gather [hbm4b:s21+s2], $0x50, $0x38;
	[tilespmem:$0x5100] =	vst v63  }
0x29: {  	p0 =	sne.s32 s20, $0x10E;
	_ =	swait.ge [sflag:s10], $0x50  }
0x2a: {  	[sflag:s10] =	ssyncset.done $0x0  }
0x2b: {  	s20 =	sadd.s32 s19, s8;
	s19 =	smov.u32 s22;
	[sflag:s10] =	ssyncadd.s32 $0xFFFFFFB0  }
0x2c: {  	[tilespmem:s11], [sflag:$0x2] =	stream.linear.gather [hbm4b:s20+s2], $0x50, $0x38;
	[tilespmem:$0x5100] =	vst v63  }
0x2d: {  	_ =	swait.ge [sflag:s10], $0x50  }
0x2e: {  	[sflag:s10] =	ssyncset.done $0x0  }
0x2f: {  	[sflag:s10] =	ssyncadd.s32 $0xFFFFFFB0  }
0x30: {  	[tilespmem:s13], [sflag:$0x1] =	stream.indirect.gather [hbm4b:s3+s12], $0x80, s2, s12, $0xb8;
	[tilespmem:$0x5100] =	vst v63  }
0x31: {  	_ = 	snop  }
0x32: {  	[tilespmem:s14], [sflag:$0x1] =	stream.indirect.gather [hbm4b:s4+s12], $0x80, s11, s12, $0xb8;
	[tilespmem:$0x5100] =	vst v63  }
0x33: {  	_ =	swait.ge [sflag:s15], $0x2800  }
0x34: {  	[sflag:s15] =	ssyncset.done $0x0  }
0x35: {  	[sflag:s15] =	ssyncadd.s32 $0xFFFFD800  }
0x36: {  	_ =	swait.ge [sflag:s15], $0x2800  }
0x37: {  	[sflag:s15] =	ssyncset.done $0x0  }
0x38: {  	[sflag:s15] =	ssyncadd.s32 $0xFFFFD800  }
0x39: {  	[hbm4b:s18+s2] =	stream.linear.scatter [tilespmem:s13], [sflag:$0x2], $0x2800, $0x38;
	[tilespmem:$0x5100] =	vst v63  }
0x3a: {  	_ =	swait.ge [sflag:s10], $0x2800  }
.Ltmp0:
0x3b: {  	[sflag:s10] =	ssyncset.done $0x0;
	(pc) =	sbr.rel @p0 .LBB2_2-.Ltmp0, $4  }
0x3c: {  	[sflag:s10] =	ssyncadd.s32 $0xFFFFD800  }
0x3d: {  	[hbm4b:s17+s2] =	stream.linear.scatter [tilespmem:s14], [sflag:$0x2], $0x2800, $0x38;
	[tilespmem:$0x5100] =	vst v63  }
0x3e: {  	s20 =	smov.u32 s23;
	_ =	swait.ge [sflag:s10], $0x2800  }
0x3f: {  	s18 =	sadd.s32 $0x500, s18;
	s17 =	sadd.s32 $0x500, s17;
	[sflag:s10] =	ssyncset.done $0x0  }
0x40: {  	s20 =	sadd.s32 s19, s9;
	[sflag:s10] =	ssyncadd.s32 $0xFFFFD800  }
0x41: {  	[tilespmem:s2], [sflag:$0x2] =	stream.linear.gather [hbm4b:s20+s2], $0x50, $0x38;
	[tilespmem:$0x5100] =	vst v63  }
0x42: {  	_ =	swait.ge [sflag:s10], $0x50  }
0x43: {  	[sflag:s10] =	ssyncset.done $0x0  }
0x44: {  	s31 =	sadd.s32 s19, s8;
	[sflag:s10] =	ssyncadd.s32 $0xFFFFFFB0  }
0x45: {  	[tilespmem:s11], [sflag:$0x2] =	stream.linear.gather [hbm4b:s31+s2], $0x50, $0x38;
	[tilespmem:$0x5100] =	vst v63  }
0x46: {  	_ =	swait.ge [sflag:s10], $0x50  }
0x47: {  	[sflag:s10] =	ssyncset.done $0x0  }
0x48: {  	[sflag:s10] =	ssyncadd.s32 $0xFFFFFFB0  }
0x49: {  	[tilespmem:s13], [sflag:$0x1] =	stream.indirect.gather [hbm4b:s3+s12], $0x80, s2, s12, $0xb8;
	[tilespmem:$0x5100] =	vst v63  }
0x4a: {  	_ = 	snop  }
0x4b: {  	[tilespmem:s14], [sflag:$0x1] =	stream.indirect.gather [hbm4b:s4+s12], $0x80, s11, s12, $0xb8;
	[tilespmem:$0x5100] =	vst v63  }
0x4c: {  	_ =	swait.ge [sflag:s15], $0x2800  }
0x4d: {  	[sflag:s15] =	ssyncset.done $0x0  }
0x4e: {  	[sflag:s15] =	ssyncadd.s32 $0xFFFFD800  }
0x4f: {  	_ =	swait.ge [sflag:s15], $0x2800  }
0x50: {  	[sflag:s15] =	ssyncset.done $0x0  }
0x51: {  	[sflag:s15] =	ssyncadd.s32 $0xFFFFD800  }
0x52: {  	[hbm4b:s18+s2] =	stream.linear.scatter [tilespmem:s13], [sflag:$0x2], $0x2800, $0x38;
	[tilespmem:$0x5100] =	vst v63  }
0x53: {  	s16 =	sadd.s32 $0x1, s16;
	_ =	swait.ge [sflag:s10], $0x2800  }
0x54: {  	p0 =	sne.s32 s16, s5;
	[sflag:s10] =	ssyncset.done $0x0  }
.Ltmp1:
0x55: {  	[sflag:s10] =	ssyncadd.s32 $0xFFFFD800;
	(pc) =	sbr.rel @p0 .LBB2_1-.Ltmp1, $4  }
0x56: {  	[hbm4b:s17+s2] =	stream.linear.scatter [tilespmem:s14], [sflag:$0x2], $0x2800, $0x38;
	[tilespmem:$0x5100] =	vst v63  }
0x57: {  	_ =	swait.ge [sflag:s10], $0x2800  }
0x58: {  	[sflag:s10] =	ssyncset.done $0x0  }
0x59: {  	[sflag:s10] =	ssyncadd.s32 $0xFFFFD800  }
0x5a: {  	_ =	sfence.sel $0x180000  }
0x5b: {  	[bflag:$0x0] =	sbarrier.arrive $0xFFFF  }
0x5c: {  	p0 =	sne.s32 s1, $0x0;
	_ =	strace $0x9000004D  }
0x5d: {  	s0 =	sadd.s32 @!p0 $0x100000, s0;
	[bflag:$0x2] =	sbarrier.arrive $0xFFFF  }
0x5e: {  	[sflag:s0] =	ssyncadd.tile.s32 @!p0 $0x1;
	_ =	shalt  }
.Lfunc_end2:
_tile_overlayer_lowered:
.L_overlay_start_2:
0x5f: {  	(tag) =	ssettag $0x2  }
0x60: {  	s0 =	rddreg [dreg:$0x0];
	s2 =	stileid.u32  }
0x61: {  	s1 =	rddreg [dreg:$0x1];
	p0 =	sne.s32 s2, $0x0  }
0x62: {  	s3 =	rddreg [dreg:$0x2];
	[bflag:$0x3] =	sbarrier.arrive $0xFFFF;
	s2 =	simm.s32 @!p0 $0x1C02  }
0x63: {  	[timem:s3], [sflag:s2] =	dma.local @!p0 [hbm:s0], s1  }
0x64: {  	s0 =	simm.s32 @!p0 $0x2  }
0x65: {  	_ =	swait.ge @!p0 [sflag:s0], s1  }
0x66: {  	s1 =	ssub.s32 @!p0 $0x0, s1;
	[sflag:s0] =	ssyncset.done @!p0 $0x0  }
0x67: {  	[sflag:s0] =	ssyncadd.s32 @!p0 s1  }
0x68: {  	[bflag:$0x3] =	sbarrier.arrive $0xFFFF  }
0x69: {  	_ =	shalt  }

// kernel: kernel.22.cloned.1.call-start
scs
__scs_entry_jumppad:
0x0: {  	(pc) =	sbr.rel $0x88, $3  }
0x1: {  	(tag) =	ssettag $0x0;
	lr =	simm.s32 $0x1  }
0x2: {  	[smem:$0x3F94] =	sst lr;
	_ =	strace $0xD0000000  }
0x3: {  	_ = 	snop  }
0x4: {  	_ = 	snop  }
0x5: {  	_ = 	snop  }
0x6: {  	_ = 	snop  }
0x7: {  	_ = 	snop  }
__scs_overlays_trampoline_lowered:
0x8: {  	[smem:$0x3FA3] =	sst s0  }
0x9: {  	[smem:$0x3FA4] =	sst s1  }
0xa: {  	[smem:$0x3FA5] =	sst s2  }
0xb: {  	[smem:$0x3FA6] =	sst s3  }
0xc: {  	[smem:$0x3FA7] =	sst s4  }
0xd: {  	[smem:$0x3FA8] =	sst s5  }
0xe: {  	[smem:$0x3FA9] =	sst s6  }
0xf: {  	[smem:$0x3FAA] =	sst s7  }
0x10: {  	[smem:$0x3FAB] =	sst s8  }
0x11: {  	[smem:$0x3FAC] =	sst s9;
	s0 =	simm.s32 @!p0 $0x0  }
0x12: {  	s1 =	sld [smem:$0x3F92];
	s0 =	simm.s32 @p0 $0x1  }
0x13: {  	[smem:$0x3FAD] =	sst s0;
	s0 =	simm.s32 @!p1 $0x0  }
0x14: {  	s2 =	sld [smem:$0x3F91];
	s0 =	simm.s32 @p1 $0x1  }
0x15: {  	[smem:$0x3FAE] =	sst s0;
	s0 =	simm.s32 @!p2 $0x0  }
0x16: {  	s3 =	sld [smem:$0x3FDB];
	s0 =	simm.s32 @p2 $0x1  }
0x17: {  	s4 =	simm.s32 $0x1BF5;
	[smem:$0x3FB0] =	sst s0  }
0x18: {  	s0 =	sld [smem:$0x3F93];
	_ =	swait.ge [sflag:s4], $0x0  }
0x19: {  	s7 =	sld [smem:$0x3F94]  }
0x1a: {  	s8 =	sadd.s32 $0xFFFFE003, lr  }
0x1b: {  	s9 =	sadd.s32 $0xFFFFFEF7, lr;
	s5 =	simm.s32 $0xFFFFFFFF;
	p2 =	slt.u32 s8, $0xFFFFF086  }
0x1c: {  	p1 =	slt.u32 s9, $0xF7A;
	s5 =	simm.s32 @!p2 $0x0  }
0x1d: {  	s5 =	simm.s32 @p1 $0x1;
	p0 =	seq.s32 s7, s2  }
0x1e: {  	s7 =	smul.u32 @!p0 $0xF7A, s2;
	p2 =	seq.s32 @!p0 s5, $0x0  }
0x1f: {  	s9 =	smul.u32 $0xF7A, s1;
	s8 =	simm.s32 @!p0 $0x1BF5;
	p2 =	por !p2, p0  }
0x20: {  	[sflag:s8] =	ssyncset.s32 @!p0 $0xFFFFF086;
	s6 =	sadd.s32 @!p0 s3, s7;
	s7 =	simm.s32 @!p0 $0x108  }
0x21: {  	s3 =	sadd.s32 s3, s9;
	s6 =	sadd.s32 @!p0 $0x88, s6;
	s7 =	simm.s32 @p2 $0x1082  }
0x22: {  	[simem:s7], [sflag:s8] =	dma.local @!p0 [hbm:s6], $0xF7A  }
0x23: {  	s9 =	sor.u32 $0xD0000000, s2;
	s6 =	simm.s32 $0x108;
	_ =	swait.ge @!p0 [sflag:s8], $0x0  }
0x24: {  	s3 =	sadd.s32 $0x88, s3;
	s6 =	simm.s32 @!p1 $0x1082;
	[sflag:s4] =	ssyncset.s32 $0xFFFFF086  }
0x25: {  	[simem:s6], [sflag:s4] =	dma.local [hbm:s3], $0xF7A  }
0x26: {  	[smem:$0x3F94] =	sst s1;
	(tag) =	ssettag s2;
	_ =	strace s9  }
0x27: {  	s1 =	sld [smem:$0x3FA4]  }
0x28: {  	s2 =	sld [smem:$0x3FA5]  }
0x29: {  	s4 =	sld [smem:$0x3FA7]  }
0x2a: {  	p0 =	seq.s32 s5, $0x0;
	s5 =	sld [smem:$0x3FA8]  }
0x2b: {  	s6 =	sld [smem:$0x3FA9]  }
0x2c: {  	s7 =	sld [smem:$0x3FAA]  }
0x2d: {  	s3 =	simm.s32 $0x108;
	s8 =	sld [smem:$0x3FAB]  }
0x2e: {  	s3 =	simm.s32 @!p0 $0x1082;
	s9 =	sld [smem:$0x3FAC]  }
0x2f: {  	lr =	sadd.s32 s0, s3;
	s0 =	sld [smem:$0x3FA3]  }
0x30: {  	s3 =	sld [smem:$0x3FA6]  }
0x31: {  	[smem:$0x3FAF] =	sst s10  }
0x32: {  	s10 =	sld [smem:$0x3FAD];
	_ =	sdelay $0x3  }
0x33: {  	p0 =	seq.s32 s10, $0x1;
	s10 =	sld [smem:$0x3FAF];
	_ =	sdelay $0x3  }
0x34: {  	[smem:$0x3FAF] =	sst s10  }
0x35: {  	s10 =	sld [smem:$0x3FAE];
	_ =	sdelay $0x3  }
0x36: {  	p1 =	seq.s32 s10, $0x1;
	s10 =	sld [smem:$0x3FAF];
	_ =	sdelay $0x3  }
0x37: {  	[smem:$0x3FAF] =	sst s10  }
0x38: {  	s10 =	sld [smem:$0x3FB0]  }
0x39: {  	_ = 	snop;
	(pc) =	sbr.ind lr, $3  }
0x3a: {  	_ = 	snop  }
0x3b: {  	_ = 	snop  }
0x3c: {  	p2 =	seq.s32 s10, $0x1;
	s10 =	sld [smem:$0x3FAF]  }
0x3d: {  	_ =	shalt  }
0x3e: {  	_ =	shalt  }
0x3f: {  	_ =	shalt  }
0x40: {  	_ =	shalt  }
0x41: {  	_ =	shalt  }
0x42: {  	_ =	shalt  }
0x43: {  	_ =	shalt  }
0x44: {  	_ =	shalt  }
0x45: {  	_ =	shalt  }
0x46: {  	_ =	shalt  }
0x47: {  	_ =	shalt  }
0x48: {  	_ =	shalt  }
0x49: {  	_ =	shalt  }
0x4a: {  	_ =	shalt  }
0x4b: {  	_ =	shalt  }
0x4c: {  	_ =	shalt  }
0x4d: {  	_ =	shalt  }
0x4e: {  	_ =	shalt  }
0x4f: {  	_ =	shalt  }
0x50: {  	_ =	shalt  }
0x51: {  	_ =	shalt  }
0x52: {  	_ =	shalt  }
0x53: {  	_ =	shalt  }
0x54: {  	_ =	shalt  }
0x55: {  	_ =	shalt  }
0x56: {  	_ =	shalt  }
0x57: {  	_ =	shalt  }
0x58: {  	_ =	shalt  }
0x59: {  	_ =	shalt  }
0x5a: {  	_ =	shalt  }
0x5b: {  	_ =	shalt  }
0x5c: {  	_ =	shalt  }
0x5d: {  	_ =	shalt  }
0x5e: {  	_ =	shalt  }
0x5f: {  	_ =	shalt  }
0x60: {  	_ =	shalt  }
0x61: {  	_ =	shalt  }
0x62: {  	_ =	shalt  }
0x63: {  	_ =	shalt  }
0x64: {  	_ =	shalt  }
0x65: {  	_ =	shalt  }
0x66: {  	_ =	shalt  }
0x67: {  	_ =	shalt  }
0x68: {  	_ =	shalt  }
0x69: {  	_ =	shalt  }
0x6a: {  	_ =	shalt  }
0x6b: {  	_ =	shalt  }
0x6c: {  	_ =	shalt  }
0x6d: {  	_ =	shalt  }
0x6e: {  	_ =	shalt  }
0x6f: {  	_ =	shalt  }
0x70: {  	_ =	shalt  }
0x71: {  	_ =	shalt  }
0x72: {  	_ =	shalt  }
0x73: {  	_ =	shalt  }
0x74: {  	_ =	shalt  }
0x75: {  	_ =	shalt  }
0x76: {  	_ =	shalt  }
0x77: {  	_ =	shalt  }
0x78: {  	_ =	shalt  }
0x79: {  	_ =	shalt  }
0x7a: {  	_ =	shalt  }
0x7b: {  	_ =	shalt  }
0x7c: {  	_ =	shalt  }
0x7d: {  	_ =	shalt  }
0x7e: {  	_ =	shalt  }
0x7f: {  	_ =	shalt  }
0x80: {  	_ =	shalt  }
0x81: {  	_ =	shalt  }
0x82: {  	_ =	shalt  }
0x83: {  	_ =	shalt  }
0x84: {  	_ =	shalt  }
0x85: {  	_ =	shalt  }
0x86: {  	_ =	shalt  }
0x87: {  	_ =	shalt  }
.Lfunc_end0:
.L_simem_size_0:
called_computation.3_lowered:
.L_overlay_start_0:
0x88: {  	s2 =	sld [smem:$0x3FD9]  }
0x89: {  	s3 =	sld [smem:$0x3FFE];
	_ =	sdelay $0x1  }
0x8a: {  	s1 =	srdreg.scid  }
0x8b: {  	s0 =	sand.u32 $0x1, s1  }
0x8c: {  	s17 =	sshll.u32 s0, $0xA;
	s2 =	sadd.s32 s3, s2  }
0x8d: {  	s2 =	sadd.s32 s2, s17  }
0x8e: {  	[smem:$0x3FBB] =	sst s2  }
0x8f: {  	_ = 	snop  }
0x90: {  	(tm) =	ssettm $0x1  }
0x91: {  	s18 =	sld [smem:$0x3FFB];
	_ =	sdelay $0x3  }
0x92: {  	_ =	strace s18  }
0x93: {  	s2 =	sld [smem:$0x3FFC];
	_ =	sdelay $0x3  }
0x94: {  	_ =	strace s2  }
0x95: {  	s2 =	sld [smem:$0x3FFD];
	_ =	sdelay $0x3  }
0x96: {  	_ =	strace s2  }
0x97: {  	_ =	strace $0x8FFFFFFF  }
0x98: {  	s19 =	sld [smem:$0x3FDB];
	_ =	sdelay $0x1  }
0x99: {  	s20 =	simm.s32 $_scs_section_size  }
0x9a: {  	s4 =	simm.s32 $_size__tile_overlayer_lowered;
	s5 =	simm.s32 $_tile_overlayer_lowered  }
0x9b: {  	s6 =	simm.s32 $0x1BFF;
	s21 =	sshll.u32 s5, $0x1;
	s3 =	sadd.s32 s20, s19  }
0x9c: {  	s22 =	simm.s32 $0x0;
	s4 =	sshll.u32 s4, $0x1;
	s5 =	sadd.s32 s21, s3  }
0x9d: {  	[timem:s22], [sflag:s6] =	dma.local [hbm:s5], s4  }
0x9e: {  	_ =	swait.ge [sflag:s6], s4  }
0x9f: {  	s4 =	ssub.s32 $0x0, s4;
	[sflag:s6] =	ssyncset.done $0x0  }
0xa0: {  	[sflag:s6] =	ssyncadd.s32 s4;
	_ =	sdelay $0x1  }
0xa1: {  	s23 =	simm.s32 $0x1B8B  }
0xa2: {  	_ =	swait.ge [sflag:s23], $0x1  }
0xa3: {  	[sflag:s23] =	ssyncset.done $0x0  }
0xa4: {  	[sflag:s23] =	ssyncadd.s32 $0xFFFFFFFF  }
0xa5: {  	s4 =	sld [smem:$0x0]  }
0xa6: {  	s5 =	sand.u32 $0xFFFFFFFE, s1  }
0xa7: {  	p0 =	sne.s32 s1, s5  }
0xa8: {  	s5 =	sshll.u32 @p0 s5, $0xE  }
0xa9: {  	s5 =	sadd.s32 @p0 $0x11B8D, s5;
	s6 =	sshll.u32 @p0 s4, $0x11  }
0xaa: {  	s5 =	sor.u32 @p0 s6, s5  }
0xab: {  	[sflag:s5] =	ssyncadd.remote.s32 @p0 $0x1;
	_ =	sdelay $0x1  }
0xac: {  	s5 =	simm.s32 @p0 $0x1B8D  }
0xad: {  	_ =	swait.eq @p0 [sflag:s5], $0x1  }
0xae: {  	[sflag:s5] =	ssyncadd.s32 @p0 $0xFFFFFFFF  }
0xaf: {  	s6 =	sshll.u32 @!p0 s1, $0xE  }
0xb0: {  	s6 =	sor.u32 @!p0 $0x4000, s6;
	s5 =	simm.s32 @!p0 $0x1B8D  }
0xb1: {  	s4 =	sshll.u32 @!p0 s4, $0x11;
	s6 =	sadd.s32 @!p0 $0x11B8D, s6;
	_ =	swait.eq @!p0 [sflag:s5], $0x1  }
0xb2: {  	s4 =	sor.u32 @!p0 s4, s6;
	[sflag:s5] =	ssyncadd.s32 @!p0 $0xFFFFFFFF  }
0xb3: {  	s25 =	simm.s32 $0x1B8E;
	s24 =	sld [smem:$0x3FFE];
	[sflag:s4] =	ssyncadd.remote.s32 @!p0 $0x1  }
0xb4: {  	s26 =	simm.s32 $execute0_lowered;
	[smem:$0x3FD2] =	sst s25  }
0xb5: {  	s5 =	sshll.u32 s26, $0x1;
	_ =	strace $0x8000004F;
	[dreg:$0x1] =	wrdreg $0xFFFFFFFF  }
0xb6: {  	s28 =	simm.s32 $_size_execute0_lowered;
	s3 =	sadd.s32 s3, s5;
	[dreg:$0x0] =	wrdreg $0x0  }
0xb7: {  	s5 =	sshll.u32 s28, $0x1;
	[dreg:$0x2] =	wrdreg s3  }
0xb8: {  	[dreg:$0x3] =	wrdreg s5  }
0xb9: {  	[dreg:$0x4] =	wrdreg $0xC0  }
0xba: {  	_ =	task [dreg:s22], $0x5FFFF  }
0xbb: {  	[dreg:$0x1] =	wrdreg $0xFFFFFFFF  }
0xbc: {  	[dreg:$0x0] =	wrdreg $0x60  }
0xbd: {  	[dreg:$0x2] =	wrdreg s24  }
0xbe: {  	[dreg:$0x3] =	wrdreg $0xC  }
0xbf: {  	_ =	task.clear_ibuf [dreg:s22], $0x4FFFF;
	_ =	strace $0x9000004F  }
0xc0: {  	s29 =	simm.s32 $0xC;
	_ =	strace $0x80000051  }
0xc1: {  	_ =	swait.ge [sflag:s29], $0x1  }
0xc2: {  	[sflag:s29] =	ssyncadd.s32 $0xFFFFFFFF  }
0xc3: {  	_ =	strace $0x90000051  }
0xc4: {  	_ =	sfence  }
0xc5: {  	s30 =	sld [smem:$0x0];
	_ =	sdelay $0x2  }
0xc6: {  	s31 =	sshll.u32 s1, $0xD;
	s1 =	sshrl.u32 s1, $0x2  }
0xc7: {  	s4 =	sand.u32 $0x4000, s31;
	s1 =	sadd.s32 s1, s30  }
0xc8: {  	s0 =	sor.u32 s4, s0;
	s1 =	sshll.u32 s1, $0x11  }
0xc9: {  	s0 =	sor.u32 s1, s0  }
0xca: {  	s0 =	sadd.s32 $0x8F2B, s0  }
0xcb: {  	[sflag:s0] =	ssyncadd.remote.s32 $0x1  }
0xcc: {  	_ =	sfence.sel $0xFFFF  }
0xcd: {  	[dreg:$0x0] =	wrdreg $0xFFFFFFFF;
	(pc) =	sbr.abs _section_cstart, $3  }
0xce: {  	[dreg:$0x1] =	wrdreg $0xFFFFFFFF  }
0xcf: {  	_ =	task.clear_ibuf [dreg:s22], $0x2FFFF;
	_ =	strace $0x9FFFFFFF  }
0xd0: {  	(tm) =	ssettm $0x7FFFFFFF  }
0xd1: {  	_ =	shalt  }
tec
execute0_lowered:
.L_overlay_start_1:
0x0: {  	(tag) =	ssettag $0x1  }
0x1: {  	s5 =	rddreg [dreg:$0x0]  }
0x2: {  	s0 =	rddreg [dreg:$0x1];
	s2 =	simm.s32 $0x0;
	s3 =	srdreg.scid  }
0x3: {  	s1 =	stileid.u32;
	s12 =	simm.s32 $0x50;
	s13 =	simm.s32 $0x100  }
0x4: {  	s14 =	simm.s32 $0x2900;
	s15 =	simm.s32 $0x1;
	s7 =	smul.u32 $0x1180, s1  }
0x5: {  	s16 =	simm.s32 $0x0;
	s6 =	sand.u32 $0x1, s3;
	s9 =	smul.u32 $0x11800, s1  }
0x6: {  	[smem:$0x7FF] =	sst s2;
	s3 =	sadd.s32 $0x4E00, s5;
	s8 =	smul.u32 $0x8C0, s6  }
0x7: {  	s4 =	sadd.s32 $0x2C000, s5;
	s29 =	ssub.s32 $0x2, s6;
	s6 =	smul.u32 $0x8C00, s6  }
0x8: {  	_ =	strace $0x80000050;
	s9 =	sadd.s32 s9, s5;
	s10 =	sshrl.u32 s29, $0x1  }
0x9: {  	s7 =	sadd.s32 s8, s7;
	s30 =	ssub.s32 s29, s10;
	s31 =	sadd.s32 s6, s9  }
0xa: {  	s10 =	simm.s32 $0x2;
	s7 =	sshrl.u32 s7, $0x3;
	s6 =	sadd.s32 $0x547200, s31  }
0xb: {  	s11 =	sadd.s32 s7, s5;
	s5 =	smax.u32 s30, $0x1;
	s7 =	sadd.s32 $0x65F200, s31  }
0xc: {  	s8 =	sadd.s32 $0xDE200, s11;
	s9 =	sadd.s32 $0xE0600, s11;
	s11 =	simm.s32 $0x80  }
.LBB2_1:
0xd: {  	s17 =	sadd.s32 $0x0, s9  }
0xe: {  	[tilespmem:s2], [sflag:$0x2] =	stream.linear.gather [hbm4b:s17+s2], $0x50, $0x38;
	[tilespmem:$0x5100] =	vst v63  }
0xf: {  	_ =	swait.ge [sflag:s10], $0x50  }
0x10: {  	[sflag:s10] =	ssyncset.done $0x0  }
0x11: {  	s31 =	sadd.s32 $0x0, s8;
	[sflag:s10] =	ssyncadd.s32 $0xFFFFFFB0  }
0x12: {  	[tilespmem:s11], [sflag:$0x2] =	stream.linear.gather [hbm4b:s31+s2], $0x50, $0x38;
	[tilespmem:$0x5100] =	vst v63  }
0x13: {  	_ =	swait.ge [sflag:s10], $0x50  }
0x14: {  	[sflag:s10] =	ssyncset.done $0x0  }
0x15: {  	[sflag:s10] =	ssyncadd.s32 $0xFFFFFFB0  }
0x16: {  	[tilespmem:s13], [sflag:$0x1] =	stream.indirect.gather [hbm4b:s3+s12], $0x80, s2, s12, $0xb8;
	[tilespmem:$0x5100] =	vst v63  }
0x17: {  	_ = 	snop  }
0x18: {  	[tilespmem:s14], [sflag:$0x1] =	stream.indirect.gather [hbm4b:s4+s12], $0x80, s11, s12, $0xb8;
	[tilespmem:$0x5100] =	vst v63  }
0x19: {  	_ =	swait.ge [sflag:s15], $0x2800  }
0x1a: {  	[sflag:s15] =	ssyncset.done $0x0  }
0x1b: {  	[sflag:s15] =	ssyncadd.s32 $0xFFFFD800  }
0x1c: {  	_ =	swait.ge [sflag:s15], $0x2800  }
0x1d: {  	[sflag:s15] =	ssyncset.done $0x0  }
0x1e: {  	[sflag:s15] =	ssyncadd.s32 $0xFFFFD800  }
0x1f: {  	[hbm4b:s6+s2] =	stream.linear.scatter [tilespmem:s13], [sflag:$0x2], $0x2800, $0x38;
	[tilespmem:$0x5100] =	vst v63  }
0x20: {  	_ =	swait.ge [sflag:s10], $0x2800  }
0x21: {  	[sflag:s10] =	ssyncset.done $0x0  }
0x22: {  	[sflag:s10] =	ssyncadd.s32 $0xFFFFD800  }
0x23: {  	[hbm4b:s7+s2] =	stream.linear.scatter [tilespmem:s14], [sflag:$0x2], $0x2800, $0x38;
	[tilespmem:$0x5100] =	vst v63  }
0x24: {  	s19 =	simm.s32 $0xA;
	s20 =	simm.s32 $0x14;
	_ =	swait.ge [sflag:s10], $0x2800  }
0x25: {  	s18 =	sadd.s32 $0x500, s6;
	s17 =	sadd.s32 $0x500, s7;
	[sflag:s10] =	ssyncset.done $0x0  }
.LBB2_2:
0x26: {  	s21 =	sadd.s32 s19, s9  }
0x27: {  	[sflag:s10] =	ssyncadd.s32 $0xFFFFD800;
	s22 =	smov.u32 s20;
	s23 =	sadd.s32 $0xA, s20  }
0x28: {  	[tilespmem:s2], [sflag:$0x2] =	stream.linear.gather [hbm4b:s21+s2], $0x50, $0x38;
	[tilespmem:$0x5100] =	vst v63  }
0x29: {  	p0 =	sne.s32 s20, $0x10E;
	_ =	swait.ge [sflag:s10], $0x50  }
0x2a: {  	[sflag:s10] =	ssyncset.done $0x0  }
0x2b: {  	s20 =	sadd.s32 s19, s8;
	s19 =	smov.u32 s22;
	[sflag:s10] =	ssyncadd.s32 $0xFFFFFFB0  }
0x2c: {  	[tilespmem:s11], [sflag:$0x2] =	stream.linear.gather [hbm4b:s20+s2], $0x50, $0x38;
	[tilespmem:$0x5100] =	vst v63  }
0x2d: {  	_ =	swait.ge [sflag:s10], $0x50  }
0x2e: {  	[sflag:s10] =	ssyncset.done $0x0  }
0x2f: {  	[sflag:s10] =	ssyncadd.s32 $0xFFFFFFB0  }
0x30: {  	[tilespmem:s13], [sflag:$0x1] =	stream.indirect.gather [hbm4b:s3+s12], $0x80, s2, s12, $0xb8;
	[tilespmem:$0x5100] =	vst v63  }
0x31: {  	_ = 	snop  }
0x32: {  	[tilespmem:s14], [sflag:$0x1] =	stream.indirect.gather [hbm4b:s4+s12], $0x80, s11, s12, $0xb8;
	[tilespmem:$0x5100] =	vst v63  }
0x33: {  	_ =	swait.ge [sflag:s15], $0x2800  }
0x34: {  	[sflag:s15] =	ssyncset.done $0x0  }
0x35: {  	[sflag:s15] =	ssyncadd.s32 $0xFFFFD800  }
0x36: {  	_ =	swait.ge [sflag:s15], $0x2800  }
0x37: {  	[sflag:s15] =	ssyncset.done $0x0  }
0x38: {  	[sflag:s15] =	ssyncadd.s32 $0xFFFFD800  }
0x39: {  	[hbm4b:s18+s2] =	stream.linear.scatter [tilespmem:s13], [sflag:$0x2], $0x2800, $0x38;
	[tilespmem:$0x5100] =	vst v63  }
0x3a: {  	_ =	swait.ge [sflag:s10], $0x2800  }
.Ltmp0:
0x3b: {  	[sflag:s10] =	ssyncset.done $0x0;
	(pc) =	sbr.rel @p0 .LBB2_2-.Ltmp0, $4  }
0x3c: {  	[sflag:s10] =	ssyncadd.s32 $0xFFFFD800  }
0x3d: {  	[hbm4b:s17+s2] =	stream.linear.scatter [tilespmem:s14], [sflag:$0x2], $0x2800, $0x38;
	[tilespmem:$0x5100] =	vst v63  }
0x3e: {  	s20 =	smov.u32 s23;
	_ =	swait.ge [sflag:s10], $0x2800  }
0x3f: {  	s18 =	sadd.s32 $0x500, s18;
	s17 =	sadd.s32 $0x500, s17;
	[sflag:s10] =	ssyncset.done $0x0  }
0x40: {  	s20 =	sadd.s32 s19, s9;
	[sflag:s10] =	ssyncadd.s32 $0xFFFFD800  }
0x41: {  	[tilespmem:s2], [sflag:$0x2] =	stream.linear.gather [hbm4b:s20+s2], $0x50, $0x38;
	[tilespmem:$0x5100] =	vst v63  }
0x42: {  	_ =	swait.ge [sflag:s10], $0x50  }
0x43: {  	[sflag:s10] =	ssyncset.done $0x0  }
0x44: {  	s31 =	sadd.s32 s19, s8;
	[sflag:s10] =	ssyncadd.s32 $0xFFFFFFB0  }
0x45: {  	[tilespmem:s11], [sflag:$0x2] =	stream.linear.gather [hbm4b:s31+s2], $0x50, $0x38;
	[tilespmem:$0x5100] =	vst v63  }
0x46: {  	_ =	swait.ge [sflag:s10], $0x50  }
0x47: {  	[sflag:s10] =	ssyncset.done $0x0  }
0x48: {  	[sflag:s10] =	ssyncadd.s32 $0xFFFFFFB0  }
0x49: {  	[tilespmem:s13], [sflag:$0x1] =	stream.indirect.gather [hbm4b:s3+s12], $0x80, s2, s12, $0xb8;
	[tilespmem:$0x5100] =	vst v63  }
0x4a: {  	_ = 	snop  }
0x4b: {  	[tilespmem:s14], [sflag:$0x1] =	stream.indirect.gather [hbm4b:s4+s12], $0x80, s11, s12, $0xb8;
	[tilespmem:$0x5100] =	vst v63  }
0x4c: {  	_ =	swait.ge [sflag:s15], $0x2800  }
0x4d: {  	[sflag:s15] =	ssyncset.done $0x0  }
0x4e: {  	[sflag:s15] =	ssyncadd.s32 $0xFFFFD800  }
0x4f: {  	_ =	swait.ge [sflag:s15], $0x2800  }
0x50: {  	[sflag:s15] =	ssyncset.done $0x0  }
0x51: {  	[sflag:s15] =	ssyncadd.s32 $0xFFFFD800  }
0x52: {  	[hbm4b:s18+s2] =	stream.linear.scatter [tilespmem:s13], [sflag:$0x2], $0x2800, $0x38;
	[tilespmem:$0x5100] =	vst v63  }
0x53: {  	s16 =	sadd.s32 $0x1, s16;
	_ =	swait.ge [sflag:s10], $0x2800  }
0x54: {  	p0 =	sne.s32 s16, s5;
	[sflag:s10] =	ssyncset.done $0x0  }
.Ltmp1:
0x55: {  	[sflag:s10] =	ssyncadd.s32 $0xFFFFD800;
	(pc) =	sbr.rel @p0 .LBB2_1-.Ltmp1, $4  }
0x56: {  	[hbm4b:s17+s2] =	stream.linear.scatter [tilespmem:s14], [sflag:$0x2], $0x2800, $0x38;
	[tilespmem:$0x5100] =	vst v63  }
0x57: {  	_ =	swait.ge [sflag:s10], $0x2800  }
0x58: {  	[sflag:s10] =	ssyncset.done $0x0  }
0x59: {  	[sflag:s10] =	ssyncadd.s32 $0xFFFFD800  }
0x5a: {  	_ =	sfence.sel $0x180000  }
0x5b: {  	[bflag:$0x0] =	sbarrier.arrive $0xFFFF  }
0x5c: {  	p0 =	sne.s32 s1, $0x0;
	_ =	strace $0x90000050  }
0x5d: {  	s0 =	sadd.s32 @!p0 $0x100000, s0;
	[bflag:$0x2] =	sbarrier.arrive $0xFFFF  }
0x5e: {  	[sflag:s0] =	ssyncadd.tile.s32 @!p0 $0x1;
	_ =	shalt  }
.Lfunc_end2:
_tile_overlayer_lowered:
.L_overlay_start_2:
0x5f: {  	(tag) =	ssettag $0x2  }
0x60: {  	s0 =	rddreg [dreg:$0x0];
	s2 =	stileid.u32  }
0x61: {  	s1 =	rddreg [dreg:$0x1];
	p0 =	sne.s32 s2, $0x0  }
0x62: {  	s3 =	rddreg [dreg:$0x2];
	[bflag:$0x3] =	sbarrier.arrive $0xFFFF;
	s2 =	simm.s32 @!p0 $0x1C02  }
0x63: {  	[timem:s3], [sflag:s2] =	dma.local @!p0 [hbm:s0], s1  }
0x64: {  	s0 =	simm.s32 @!p0 $0x2  }
0x65: {  	_ =	swait.ge @!p0 [sflag:s0], s1  }
0x66: {  	s1 =	ssub.s32 @!p0 $0x0, s1;
	[sflag:s0] =	ssyncset.done @!p0 $0x0  }
0x67: {  	[sflag:s0] =	ssyncadd.s32 @!p0 s1  }
0x68: {  	[bflag:$0x3] =	sbarrier.arrive $0xFFFF  }
0x69: {  	_ =	shalt  }

// kernel: kernel.25.cloned.1.call-start
scs
__scs_entry_jumppad:
0x0: {  	(pc) =	sbr.rel $0x88, $3  }
0x1: {  	(tag) =	ssettag $0x0;
	lr =	simm.s32 $0x1  }
0x2: {  	[smem:$0x3F94] =	sst lr;
	_ =	strace $0xD0000000  }
0x3: {  	_ = 	snop  }
0x4: {  	_ = 	snop  }
0x5: {  	_ = 	snop  }
0x6: {  	_ = 	snop  }
0x7: {  	_ = 	snop  }
__scs_overlays_trampoline_lowered:
0x8: {  	[smem:$0x3FA3] =	sst s0  }
0x9: {  	[smem:$0x3FA4] =	sst s1  }
0xa: {  	[smem:$0x3FA5] =	sst s2  }
0xb: {  	[smem:$0x3FA6] =	sst s3  }
0xc: {  	[smem:$0x3FA7] =	sst s4  }
0xd: {  	[smem:$0x3FA8] =	sst s5  }
0xe: {  	[smem:$0x3FA9] =	sst s6  }
0xf: {  	[smem:$0x3FAA] =	sst s7  }
0x10: {  	[smem:$0x3FAB] =	sst s8  }
0x11: {  	[smem:$0x3FAC] =	sst s9;
	s0 =	simm.s32 @!p0 $0x0  }
0x12: {  	s1 =	sld [smem:$0x3F92];
	s0 =	simm.s32 @p0 $0x1  }
0x13: {  	[smem:$0x3FAD] =	sst s0;
	s0 =	simm.s32 @!p1 $0x0  }
0x14: {  	s2 =	sld [smem:$0x3F91];
	s0 =	simm.s32 @p1 $0x1  }
0x15: {  	[smem:$0x3FAE] =	sst s0;
	s0 =	simm.s32 @!p2 $0x0  }
0x16: {  	s3 =	sld [smem:$0x3FDB];
	s0 =	simm.s32 @p2 $0x1  }
0x17: {  	s4 =	simm.s32 $0x1BF5;
	[smem:$0x3FB0] =	sst s0  }
0x18: {  	s0 =	sld [smem:$0x3F93];
	_ =	swait.ge [sflag:s4], $0x0  }
0x19: {  	s7 =	sld [smem:$0x3F94]  }
0x1a: {  	s8 =	sadd.s32 $0xFFFFE003, lr  }
0x1b: {  	s9 =	sadd.s32 $0xFFFFFEF7, lr;
	s5 =	simm.s32 $0xFFFFFFFF;
	p2 =	slt.u32 s8, $0xFFFFF086  }
0x1c: {  	p1 =	slt.u32 s9, $0xF7A;
	s5 =	simm.s32 @!p2 $0x0  }
0x1d: {  	s5 =	simm.s32 @p1 $0x1;
	p0 =	seq.s32 s7, s2  }
0x1e: {  	s7 =	smul.u32 @!p0 $0xF7A, s2;
	p2 =	seq.s32 @!p0 s5, $0x0  }
0x1f: {  	s9 =	smul.u32 $0xF7A, s1;
	s8 =	simm.s32 @!p0 $0x1BF5;
	p2 =	por !p2, p0  }
0x20: {  	[sflag:s8] =	ssyncset.s32 @!p0 $0xFFFFF086;
	s6 =	sadd.s32 @!p0 s3, s7;
	s7 =	simm.s32 @!p0 $0x108  }
0x21: {  	s3 =	sadd.s32 s3, s9;
	s6 =	sadd.s32 @!p0 $0x88, s6;
	s7 =	simm.s32 @p2 $0x1082  }
0x22: {  	[simem:s7], [sflag:s8] =	dma.local @!p0 [hbm:s6], $0xF7A  }
0x23: {  	s9 =	sor.u32 $0xD0000000, s2;
	s6 =	simm.s32 $0x108;
	_ =	swait.ge @!p0 [sflag:s8], $0x0  }
0x24: {  	s3 =	sadd.s32 $0x88, s3;
	s6 =	simm.s32 @!p1 $0x1082;
	[sflag:s4] =	ssyncset.s32 $0xFFFFF086  }
0x25: {  	[simem:s6], [sflag:s4] =	dma.local [hbm:s3], $0xF7A  }
0x26: {  	[smem:$0x3F94] =	sst s1;
	(tag) =	ssettag s2;
	_ =	strace s9  }
0x27: {  	s1 =	sld [smem:$0x3FA4]  }
0x28: {  	s2 =	sld [smem:$0x3FA5]  }
0x29: {  	s4 =	sld [smem:$0x3FA7]  }
0x2a: {  	p0 =	seq.s32 s5, $0x0;
	s5 =	sld [smem:$0x3FA8]  }
0x2b: {  	s6 =	sld [smem:$0x3FA9]  }
0x2c: {  	s7 =	sld [smem:$0x3FAA]  }
0x2d: {  	s3 =	simm.s32 $0x108;
	s8 =	sld [smem:$0x3FAB]  }
0x2e: {  	s3 =	simm.s32 @!p0 $0x1082;
	s9 =	sld [smem:$0x3FAC]  }
0x2f: {  	lr =	sadd.s32 s0, s3;
	s0 =	sld [smem:$0x3FA3]  }
0x30: {  	s3 =	sld [smem:$0x3FA6]  }
0x31: {  	[smem:$0x3FAF] =	sst s10  }
0x32: {  	s10 =	sld [smem:$0x3FAD];
	_ =	sdelay $0x3  }
0x33: {  	p0 =	seq.s32 s10, $0x1;
	s10 =	sld [smem:$0x3FAF];
	_ =	sdelay $0x3  }
0x34: {  	[smem:$0x3FAF] =	sst s10  }
0x35: {  	s10 =	sld [smem:$0x3FAE];
	_ =	sdelay $0x3  }
0x36: {  	p1 =	seq.s32 s10, $0x1;
	s10 =	sld [smem:$0x3FAF];
	_ =	sdelay $0x3  }
0x37: {  	[smem:$0x3FAF] =	sst s10  }
0x38: {  	s10 =	sld [smem:$0x3FB0]  }
0x39: {  	_ = 	snop;
	(pc) =	sbr.ind lr, $3  }
0x3a: {  	_ = 	snop  }
0x3b: {  	_ = 	snop  }
0x3c: {  	p2 =	seq.s32 s10, $0x1;
	s10 =	sld [smem:$0x3FAF]  }
0x3d: {  	_ =	shalt  }
0x3e: {  	_ =	shalt  }
0x3f: {  	_ =	shalt  }
0x40: {  	_ =	shalt  }
0x41: {  	_ =	shalt  }
0x42: {  	_ =	shalt  }
0x43: {  	_ =	shalt  }
0x44: {  	_ =	shalt  }
0x45: {  	_ =	shalt  }
0x46: {  	_ =	shalt  }
0x47: {  	_ =	shalt  }
0x48: {  	_ =	shalt  }
0x49: {  	_ =	shalt  }
0x4a: {  	_ =	shalt  }
0x4b: {  	_ =	shalt  }
0x4c: {  	_ =	shalt  }
0x4d: {  	_ =	shalt  }
0x4e: {  	_ =	shalt  }
0x4f: {  	_ =	shalt  }
0x50: {  	_ =	shalt  }
0x51: {  	_ =	shalt  }
0x52: {  	_ =	shalt  }
0x53: {  	_ =	shalt  }
0x54: {  	_ =	shalt  }
0x55: {  	_ =	shalt  }
0x56: {  	_ =	shalt  }
0x57: {  	_ =	shalt  }
0x58: {  	_ =	shalt  }
0x59: {  	_ =	shalt  }
0x5a: {  	_ =	shalt  }
0x5b: {  	_ =	shalt  }
0x5c: {  	_ =	shalt  }
0x5d: {  	_ =	shalt  }
0x5e: {  	_ =	shalt  }
0x5f: {  	_ =	shalt  }
0x60: {  	_ =	shalt  }
0x61: {  	_ =	shalt  }
0x62: {  	_ =	shalt  }
0x63: {  	_ =	shalt  }
0x64: {  	_ =	shalt  }
0x65: {  	_ =	shalt  }
0x66: {  	_ =	shalt  }
0x67: {  	_ =	shalt  }
0x68: {  	_ =	shalt  }
0x69: {  	_ =	shalt  }
0x6a: {  	_ =	shalt  }
0x6b: {  	_ =	shalt  }
0x6c: {  	_ =	shalt  }
0x6d: {  	_ =	shalt  }
0x6e: {  	_ =	shalt  }
0x6f: {  	_ =	shalt  }
0x70: {  	_ =	shalt  }
0x71: {  	_ =	shalt  }
0x72: {  	_ =	shalt  }
0x73: {  	_ =	shalt  }
0x74: {  	_ =	shalt  }
0x75: {  	_ =	shalt  }
0x76: {  	_ =	shalt  }
0x77: {  	_ =	shalt  }
0x78: {  	_ =	shalt  }
0x79: {  	_ =	shalt  }
0x7a: {  	_ =	shalt  }
0x7b: {  	_ =	shalt  }
0x7c: {  	_ =	shalt  }
0x7d: {  	_ =	shalt  }
0x7e: {  	_ =	shalt  }
0x7f: {  	_ =	shalt  }
0x80: {  	_ =	shalt  }
0x81: {  	_ =	shalt  }
0x82: {  	_ =	shalt  }
0x83: {  	_ =	shalt  }
0x84: {  	_ =	shalt  }
0x85: {  	_ =	shalt  }
0x86: {  	_ =	shalt  }
0x87: {  	_ =	shalt  }
.Lfunc_end0:
.L_simem_size_0:
called_computation.4_lowered:
.L_overlay_start_0:
0x88: {  	s2 =	sld [smem:$0x3FD9]  }
0x89: {  	s3 =	sld [smem:$0x3FFE];
	_ =	sdelay $0x1  }
0x8a: {  	s1 =	srdreg.scid  }
0x8b: {  	s0 =	sand.u32 $0x1, s1  }
0x8c: {  	s17 =	sshll.u32 s0, $0xA;
	s2 =	sadd.s32 s3, s2  }
0x8d: {  	s2 =	sadd.s32 s2, s17  }
0x8e: {  	[smem:$0x3FBB] =	sst s2  }
0x8f: {  	_ = 	snop  }
0x90: {  	(tm) =	ssettm $0x1  }
0x91: {  	s18 =	sld [smem:$0x3FFB];
	_ =	sdelay $0x3  }
0x92: {  	_ =	strace s18  }
0x93: {  	s2 =	sld [smem:$0x3FFC];
	_ =	sdelay $0x3  }
0x94: {  	_ =	strace s2  }
0x95: {  	s2 =	sld [smem:$0x3FFD];
	_ =	sdelay $0x3  }
0x96: {  	_ =	strace s2  }
0x97: {  	_ =	strace $0x8FFFFFFF  }
0x98: {  	s19 =	sld [smem:$0x3FDB];
	_ =	sdelay $0x1  }
0x99: {  	s20 =	simm.s32 $_scs_section_size  }
0x9a: {  	s4 =	simm.s32 $_size__tile_overlayer_lowered;
	s5 =	simm.s32 $_tile_overlayer_lowered  }
0x9b: {  	s6 =	simm.s32 $0x1BFF;
	s21 =	sshll.u32 s5, $0x1;
	s3 =	sadd.s32 s20, s19  }
0x9c: {  	s22 =	simm.s32 $0x0;
	s4 =	sshll.u32 s4, $0x1;
	s5 =	sadd.s32 s21, s3  }
0x9d: {  	[timem:s22], [sflag:s6] =	dma.local [hbm:s5], s4  }
0x9e: {  	_ =	swait.ge [sflag:s6], s4  }
0x9f: {  	s4 =	ssub.s32 $0x0, s4;
	[sflag:s6] =	ssyncset.done $0x0  }
0xa0: {  	[sflag:s6] =	ssyncadd.s32 s4;
	_ =	sdelay $0x1  }
0xa1: {  	s23 =	simm.s32 $0x1B8B  }
0xa2: {  	_ =	swait.ge [sflag:s23], $0x1  }
0xa3: {  	[sflag:s23] =	ssyncset.done $0x0  }
0xa4: {  	[sflag:s23] =	ssyncadd.s32 $0xFFFFFFFF  }
0xa5: {  	s4 =	sld [smem:$0x0]  }
0xa6: {  	s5 =	sand.u32 $0xFFFFFFFE, s1  }
0xa7: {  	p0 =	sne.s32 s1, s5  }
0xa8: {  	s5 =	sshll.u32 @p0 s5, $0xE  }
0xa9: {  	s5 =	sadd.s32 @p0 $0x11B8D, s5;
	s6 =	sshll.u32 @p0 s4, $0x11  }
0xaa: {  	s5 =	sor.u32 @p0 s6, s5  }
0xab: {  	[sflag:s5] =	ssyncadd.remote.s32 @p0 $0x1;
	_ =	sdelay $0x1  }
0xac: {  	s5 =	simm.s32 @p0 $0x1B8D  }
0xad: {  	_ =	swait.eq @p0 [sflag:s5], $0x1  }
0xae: {  	[sflag:s5] =	ssyncadd.s32 @p0 $0xFFFFFFFF  }
0xaf: {  	s6 =	sshll.u32 @!p0 s1, $0xE  }
0xb0: {  	s6 =	sor.u32 @!p0 $0x4000, s6;
	s5 =	simm.s32 @!p0 $0x1B8D  }
0xb1: {  	s4 =	sshll.u32 @!p0 s4, $0x11;
	s6 =	sadd.s32 @!p0 $0x11B8D, s6;
	_ =	swait.eq @!p0 [sflag:s5], $0x1  }
0xb2: {  	s4 =	sor.u32 @!p0 s4, s6;
	[sflag:s5] =	ssyncadd.s32 @!p0 $0xFFFFFFFF  }
0xb3: {  	s25 =	simm.s32 $0x1B8E;
	s24 =	sld [smem:$0x3FFE];
	[sflag:s4] =	ssyncadd.remote.s32 @!p0 $0x1  }
0xb4: {  	s26 =	simm.s32 $execute0_lowered;
	[smem:$0x3FD2] =	sst s25  }
0xb5: {  	s5 =	sshll.u32 s26, $0x1;
	_ =	strace $0x80000052;
	[dreg:$0x1] =	wrdreg $0xFFFFFFFF  }
0xb6: {  	s28 =	simm.s32 $_size_execute0_lowered;
	s3 =	sadd.s32 s3, s5;
	[dreg:$0x0] =	wrdreg $0x0  }
0xb7: {  	s5 =	sshll.u32 s28, $0x1;
	[dreg:$0x2] =	wrdreg s3  }
0xb8: {  	[dreg:$0x3] =	wrdreg s5  }
0xb9: {  	[dreg:$0x4] =	wrdreg $0xC0  }
0xba: {  	_ =	task [dreg:s22], $0x5FFFF  }
0xbb: {  	[dreg:$0x1] =	wrdreg $0xFFFFFFFF  }
0xbc: {  	[dreg:$0x0] =	wrdreg $0x60  }
0xbd: {  	[dreg:$0x2] =	wrdreg s24  }
0xbe: {  	[dreg:$0x3] =	wrdreg $0xD  }
0xbf: {  	_ =	task.clear_ibuf [dreg:s22], $0x4FFFF;
	_ =	strace $0x90000052  }
0xc0: {  	s29 =	simm.s32 $0xD;
	_ =	strace $0x80000054  }
0xc1: {  	_ =	swait.ge [sflag:s29], $0x1  }
0xc2: {  	[sflag:s29] =	ssyncadd.s32 $0xFFFFFFFF  }
0xc3: {  	_ =	strace $0x90000054  }
0xc4: {  	_ =	sfence  }
0xc5: {  	s30 =	sld [smem:$0x0];
	_ =	sdelay $0x2  }
0xc6: {  	s31 =	sshll.u32 s1, $0xD;
	s1 =	sshrl.u32 s1, $0x2  }
0xc7: {  	s4 =	sand.u32 $0x4000, s31;
	s1 =	sadd.s32 s1, s30  }
0xc8: {  	s0 =	sor.u32 s4, s0;
	s1 =	sshll.u32 s1, $0x11  }
0xc9: {  	s0 =	sor.u32 s1, s0  }
0xca: {  	s0 =	sadd.s32 $0x8F2B, s0  }
0xcb: {  	[sflag:s0] =	ssyncadd.remote.s32 $0x1  }
0xcc: {  	_ =	sfence.sel $0xFFFF  }
0xcd: {  	[dreg:$0x0] =	wrdreg $0xFFFFFFFF;
	(pc) =	sbr.abs _section_cstart, $3  }
0xce: {  	[dreg:$0x1] =	wrdreg $0xFFFFFFFF  }
0xcf: {  	_ =	task.clear_ibuf [dreg:s22], $0x2FFFF;
	_ =	strace $0x9FFFFFFF  }
0xd0: {  	(tm) =	ssettm $0x7FFFFFFF  }
0xd1: {  	_ =	shalt  }
tec
execute0_lowered:
.L_overlay_start_1:
0x0: {  	(tag) =	ssettag $0x1  }
0x1: {  	s5 =	rddreg [dreg:$0x0]  }
0x2: {  	s0 =	rddreg [dreg:$0x1];
	s2 =	simm.s32 $0x0;
	s3 =	srdreg.scid  }
0x3: {  	s1 =	stileid.u32;
	s12 =	simm.s32 $0x50;
	s13 =	simm.s32 $0x100  }
0x4: {  	s14 =	simm.s32 $0x2900;
	s15 =	simm.s32 $0x1;
	s7 =	smul.u32 $0x1180, s1  }
0x5: {  	s16 =	simm.s32 $0x0;
	s6 =	sand.u32 $0x1, s3;
	s9 =	smul.u32 $0x11800, s1  }
0x6: {  	[smem:$0x7FF] =	sst s2;
	s3 =	sadd.s32 $0x4E00, s5;
	s8 =	smul.u32 $0x8C0, s6  }
0x7: {  	s4 =	sadd.s32 $0x2C000, s5;
	s29 =	ssub.s32 $0x2, s6;
	s6 =	smul.u32 $0x8C00, s6  }
0x8: {  	_ =	strace $0x80000053;
	s9 =	sadd.s32 s9, s5;
	s10 =	sshrl.u32 s29, $0x1  }
0x9: {  	s7 =	sadd.s32 s8, s7;
	s30 =	ssub.s32 s29, s10;
	s31 =	sadd.s32 s6, s9  }
0xa: {  	s10 =	simm.s32 $0x2;
	s7 =	sshrl.u32 s7, $0x3;
	s6 =	sadd.s32 $0x777200, s31  }
0xb: {  	s11 =	sadd.s32 s7, s5;
	s5 =	smax.u32 s30, $0x1;
	s7 =	sadd.s32 $0x88F200, s31  }
0xc: {  	s8 =	sadd.s32 $0xE2A00, s11;
	s9 =	sadd.s32 $0xE4E00, s11;
	s11 =	simm.s32 $0x80  }
.LBB2_1:
0xd: {  	s17 =	sadd.s32 $0x0, s9  }
0xe: {  	[tilespmem:s2], [sflag:$0x2] =	stream.linear.gather [hbm4b:s17+s2], $0x50, $0x38;
	[tilespmem:$0x5100] =	vst v63  }
0xf: {  	_ =	swait.ge [sflag:s10], $0x50  }
0x10: {  	[sflag:s10] =	ssyncset.done $0x0  }
0x11: {  	s31 =	sadd.s32 $0x0, s8;
	[sflag:s10] =	ssyncadd.s32 $0xFFFFFFB0  }
0x12: {  	[tilespmem:s11], [sflag:$0x2] =	stream.linear.gather [hbm4b:s31+s2], $0x50, $0x38;
	[tilespmem:$0x5100] =	vst v63  }
0x13: {  	_ =	swait.ge [sflag:s10], $0x50  }
0x14: {  	[sflag:s10] =	ssyncset.done $0x0  }
0x15: {  	[sflag:s10] =	ssyncadd.s32 $0xFFFFFFB0  }
0x16: {  	[tilespmem:s13], [sflag:$0x1] =	stream.indirect.gather [hbm4b:s3+s12], $0x80, s2, s12, $0xb8;
	[tilespmem:$0x5100] =	vst v63  }
0x17: {  	_ = 	snop  }
0x18: {  	[tilespmem:s14], [sflag:$0x1] =	stream.indirect.gather [hbm4b:s4+s12], $0x80, s11, s12, $0xb8;
	[tilespmem:$0x5100] =	vst v63  }
0x19: {  	_ =	swait.ge [sflag:s15], $0x2800  }
0x1a: {  	[sflag:s15] =	ssyncset.done $0x0  }
0x1b: {  	[sflag:s15] =	ssyncadd.s32 $0xFFFFD800  }
0x1c: {  	_ =	swait.ge [sflag:s15], $0x2800  }
0x1d: {  	[sflag:s15] =	ssyncset.done $0x0  }
0x1e: {  	[sflag:s15] =	ssyncadd.s32 $0xFFFFD800  }
0x1f: {  	[hbm4b:s6+s2] =	stream.linear.scatter [tilespmem:s13], [sflag:$0x2], $0x2800, $0x38;
	[tilespmem:$0x5100] =	vst v63  }
0x20: {  	_ =	swait.ge [sflag:s10], $0x2800  }
0x21: {  	[sflag:s10] =	ssyncset.done $0x0  }
0x22: {  	[sflag:s10] =	ssyncadd.s32 $0xFFFFD800  }
0x23: {  	[hbm4b:s7+s2] =	stream.linear.scatter [tilespmem:s14], [sflag:$0x2], $0x2800, $0x38;
	[tilespmem:$0x5100] =	vst v63  }
0x24: {  	s19 =	simm.s32 $0xA;
	s20 =	simm.s32 $0x14;
	_ =	swait.ge [sflag:s10], $0x2800  }
0x25: {  	s18 =	sadd.s32 $0x500, s6;
	s17 =	sadd.s32 $0x500, s7;
	[sflag:s10] =	ssyncset.done $0x0  }
.LBB2_2:
0x26: {  	s21 =	sadd.s32 s19, s9  }
0x27: {  	[sflag:s10] =	ssyncadd.s32 $0xFFFFD800;
	s22 =	smov.u32 s20;
	s23 =	sadd.s32 $0xA, s20  }
0x28: {  	[tilespmem:s2], [sflag:$0x2] =	stream.linear.gather [hbm4b:s21+s2], $0x50, $0x38;
	[tilespmem:$0x5100] =	vst v63  }
0x29: {  	p0 =	sne.s32 s20, $0x10E;
	_ =	swait.ge [sflag:s10], $0x50  }
0x2a: {  	[sflag:s10] =	ssyncset.done $0x0  }
0x2b: {  	s20 =	sadd.s32 s19, s8;
	s19 =	smov.u32 s22;
	[sflag:s10] =	ssyncadd.s32 $0xFFFFFFB0  }
0x2c: {  	[tilespmem:s11], [sflag:$0x2] =	stream.linear.gather [hbm4b:s20+s2], $0x50, $0x38;
	[tilespmem:$0x5100] =	vst v63  }
0x2d: {  	_ =	swait.ge [sflag:s10], $0x50  }
0x2e: {  	[sflag:s10] =	ssyncset.done $0x0  }
0x2f: {  	[sflag:s10] =	ssyncadd.s32 $0xFFFFFFB0  }
0x30: {  	[tilespmem:s13], [sflag:$0x1] =	stream.indirect.gather [hbm4b:s3+s12], $0x80, s2, s12, $0xb8;
	[tilespmem:$0x5100] =	vst v63  }
0x31: {  	_ = 	snop  }
0x32: {  	[tilespmem:s14], [sflag:$0x1] =	stream.indirect.gather [hbm4b:s4+s12], $0x80, s11, s12, $0xb8;
	[tilespmem:$0x5100] =	vst v63  }
0x33: {  	_ =	swait.ge [sflag:s15], $0x2800  }
0x34: {  	[sflag:s15] =	ssyncset.done $0x0  }
0x35: {  	[sflag:s15] =	ssyncadd.s32 $0xFFFFD800  }
0x36: {  	_ =	swait.ge [sflag:s15], $0x2800  }
0x37: {  	[sflag:s15] =	ssyncset.done $0x0  }
0x38: {  	[sflag:s15] =	ssyncadd.s32 $0xFFFFD800  }
0x39: {  	[hbm4b:s18+s2] =	stream.linear.scatter [tilespmem:s13], [sflag:$0x2], $0x2800, $0x38;
	[tilespmem:$0x5100] =	vst v63  }
0x3a: {  	_ =	swait.ge [sflag:s10], $0x2800  }
.Ltmp0:
0x3b: {  	[sflag:s10] =	ssyncset.done $0x0;
	(pc) =	sbr.rel @p0 .LBB2_2-.Ltmp0, $4  }
0x3c: {  	[sflag:s10] =	ssyncadd.s32 $0xFFFFD800  }
0x3d: {  	[hbm4b:s17+s2] =	stream.linear.scatter [tilespmem:s14], [sflag:$0x2], $0x2800, $0x38;
	[tilespmem:$0x5100] =	vst v63  }
0x3e: {  	s20 =	smov.u32 s23;
	_ =	swait.ge [sflag:s10], $0x2800  }
0x3f: {  	s18 =	sadd.s32 $0x500, s18;
	s17 =	sadd.s32 $0x500, s17;
	[sflag:s10] =	ssyncset.done $0x0  }
0x40: {  	s20 =	sadd.s32 s19, s9;
	[sflag:s10] =	ssyncadd.s32 $0xFFFFD800  }
0x41: {  	[tilespmem:s2], [sflag:$0x2] =	stream.linear.gather [hbm4b:s20+s2], $0x50, $0x38;
	[tilespmem:$0x5100] =	vst v63  }
0x42: {  	_ =	swait.ge [sflag:s10], $0x50  }
0x43: {  	[sflag:s10] =	ssyncset.done $0x0  }
0x44: {  	s31 =	sadd.s32 s19, s8;
	[sflag:s10] =	ssyncadd.s32 $0xFFFFFFB0  }
0x45: {  	[tilespmem:s11], [sflag:$0x2] =	stream.linear.gather [hbm4b:s31+s2], $0x50, $0x38;
	[tilespmem:$0x5100] =	vst v63  }
0x46: {  	_ =	swait.ge [sflag:s10], $0x50  }
0x47: {  	[sflag:s10] =	ssyncset.done $0x0  }
0x48: {  	[sflag:s10] =	ssyncadd.s32 $0xFFFFFFB0  }
0x49: {  	[tilespmem:s13], [sflag:$0x1] =	stream.indirect.gather [hbm4b:s3+s12], $0x80, s2, s12, $0xb8;
	[tilespmem:$0x5100] =	vst v63  }
0x4a: {  	_ = 	snop  }
0x4b: {  	[tilespmem:s14], [sflag:$0x1] =	stream.indirect.gather [hbm4b:s4+s12], $0x80, s11, s12, $0xb8;
	[tilespmem:$0x5100] =	vst v63  }
0x4c: {  	_ =	swait.ge [sflag:s15], $0x2800  }
0x4d: {  	[sflag:s15] =	ssyncset.done $0x0  }
0x4e: {  	[sflag:s15] =	ssyncadd.s32 $0xFFFFD800  }
0x4f: {  	_ =	swait.ge [sflag:s15], $0x2800  }
0x50: {  	[sflag:s15] =	ssyncset.done $0x0  }
0x51: {  	[sflag:s15] =	ssyncadd.s32 $0xFFFFD800  }
0x52: {  	[hbm4b:s18+s2] =	stream.linear.scatter [tilespmem:s13], [sflag:$0x2], $0x2800, $0x38;
	[tilespmem:$0x5100] =	vst v63  }
0x53: {  	s16 =	sadd.s32 $0x1, s16;
	_ =	swait.ge [sflag:s10], $0x2800  }
0x54: {  	p0 =	sne.s32 s16, s5;
	[sflag:s10] =	ssyncset.done $0x0  }
.Ltmp1:
0x55: {  	[sflag:s10] =	ssyncadd.s32 $0xFFFFD800;
	(pc) =	sbr.rel @p0 .LBB2_1-.Ltmp1, $4  }
0x56: {  	[hbm4b:s17+s2] =	stream.linear.scatter [tilespmem:s14], [sflag:$0x2], $0x2800, $0x38;
	[tilespmem:$0x5100] =	vst v63  }
0x57: {  	_ =	swait.ge [sflag:s10], $0x2800  }
0x58: {  	[sflag:s10] =	ssyncset.done $0x0  }
0x59: {  	[sflag:s10] =	ssyncadd.s32 $0xFFFFD800  }
0x5a: {  	_ =	sfence.sel $0x180000  }
0x5b: {  	[bflag:$0x0] =	sbarrier.arrive $0xFFFF  }
0x5c: {  	p0 =	sne.s32 s1, $0x0;
	_ =	strace $0x90000053  }
0x5d: {  	s0 =	sadd.s32 @!p0 $0x100000, s0;
	[bflag:$0x2] =	sbarrier.arrive $0xFFFF  }
0x5e: {  	[sflag:s0] =	ssyncadd.tile.s32 @!p0 $0x1;
	_ =	shalt  }
.Lfunc_end2:
_tile_overlayer_lowered:
.L_overlay_start_2:
0x5f: {  	(tag) =	ssettag $0x2  }
0x60: {  	s0 =	rddreg [dreg:$0x0];
	s2 =	stileid.u32  }
0x61: {  	s1 =	rddreg [dreg:$0x1];
	p0 =	sne.s32 s2, $0x0  }
0x62: {  	s3 =	rddreg [dreg:$0x2];
	[bflag:$0x3] =	sbarrier.arrive $0xFFFF;
	s2 =	simm.s32 @!p0 $0x1C02  }
0x63: {  	[timem:s3], [sflag:s2] =	dma.local @!p0 [hbm:s0], s1  }
0x64: {  	s0 =	simm.s32 @!p0 $0x2  }
0x65: {  	_ =	swait.ge @!p0 [sflag:s0], s1  }
0x66: {  	s1 =	ssub.s32 @!p0 $0x0, s1;
	[sflag:s0] =	ssyncset.done @!p0 $0x0  }
0x67: {  	[sflag:s0] =	ssyncadd.s32 @!p0 s1  }
0x68: {  	[bflag:$0x3] =	sbarrier.arrive $0xFFFF  }
0x69: {  	_ =	shalt  }

</sc_bundles>
